<compile_context>
chip_gen: v7x
topology: tpu7x:2x2x1
jax: 0.10.2.dev20260603
libtpu: 0.0.44.dev20260713+nightly
codegen_flags: <defaults>
</compile_context>

<pallas_src>
import functools

import jax
import jax.numpy as jnp
from jax import lax
from jax.experimental import pallas as pl
from jax.experimental.pallas import tpu as pltpu
from jax.experimental.pallas import tpu_sc as plsc

G = 100000
D = 32
B = 16384
EPS = 1e-7

NC = 2
NS = 16
L = 16
NW = NC * NS
BPW = B // NW
CHUNK = 128
NCHUNK = BPW // CHUNK

Q = 25600
RROWS = 2 * Q

BLKC = 5120
TCGRID = Q // BLKC


def _loc_of(x):
    return EPS + 1.0 / (1.0 + jnp.exp(-x))


def _scale_of(x):
    return EPS + jnp.maximum(x, 0.0) + jnp.log(1.0 + jnp.exp(-jnp.abs(x)))


def _pack16(x):
    b = lax.bitcast_convert_type(
        x.astype(jnp.bfloat16), jnp.uint16).astype(jnp.uint32)
    w = b[0:16, :] | (b[16:32, :] << 16)
    return lax.bitcast_convert_type(w, jnp.float32)


def _tc_prep_body(ul0, us0, ul1, us1, ul2, us2, ul3, us3, c_ref):
    srcs = []
    for ulr, usr in ((ul0, us0), (ul1, us1), (ul2, us2), (ul3, us3)):
        srcs.append(_pack16(_loc_of(ulr[...])))
        srcs.append(_pack16(_scale_of(usr[...])))
    for c in range(BLKC // 128):
        lo, hi = c * 128, (c + 1) * 128
        sq = jnp.concatenate([s[:, lo:hi] for s in srcs], axis=0)
        c_ref[pl.ds(c * 128 * 128, 128 * 128)] = sq.T.reshape(128 * 128)


def _in_spec(r):
    return pl.BlockSpec((32, BLKC), lambda i, _r=r: (0, i + _r * TCGRID))


_tc_prep = pl.pallas_call(
    _tc_prep_body,
    grid=(TCGRID,),
    in_specs=[_in_spec(r) for r in (0, 0, 1, 1, 2, 2, 3, 3)],
    out_specs=pl.BlockSpec((BLKC * 128,), lambda i: (i,)),
    out_shape=jax.ShapeDtypeStruct((RROWS * 64,), jnp.float32),
)


NZBLK = 2048


def _nz_prep_body(n0, n1, n2, n3, it_ref, nz_ref, idx_ref):
    qs = [n0[...], n1[...], n2[...], n3[...]]
    for c in range(NZBLK // 128):
        lo, hi = c * 128, (c + 1) * 128
        sq = jnp.concatenate([q[:, lo:hi] for q in qs], axis=0)
        nz_ref[lo:hi, :] = sq.T
    idx_ref[...] = it_ref[...].reshape(B // 2)


_nz_prep = pl.pallas_call(
    _nz_prep_body,
    grid=(2,),
    in_specs=[
        pl.BlockSpec((32, NZBLK), lambda i: (0, i)),
        pl.BlockSpec((32, NZBLK), lambda i: (0, i + 2)),
        pl.BlockSpec((32, NZBLK), lambda i: (0, i + 4)),
        pl.BlockSpec((32, NZBLK), lambda i: (0, i + 6)),
        pl.BlockSpec((1, B // 2), lambda i: (0, i)),
    ],
    out_specs=[
        pl.BlockSpec((NZBLK, 128), lambda i: (i, 0)),
        pl.BlockSpec((B // 2,), lambda i: (i,)),
    ],
    out_shape=[
        jax.ShapeDtypeStruct((B // 4, 128), jnp.float32),
        jax.ShapeDtypeStruct((B,), jnp.int32),
    ],
)


def _region(v):
    q1 = (v >= Q).astype(jnp.int32)
    q2 = (v >= 2 * Q).astype(jnp.int32)
    q3 = (v >= 3 * Q).astype(jnp.int32)
    return q1 + q2 + q3


def _sc_body(idx_hbm, c_hbm, nz_hbm, out_hbm,
             idx_v, idx2_v, c_v, nz_v, out_v, sems, nsem):
    wid = lax.axis_index("s") * NC + lax.axis_index("c")

    pltpu.sync_copy(idx_hbm.at[pl.ds(wid * BPW, BPW)], idx_v)
    nz_copy = pltpu.async_copy(
        nz_hbm.at[pl.ds((wid % 8) * BPW, BPW),
                  pl.ds((wid // 8) * D, D)], nz_v, nsem)

    @plsc.parallel_loop(0, BPW, step=L)
    def _mkidx(i):
        v = idx_v[pl.ds(i, L)]
        q = _region(v)
        y = v - q * Q
        idx2_v[pl.ds(i, L)] = 2 * y + lax.shift_right_logical(q, 1)

    def fire(c):
        par = c % 2
        return pltpu.async_copy(
            c_hbm.at[idx2_v.at[pl.ds(c * CHUNK, CHUNK)]],
            c_v.at[pl.ds(par * CHUNK, CHUNK), :],
            sems[par])

    lane = lax.iota(jnp.int32, L)
    pending = {0: fire(0), 1: fire(1)}
    nz_copy.wait()

    for c in range(NCHUNK):
        pending.pop(c).wait()
        par = c % 2

        @plsc.parallel_loop(0, CHUNK, step=1, unroll=2)
        def _row(j, _c=c, _par=par):
            jg = _c * CHUNK + j
            gi = plsc.load_gather(idx_v, [jnp.full((L,), jg, jnp.int32)])
            base = (_region(gi) & 1) * 32 + lane
            row16 = jnp.full((L,), _par * CHUNK + j, jnp.int32)
            locp = plsc.load_gather(c_v, [row16, base])
            sclp = plsc.load_gather(c_v, [row16, base + L])
            la, lb = plsc.unpack(
                plsc.bitcast(locp, jnp.bfloat16),
                format=plsc.PackFormat.INTERLEAVED,
                preferred_element_type=jnp.float32)
            sa, sb = plsc.unpack(
                plsc.bitcast(sclp, jnp.bfloat16),
                format=plsc.PackFormat.INTERLEAVED,
                preferred_element_type=jnp.float32)
            j16 = jnp.full((L,), j, jnp.int32)
            chunk16 = jnp.full((L,), _c, jnp.int32)
            i16 = lax.shift_right_logical(lane, 3)
            s16 = lane & 7
            plsc.store_scatter(
                out_v, [i16, chunk16, s16, j16],
                la + sa * nz_v[jg, pl.ds(0, L)])
            plsc.store_scatter(
                out_v, [i16 + 2, chunk16, s16, j16],
                lb + sb * nz_v[jg, pl.ds(L, L)])

        if c + 2 < NCHUNK:
            pending[c + 2] = fire(c + 2)

    pltpu.sync_copy(out_v, out_hbm.at[:, pl.ds(NCHUNK * wid, NCHUNK), :, :])


@functools.partial(
    pl.kernel,
    out_type=jax.ShapeDtypeStruct((4, B // CHUNK, 8, CHUNK), jnp.float32),
    mesh=plsc.VectorSubcoreMesh(core_axis_name="c", subcore_axis_name="s"),
    compiler_params=pltpu.CompilerParams(
        use_tc_tiling_on_sc=False, needs_layout_passes=False),
    scratch_types=[
        pltpu.VMEM((BPW,), jnp.int32),
        pltpu.VMEM((BPW,), jnp.int32),
        pltpu.VMEM((2 * CHUNK, 64), jnp.float32),
        pltpu.VMEM((BPW, D), jnp.float32),
        pltpu.VMEM((4, NCHUNK, 8, CHUNK), jnp.float32),
        [pltpu.SemaphoreType.DMA, pltpu.SemaphoreType.DMA],
        pltpu.SemaphoreType.DMA,
    ],
)
def _sc_kernel(idx_hbm, c_hbm, nz_hbm, out_hbm,
               idx_v, idx2_v, c_v, nz_v, out_v, sems, nsem):
    _sc_body(idx_hbm, c_hbm, nz_hbm, out_hbm,
             idx_v, idx2_v, c_v, nz_v, out_v, sems, nsem)


def kernel(inputs, untransformed_loc, untransformed_scale, noise):
    ul_t = untransformed_loc.T
    us_t = untransformed_scale.T
    comb = _tc_prep(ul_t, us_t, ul_t, us_t,
                    ul_t, us_t, ul_t, us_t).reshape(RROWS, 64)
    nz_t = noise.T
    nz2, idx = _nz_prep(nz_t, nz_t, nz_t, nz_t, inputs.T)
    out4 = _sc_kernel(idx, comb, nz2)
    return jnp.transpose(out4, (1, 3, 0, 2)).reshape(B, D)

# --- scband reference (transcript-rebuilt; emitter-appended) ---
"""Pipeline reference for scband-group-attention-variational-74191265071393 (READ-ONLY COPY).

The authoritative reference and input builder live on the scoring server;
editing this copy changes nothing except your own understanding.
"""

import jax, jax.numpy as jnp
import numpy as np

G = 100000
D = 32
B = 16384
EPS = 1e-7  # K.epsilon()


def setup_inputs(seed: int = 0) -> dict:
    key = jax.random.key(seed)
    k1, k2, k3, k4 = jax.random.split(key, 4)
    inputs = jax.random.randint(k1, (B, 1), 0, G, dtype=jnp.int32)
    # RandomNormal(mean=0.01, stddev=0.05) for untransformed_loc
    untransformed_loc = 0.01 + 0.05 * jax.random.normal(k2, (G, D), dtype=jnp.float32)
    # RandomNormal(mean=-3.0, stddev=0.1) for untransformed_scale
    untransformed_scale = -3.0 + 0.1 * jax.random.normal(k3, (G, D), dtype=jnp.float32)
    # standard normal sample used by affine_dist.sample()
    noise = jax.random.normal(k4, (B, D), dtype=jnp.float32)
    return {
        "inputs": inputs,
        "untransformed_loc": untransformed_loc,
        "untransformed_scale": untransformed_scale,
        "noise": noise,
    }


def reference(inputs, untransformed_loc, untransformed_scale, noise):
    # group_id = inputs[:, 0]
    group_id = inputs[:, 0]
    # DeferredTensor transforms: loc = eps + sigmoid(u_loc), scale = eps + softplus(u_scale)
    # gather-then-transform is mathematically identical to transform-then-gather (elementwise)
    ul_g = jnp.take(untransformed_loc, group_id, axis=0)
    us_g = jnp.take(untransformed_scale, group_id, axis=0)
    inputs_loc = EPS + jax.nn.sigmoid(ul_g)
    inputs_scale = EPS + jax.nn.softplus(us_g)
    # affine_dist = Normal(loc=0, scale=inputs_scale); sample = inputs_scale * noise
    outputs = inputs_loc + inputs_scale * noise
    return outputs

if __name__ == "__main__":
    import jax
    _d = setup_inputs()
    print(jax.jit(kernel)(*tuple(_d.values())))

</pallas_src>

<mosaic_0001>
#map = affine_map<(d0, d1) -> (0)>
#map1 = affine_map<(d0, d1) -> (0, 0)>
#map2 = affine_map<(d0, d1) -> (0, 0, 0, 0)>
module attributes {stable_mosaic.version = 14 : i64} {
  func.func @_sc_kernel(%arg0: i32, %arg1: i32, %arg2: memref<16384xi32, #tpu.memory_space<hbm>>, %arg3: memref<51200x64xf32, #tpu.memory_space<hbm>>, %arg4: memref<4096x128xf32, #tpu.memory_space<hbm>>, %arg5: memref<4x128x8x128xf32, #tpu.memory_space<hbm>>, %arg6: memref<512xi32, #tpu.memory_space<vmem>>, %arg7: memref<512xi32, #tpu.memory_space<vmem>>, %arg8: memref<256x64xf32, #tpu.memory_space<vmem>>, %arg9: memref<512x32xf32, #tpu.memory_space<vmem>>, %arg10: memref<4x4x8x128xf32, #tpu.memory_space<vmem>>, %arg11: memref<!tpu.dma_semaphore, #tpu.memory_space<semaphore_mem>>, %arg12: memref<!tpu.dma_semaphore, #tpu.memory_space<semaphore_mem>>, %arg13: memref<!tpu.dma_semaphore, #tpu.memory_space<semaphore_mem>>) attributes {dimension_semantics = [#tpu.dimension_semantics<core_parallel>, #tpu.dimension_semantics<subcore_parallel>], iteration_bounds = array<i64: 2, 16>, scalar_prefetch = 0 : i64, scratch_operands = 8 : i64, tpu.core_type = #tpu.core_type<sc_vector_subcore>, window_params = [{transform_indices = #map}, {transform_indices = #map1}, {transform_indices = #map1}, {transform_indices = #map2}]} {
    %mul3A = arith.constant 2 : i32
    %mul3A_0 = arith.muli %arg1, %mul3A : i32
    %add3A = arith.addi %mul3A_0, %arg0 : i32
    %mul3A_1 = arith.constant 512 : i32
    %mul3A_2 = arith.muli %add3A, %mul3A_1 : i32
    "tpu.region"() ({
      %run_scoped3A = tpu.sem_alloc : memref<!tpu.dma_semaphore, #tpu.memory_space<semaphore_mem>>
      %dma_start3A_119 = tpu.memref_slice %arg2[%mul3A_2] : memref<16384xi32, #tpu.memory_space<hbm>> -> memref<512xi32, #tpu.memory_space<hbm>>
      %dma_start3A_120 = tpu.memref_slice %arg2[%mul3A_2] : memref<16384xi32, #tpu.memory_space<hbm>> -> memref<512xi32, #tpu.memory_space<hbm>>
      tpu.enqueue_dma source(%dma_start3A_120 : memref<512xi32, #tpu.memory_space<hbm>>) target(%arg6 : memref<512xi32, #tpu.memory_space<vmem>>) target_semaphore(%run_scoped3A : memref<!tpu.dma_semaphore, #tpu.memory_space<semaphore_mem>>)
      %dma_wait3A_121 = tpu.memref_slice %arg2[%mul3A_2] : memref<16384xi32, #tpu.memory_space<hbm>> -> memref<512xi32, #tpu.memory_space<hbm>>
      %dma_wait3A_122 = tpu.memref_slice %arg2[%mul3A_2] : memref<16384xi32, #tpu.memory_space<hbm>> -> memref<512xi32, #tpu.memory_space<hbm>>
      tpu.wait_dma2 semaphore(%run_scoped3A : memref<!tpu.dma_semaphore, #tpu.memory_space<semaphore_mem>>) src(%dma_wait3A_122 : memref<512xi32, #tpu.memory_space<hbm>>) dst(%arg6 : memref<512xi32, #tpu.memory_space<vmem>>)
      tpu.yield
    }) : () -> ()
    %jit3A = arith.constant 8 : i32
    %eq3A = arith.constant 0 : i32
    %eq3A_3 = arith.cmpi eq, %jit3A, %eq3A : i32
    %jit3A_4 = arith.constant 1 : i32
    %select_n3A = arith.select %eq3A_3, %jit3A_4, %jit3A : i32
    %rem3A = arith.remsi %add3A, %select_n3A : i32
    %ne3A = arith.constant 0 : i32
    %ne3A_5 = arith.cmpi ne, %rem3A, %ne3A : i32
    %lt3A = arith.constant 0 : i32
    %lt3A_6 = arith.cmpi slt, %rem3A, %lt3A : i32
    %lt3A_7 = arith.constant 0 : i32
    %lt3A_8 = arith.cmpi slt, %select_n3A, %lt3A_7 : i32
    %ne3A_9 = arith.xori %lt3A_6, %lt3A_8 : i1
    %and3A = arith.andi %ne3A_9, %ne3A_5 : i1
    %add3A_10 = arith.addi %rem3A, %select_n3A : i32
    %select_n3A_11 = arith.select %and3A, %add3A_10, %rem3A : i32
    %mul3A_12 = arith.constant 512 : i32
    %mul3A_13 = arith.muli %select_n3A_11, %mul3A_12 : i32
    %jit3A_14 = arith.constant 8 : i32
    %div3A = arith.divsi %add3A, %jit3A_14 : i32
    %sign3A = arith.constant 0 : i32
    %sign3A_15 = arith.cmpi sgt, %add3A, %sign3A : i32
    %sign3A_16 = arith.extui %sign3A_15 : i1 to i32
    %sign3A_17 = arith.constant 0 : i32
    %sign3A_18 = arith.cmpi slt, %add3A, %sign3A_17 : i32
    %sign3A_19 = arith.extui %sign3A_18 : i1 to i32
    %sign3A_20 = arith.subi %sign3A_16, %sign3A_19 : i32
    %sign3A_21 = arith.constant 0 : i32
    %sign3A_22 = arith.cmpi sgt, %jit3A_14, %sign3A_21 : i32
    %sign3A_23 = arith.extui %sign3A_22 : i1 to i32
    %sign3A_24 = arith.constant 0 : i32
    %sign3A_25 = arith.cmpi slt, %jit3A_14, %sign3A_24 : i32
    %sign3A_26 = arith.extui %sign3A_25 : i1 to i32
    %sign3A_27 = arith.subi %sign3A_23, %sign3A_26 : i32
    %ne3A_28 = arith.cmpi ne, %sign3A_20, %sign3A_27 : i32
    %rem3A_29 = arith.remsi %add3A, %jit3A_14 : i32
    %ne3A_30 = arith.constant 0 : i32
    %ne3A_31 = arith.cmpi ne, %rem3A_29, %ne3A_30 : i32
    %and3A_32 = arith.andi %ne3A_28, %ne3A_31 : i1
    %sub3A = arith.constant 1 : i32
    %sub3A_33 = arith.subi %div3A, %sub3A : i32
    %select_n3A_34 = arith.select %and3A_32, %sub3A_33, %div3A : i32
    %mul3A_35 = arith.constant 32 : i32
    %mul3A_36 = arith.muli %select_n3A_34, %mul3A_35 : i32
    %dma_start3A = tpu.memref_slice %arg4[%mul3A_13, %mul3A_36] : memref<4096x128xf32, #tpu.memory_space<hbm>> -> memref<512x32xf32, #tpu.memory_space<hbm>>
    %dma_start3A_37 = tpu.memref_slice %arg4[%mul3A_13, %mul3A_36] : memref<4096x128xf32, #tpu.memory_space<hbm>> -> memref<512x32xf32, #tpu.memory_space<hbm>>
    tpu.enqueue_dma source(%dma_start3A_37 : memref<512x32xf32, #tpu.memory_space<hbm>>) target(%arg9 : memref<512x32xf32, #tpu.memory_space<vmem>>) target_semaphore(%arg13 : memref<!tpu.dma_semaphore, #tpu.memory_space<semaphore_mem>>)
    %parallel_loop3A = arith.constant 0 : i32
    %parallel_loop3A_38 = arith.constant 512 : i32
    %parallel_loop3A_39 = arith.constant 16 : i32
    scf.for %parallel_loop3A_119 = %parallel_loop3A to %parallel_loop3A_38 step %parallel_loop3A_39  : i32 {
      %parallel_loop3A_120 = arith.index_cast %parallel_loop3A_119 : i32 to index
      %parallel_loop3A_121 = tpu.vector_load %arg6[%parallel_loop3A_120] {strides = array<i32>} : memref<512xi32, #tpu.memory_space<vmem>>, vector<16xi32>,
      %parallel_loop3A_122 = arith.constant 25600 : i32
      %parallel_loop3A_123 = vector.broadcast %parallel_loop3A_122 : i32 to vector<16xi32>
      %parallel_loop3A_124 = arith.cmpi sge, %parallel_loop3A_121, %parallel_loop3A_123 : vector<16xi32>
      %parallel_loop3A_125 = arith.extui %parallel_loop3A_124 : vector<16xi1> to vector<16xi32>
      %parallel_loop3A_126 = arith.constant 51200 : i32
      %parallel_loop3A_127 = vector.broadcast %parallel_loop3A_126 : i32 to vector<16xi32>
      %parallel_loop3A_128 = arith.cmpi sge, %parallel_loop3A_121, %parallel_loop3A_127 : vector<16xi32>
      %parallel_loop3A_129 = arith.extui %parallel_loop3A_128 : vector<16xi1> to vector<16xi32>
      %parallel_loop3A_130 = arith.constant 76800 : i32
      %parallel_loop3A_131 = vector.broadcast %parallel_loop3A_130 : i32 to vector<16xi32>
      %parallel_loop3A_132 = arith.cmpi sge, %parallel_loop3A_121, %parallel_loop3A_131 : vector<16xi32>
      %parallel_loop3A_133 = arith.extui %parallel_loop3A_132 : vector<16xi1> to vector<16xi32>
      %parallel_loop3A_134 = arith.addi %parallel_loop3A_125, %parallel_loop3A_129 : vector<16xi32>
      %parallel_loop3A_135 = arith.addi %parallel_loop3A_134, %parallel_loop3A_133 : vector<16xi32>
      %parallel_loop3A_136 = arith.constant 25600 : i32
      %parallel_loop3A_137 = vector.broadcast %parallel_loop3A_136 : i32 to vector<16xi32>
      %parallel_loop3A_138 = arith.muli %parallel_loop3A_135, %parallel_loop3A_137 : vector<16xi32>
      %parallel_loop3A_139 = arith.subi %parallel_loop3A_121, %parallel_loop3A_138 : vector<16xi32>
      %parallel_loop3A_140 = arith.constant 2 : i32
      %parallel_loop3A_141 = vector.broadcast %parallel_loop3A_140 : i32 to vector<16xi32>
      %parallel_loop3A_142 = arith.muli %parallel_loop3A_141, %parallel_loop3A_139 : vector<16xi32>
      %parallel_loop3A_143 = arith.constant 1 : i32
      %parallel_loop3A_144 = vector.broadcast %parallel_loop3A_143 : i32 to vector<16xi32>
      %parallel_loop3A_145 = arith.shrui %parallel_loop3A_135, %parallel_loop3A_144 : vector<16xi32>
      %parallel_loop3A_146 = arith.addi %parallel_loop3A_142, %parallel_loop3A_145 : vector<16xi32>
      %parallel_loop3A_147 = arith.index_cast %parallel_loop3A_119 : i32 to index
      %parallel_loop3A_148 = tpu.vector_load %arg7[%parallel_loop3A_147] {strides = array<i32>} : memref<512xi32, #tpu.memory_space<vmem>>, vector<16xi32>,
      tpu.vector_store %arg7[%parallel_loop3A_147], %parallel_loop3A_146 {strides = array<i32>} : memref<512xi32, #tpu.memory_space<vmem>>, vector<16xi32>,
    } {sc.loop_unroll_factor = 1 : i64, sc.parallel_access}
    %iota3A = tpu.iota {dimensions = array<i32: 0>} : vector<16xi32>
    %dma_start3A_40 = arith.constant 0 : i32
    %dma_start3A_41 = arith.constant 0 : i32
    %dma_start3A_42 = tpu.memref_slice %arg8[%dma_start3A_40, %dma_start3A_41] : memref<256x64xf32, #tpu.memory_space<vmem>> -> memref<128x64xf32, #tpu.memory_space<vmem>>
    %dma_start3A_43 = arith.constant 0 : i32
    %dma_start3A_44 = tpu.memref_slice %arg7[%dma_start3A_43] : memref<512xi32, #tpu.memory_space<vmem>> -> memref<128xi32, #tpu.memory_space<vmem>>
    %dma_start3A_45 = arith.constant 0 : i32
    %dma_start3A_46 = arith.constant 0 : i32
    %dma_start3A_47 = tpu.memref_slice %arg3[%dma_start3A_45, %dma_start3A_46] : memref<51200x64xf32, #tpu.memory_space<hbm>> -> memref<51200x64xf32, #tpu.memory_space<hbm>>
    tpu.enqueue_indirect_dma source(%dma_start3A_47 : memref<51200x64xf32, #tpu.memory_space<hbm>>) target(%dma_start3A_42 : memref<128x64xf32, #tpu.memory_space<vmem>>) offsets(%dma_start3A_44 : memref<128xi32, #tpu.memory_space<vmem>>) semaphore(%arg11 : memref<!tpu.dma_semaphore, #tpu.memory_space<semaphore_mem>>)
    %dma_start3A_48 = arith.constant 128 : i32
    %dma_start3A_49 = arith.constant 0 : i32
    %dma_start3A_50 = tpu.memref_slice %arg8[%dma_start3A_48, %dma_start3A_49] : memref<256x64xf32, #tpu.memory_space<vmem>> -> memref<128x64xf32, #tpu.memory_space<vmem>>
    %dma_start3A_51 = arith.constant 128 : i32
    %dma_start3A_52 = tpu.memref_slice %arg7[%dma_start3A_51] : memref<512xi32, #tpu.memory_space<vmem>> -> memref<128xi32, #tpu.memory_space<vmem>>
    %dma_start3A_53 = arith.constant 0 : i32
    %dma_start3A_54 = arith.constant 0 : i32
    %dma_start3A_55 = tpu.memref_slice %arg3[%dma_start3A_53, %dma_start3A_54] : memref<51200x64xf32, #tpu.memory_space<hbm>> -> memref<51200x64xf32, #tpu.memory_space<hbm>>
    tpu.enqueue_indirect_dma source(%dma_start3A_55 : memref<51200x64xf32, #tpu.memory_space<hbm>>) target(%dma_start3A_50 : memref<128x64xf32, #tpu.memory_space<vmem>>) offsets(%dma_start3A_52 : memref<128xi32, #tpu.memory_space<vmem>>) semaphore(%arg12 : memref<!tpu.dma_semaphore, #tpu.memory_space<semaphore_mem>>)
    %dma_wait3A = tpu.memref_slice %arg4[%mul3A_13, %mul3A_36] : memref<4096x128xf32, #tpu.memory_space<hbm>> -> memref<512x32xf32, #tpu.memory_space<hbm>>
    %dma_wait3A_56 = tpu.memref_slice %arg4[%mul3A_13, %mul3A_36] : memref<4096x128xf32, #tpu.memory_space<hbm>> -> memref<512x32xf32, #tpu.memory_space<hbm>>
    tpu.wait_dma2 semaphore(%arg13 : memref<!tpu.dma_semaphore, #tpu.memory_space<semaphore_mem>>) src(%dma_wait3A_56 : memref<512x32xf32, #tpu.memory_space<hbm>>) dst(%arg9 : memref<512x32xf32, #tpu.memory_space<vmem>>)
    %dma_wait3A_57 = arith.constant 0 : i32
    %dma_wait3A_58 = arith.constant 0 : i32
    %dma_wait3A_59 = tpu.memref_slice %arg8[%dma_wait3A_57, %dma_wait3A_58] : memref<256x64xf32, #tpu.memory_space<vmem>> -> memref<128x64xf32, #tpu.memory_space<vmem>>
    %dma_wait3A_60 = arith.constant 0 : i32
    %dma_wait3A_61 = tpu.memref_slice %arg7[%dma_wait3A_60] : memref<512xi32, #tpu.memory_space<vmem>> -> memref<128xi32, #tpu.memory_space<vmem>>
    %dma_wait3A_62 = arith.constant 0 : i32
    %dma_wait3A_63 = arith.constant 0 : i32
    %dma_wait3A_64 = tpu.memref_slice %arg3[%dma_wait3A_62, %dma_wait3A_63] : memref<51200x64xf32, #tpu.memory_space<hbm>> -> memref<51200x64xf32, #tpu.memory_space<hbm>>
    tpu.wait_indirect_dma semaphore(%arg11 : memref<!tpu.dma_semaphore, #tpu.memory_space<semaphore_mem>>) src(%dma_wait3A_64 : memref<51200x64xf32, #tpu.memory_space<hbm>>) dst(%dma_wait3A_59 : memref<128x64xf32, #tpu.memory_space<vmem>>)
    %parallel_loop3A_65 = arith.constant 0 : i32
    %parallel_loop3A_66 = arith.constant 128 : i32
    %parallel_loop3A_67 = arith.constant 1 : i32
    scf.for %parallel_loop3A_119 = %parallel_loop3A_65 to %parallel_loop3A_66 step %parallel_loop3A_67  : i32 {
      %parallel_loop3A_120 = arith.constant 0 : i32
      %parallel_loop3A_121 = arith.addi %parallel_loop3A_120, %parallel_loop3A_119 : i32
      %parallel_loop3A_122 = vector.broadcast %parallel_loop3A_121 : i32 to vector<16xi32>
      %parallel_loop3A_123 = tpu.vector_load_idx %arg6[%parallel_loop3A_122] : memref<512xi32, #tpu.memory_space<vmem>>[vector<16xi32>], vector<16xi32>,
      %parallel_loop3A_124 = arith.constant 25600 : i32
      %parallel_loop3A_125 = vector.broadcast %parallel_loop3A_124 : i32 to vector<16xi32>
      %parallel_loop3A_126 = arith.cmpi sge, %parallel_loop3A_123, %parallel_loop3A_125 : vector<16xi32>
      %parallel_loop3A_127 = arith.extui %parallel_loop3A_126 : vector<16xi1> to vector<16xi32>
      %parallel_loop3A_128 = arith.constant 51200 : i32
      %parallel_loop3A_129 = vector.broadcast %parallel_loop3A_128 : i32 to vector<16xi32>
      %parallel_loop3A_130 = arith.cmpi sge, %parallel_loop3A_123, %parallel_loop3A_129 : vector<16xi32>
      %parallel_loop3A_131 = arith.extui %parallel_loop3A_130 : vector<16xi1> to vector<16xi32>
      %parallel_loop3A_132 = arith.constant 76800 : i32
      %parallel_loop3A_133 = vector.broadcast %parallel_loop3A_132 : i32 to vector<16xi32>
      %parallel_loop3A_134 = arith.cmpi sge, %parallel_loop3A_123, %parallel_loop3A_133 : vector<16xi32>
      %parallel_loop3A_135 = arith.extui %parallel_loop3A_134 : vector<16xi1> to vector<16xi32>
      %parallel_loop3A_136 = arith.addi %parallel_loop3A_127, %parallel_loop3A_131 : vector<16xi32>
      %parallel_loop3A_137 = arith.addi %parallel_loop3A_136, %parallel_loop3A_135 : vector<16xi32>
      %parallel_loop3A_138 = arith.constant 1 : i32
      %parallel_loop3A_139 = vector.broadcast %parallel_loop3A_138 : i32 to vector<16xi32>
      %parallel_loop3A_140 = arith.andi %parallel_loop3A_137, %parallel_loop3A_139 : vector<16xi32>
      %parallel_loop3A_141 = arith.constant 32 : i32
      %parallel_loop3A_142 = vector.broadcast %parallel_loop3A_141 : i32 to vector<16xi32>
      %parallel_loop3A_143 = arith.muli %parallel_loop3A_140, %parallel_loop3A_142 : vector<16xi32>
      %parallel_loop3A_144 = arith.addi %parallel_loop3A_143, %iota3A : vector<16xi32>
      %parallel_loop3A_145 = arith.constant 0 : i32
      %parallel_loop3A_146 = arith.addi %parallel_loop3A_145, %parallel_loop3A_119 : i32
      %parallel_loop3A_147 = vector.broadcast %parallel_loop3A_146 : i32 to vector<16xi32>
      %parallel_loop3A_148 = tpu.vector_load_idx %arg8[%parallel_loop3A_147, %parallel_loop3A_144] : memref<256x64xf32, #tpu.memory_space<vmem>>[vector<16xi32>, vector<16xi32>], vector<16xf32>,
      %parallel_loop3A_149 = arith.constant 16 : i32
      %parallel_loop3A_150 = vector.broadcast %parallel_loop3A_149 : i32 to vector<16xi32>
      %parallel_loop3A_151 = arith.addi %parallel_loop3A_144, %parallel_loop3A_150 : vector<16xi32>
      %parallel_loop3A_152 = tpu.vector_load_idx %arg8[%parallel_loop3A_147, %parallel_loop3A_151] : memref<256x64xf32, #tpu.memory_space<vmem>>[vector<16xi32>, vector<16xi32>], vector<16xf32>,
      %parallel_loop3A_153 = vector.bitcast %parallel_loop3A_148 : vector<16xf32> to vector<32xbf16>
      %parallel_loop3A_154 = tpu.unpack_subelements %parallel_loop3A_153, 0 {pack_format = #tpu.pack_format<interleaved>} : vector<32xbf16> -> vector<16xf32>
      %parallel_loop3A_155 = tpu.unpack_subelements %parallel_loop3A_153, 1 {pack_format = #tpu.pack_format<interleaved>} : vector<32xbf16> -> vector<16xf32>
      %parallel_loop3A_156 = vector.bitcast %parallel_loop3A_152 : vector<16xf32> to vector<32xbf16>
      %parallel_loop3A_157 = tpu.unpack_subelements %parallel_loop3A_156, 0 {pack_format = #tpu.pack_format<interleaved>} : vector<32xbf16> -> vector<16xf32>
      %parallel_loop3A_158 = tpu.unpack_subelements %parallel_loop3A_156, 1 {pack_format = #tpu.pack_format<interleaved>} : vector<32xbf16> -> vector<16xf32>
      %parallel_loop3A_159 = vector.broadcast %parallel_loop3A_119 : i32 to vector<16xi32>
      %parallel_loop3A_160 = arith.constant 0 : i32
      %parallel_loop3A_161 = vector.broadcast %parallel_loop3A_160 : i32 to vector<16xi32>
      %parallel_loop3A_162 = arith.constant 3 : i32
      %parallel_loop3A_163 = vector.broadcast %parallel_loop3A_162 : i32 to vector<16xi32>
      %parallel_loop3A_164 = arith.shrui %iota3A, %parallel_loop3A_163 : vector<16xi32>
      %parallel_loop3A_165 = arith.constant 7 : i32
      %parallel_loop3A_166 = vector.broadcast %parallel_loop3A_165 : i32 to vector<16xi32>
      %parallel_loop3A_167 = arith.andi %iota3A, %parallel_loop3A_166 : vector<16xi32>
      %parallel_loop3A_168 = arith.index_cast %parallel_loop3A_121 : i32 to index
      %parallel_loop3A_169 = arith.constant 0 : index
      %parallel_loop3A_170 = tpu.vector_load %arg9[%parallel_loop3A_168, %parallel_loop3A_169] {strides = array<i32>} : memref<512x32xf32, #tpu.memory_space<vmem>>, vector<16xf32>,
      %parallel_loop3A_171 = arith.mulf %parallel_loop3A_157, %parallel_loop3A_170 : vector<16xf32>
      %parallel_loop3A_172 = arith.addf %parallel_loop3A_154, %parallel_loop3A_171 : vector<16xf32>
      tpu.vector_store_idx %arg10[%parallel_loop3A_164, %parallel_loop3A_161, %parallel_loop3A_167, %parallel_loop3A_159], %parallel_loop3A_172 : memref<4x4x8x128xf32, #tpu.memory_space<vmem>>[vector<16xi32>, vector<16xi32>, vector<16xi32>, vector<16xi32>], vector<16xf32>,
      %parallel_loop3A_173 = arith.constant 2 : i32
      %parallel_loop3A_174 = vector.broadcast %parallel_loop3A_173 : i32 to vector<16xi32>
      %parallel_loop3A_175 = arith.addi %parallel_loop3A_164, %parallel_loop3A_174 : vector<16xi32>
      %parallel_loop3A_176 = arith.index_cast %parallel_loop3A_121 : i32 to index
      %parallel_loop3A_177 = arith.constant 16 : index
      %parallel_loop3A_178 = tpu.vector_load %arg9[%parallel_loop3A_176, %parallel_loop3A_177] {strides = array<i32>} : memref<512x32xf32, #tpu.memory_space<vmem>>, vector<16xf32>,
      %parallel_loop3A_179 = arith.mulf %parallel_loop3A_158, %parallel_loop3A_178 : vector<16xf32>
      %parallel_loop3A_180 = arith.addf %parallel_loop3A_155, %parallel_loop3A_179 : vector<16xf32>
      tpu.vector_store_idx %arg10[%parallel_loop3A_175, %parallel_loop3A_161, %parallel_loop3A_167, %parallel_loop3A_159], %parallel_loop3A_180 : memref<4x4x8x128xf32, #tpu.memory_space<vmem>>[vector<16xi32>, vector<16xi32>, vector<16xi32>, vector<16xi32>], vector<16xf32>,
    } {sc.loop_unroll_factor = 2 : i64, sc.parallel_access}
    %dma_start3A_68 = arith.constant 0 : i32
    %dma_start3A_69 = arith.constant 0 : i32
    %dma_start3A_70 = tpu.memref_slice %arg8[%dma_start3A_68, %dma_start3A_69] : memref<256x64xf32, #tpu.memory_space<vmem>> -> memref<128x64xf32, #tpu.memory_space<vmem>>
    %dma_start3A_71 = arith.constant 256 : i32
    %dma_start3A_72 = tpu.memref_slice %arg7[%dma_start3A_71] : memref<512xi32, #tpu.memory_space<vmem>> -> memref<128xi32, #tpu.memory_space<vmem>>
    %dma_start3A_73 = arith.constant 0 : i32
    %dma_start3A_74 = arith.constant 0 : i32
    %dma_start3A_75 = tpu.memref_slice %arg3[%dma_start3A_73, %dma_start3A_74] : memref<51200x64xf32, #tpu.memory_space<hbm>> -> memref<51200x64xf32, #tpu.memory_space<hbm>>
    tpu.enqueue_indirect_dma source(%dma_start3A_75 : memref<51200x64xf32, #tpu.memory_space<hbm>>) target(%dma_start3A_70 : memref<128x64xf32, #tpu.memory_space<vmem>>) offsets(%dma_start3A_72 : memref<128xi32, #tpu.memory_space<vmem>>) semaphore(%arg11 : memref<!tpu.dma_semaphore, #tpu.memory_space<semaphore_mem>>)
    %dma_wait3A_76 = arith.constant 128 : i32
    %dma_wait3A_77 = arith.constant 0 : i32
    %dma_wait3A_78 = tpu.memref_slice %arg8[%dma_wait3A_76, %dma_wait3A_77] : memref<256x64xf32, #tpu.memory_space<vmem>> -> memref<128x64xf32, #tpu.memory_space<vmem>>
    %dma_wait3A_79 = arith.constant 128 : i32
    %dma_wait3A_80 = tpu.memref_slice %arg7[%dma_wait3A_79] : memref<512xi32, #tpu.memory_space<vmem>> -> memref<128xi32, #tpu.memory_space<vmem>>
    %dma_wait3A_81 = arith.constant 0 : i32
    %dma_wait3A_82 = arith.constant 0 : i32
    %dma_wait3A_83 = tpu.memref_slice %arg3[%dma_wait3A_81, %dma_wait3A_82] : memref<51200x64xf32, #tpu.memory_space<hbm>> -> memref<51200x64xf32, #tpu.memory_space<hbm>>
    tpu.wait_indirect_dma semaphore(%arg12 : memref<!tpu.dma_semaphore, #tpu.memory_space<semaphore_mem>>) src(%dma_wait3A_83 : memref<51200x64xf32, #tpu.memory_space<hbm>>) dst(%dma_wait3A_78 : memref<128x64xf32, #tpu.memory_space<vmem>>)
    %parallel_loop3A_84 = arith.constant 0 : i32
    %parallel_loop3A_85 = arith.constant 128 : i32
    %parallel_loop3A_86 = arith.constant 1 : i32
    scf.for %parallel_loop3A_119 = %parallel_loop3A_84 to %parallel_loop3A_85 step %parallel_loop3A_86  : i32 {
      %parallel_loop3A_120 = arith.constant 128 : i32
      %parallel_loop3A_121 = arith.addi %parallel_loop3A_120, %parallel_loop3A_119 : i32
      %parallel_loop3A_122 = vector.broadcast %parallel_loop3A_121 : i32 to vector<16xi32>
      %parallel_loop3A_123 = tpu.vector_load_idx %arg6[%parallel_loop3A_122] : memref<512xi32, #tpu.memory_space<vmem>>[vector<16xi32>], vector<16xi32>,
      %parallel_loop3A_124 = arith.constant 25600 : i32
      %parallel_loop3A_125 = vector.broadcast %parallel_loop3A_124 : i32 to vector<16xi32>
      %parallel_loop3A_126 = arith.cmpi sge, %parallel_loop3A_123, %parallel_loop3A_125 : vector<16xi32>
      %parallel_loop3A_127 = arith.extui %parallel_loop3A_126 : vector<16xi1> to vector<16xi32>
      %parallel_loop3A_128 = arith.constant 51200 : i32
      %parallel_loop3A_129 = vector.broadcast %parallel_loop3A_128 : i32 to vector<16xi32>
      %parallel_loop3A_130 = arith.cmpi sge, %parallel_loop3A_123, %parallel_loop3A_129 : vector<16xi32>
      %parallel_loop3A_131 = arith.extui %parallel_loop3A_130 : vector<16xi1> to vector<16xi32>
      %parallel_loop3A_132 = arith.constant 76800 : i32
      %parallel_loop3A_133 = vector.broadcast %parallel_loop3A_132 : i32 to vector<16xi32>
      %parallel_loop3A_134 = arith.cmpi sge, %parallel_loop3A_123, %parallel_loop3A_133 : vector<16xi32>
      %parallel_loop3A_135 = arith.extui %parallel_loop3A_134 : vector<16xi1> to vector<16xi32>
      %parallel_loop3A_136 = arith.addi %parallel_loop3A_127, %parallel_loop3A_131 : vector<16xi32>
      %parallel_loop3A_137 = arith.addi %parallel_loop3A_136, %parallel_loop3A_135 : vector<16xi32>
      %parallel_loop3A_138 = arith.constant 1 : i32
      %parallel_loop3A_139 = vector.broadcast %parallel_loop3A_138 : i32 to vector<16xi32>
      %parallel_loop3A_140 = arith.andi %parallel_loop3A_137, %parallel_loop3A_139 : vector<16xi32>
      %parallel_loop3A_141 = arith.constant 32 : i32
      %parallel_loop3A_142 = vector.broadcast %parallel_loop3A_141 : i32 to vector<16xi32>
      %parallel_loop3A_143 = arith.muli %parallel_loop3A_140, %parallel_loop3A_142 : vector<16xi32>
      %parallel_loop3A_144 = arith.addi %parallel_loop3A_143, %iota3A : vector<16xi32>
      %parallel_loop3A_145 = arith.constant 128 : i32
      %parallel_loop3A_146 = arith.addi %parallel_loop3A_145, %parallel_loop3A_119 : i32
      %parallel_loop3A_147 = vector.broadcast %parallel_loop3A_146 : i32 to vector<16xi32>
      %parallel_loop3A_148 = tpu.vector_load_idx %arg8[%parallel_loop3A_147, %parallel_loop3A_144] : memref<256x64xf32, #tpu.memory_space<vmem>>[vector<16xi32>, vector<16xi32>], vector<16xf32>,
      %parallel_loop3A_149 = arith.constant 16 : i32
      %parallel_loop3A_150 = vector.broadcast %parallel_loop3A_149 : i32 to vector<16xi32>
      %parallel_loop3A_151 = arith.addi %parallel_loop3A_144, %parallel_loop3A_150 : vector<16xi32>
      %parallel_loop3A_152 = tpu.vector_load_idx %arg8[%parallel_loop3A_147, %parallel_loop3A_151] : memref<256x64xf32, #tpu.memory_space<vmem>>[vector<16xi32>, vector<16xi32>], vector<16xf32>,
      %parallel_loop3A_153 = vector.bitcast %parallel_loop3A_148 : vector<16xf32> to vector<32xbf16>
      %parallel_loop3A_154 = tpu.unpack_subelements %parallel_loop3A_153, 0 {pack_format = #tpu.pack_format<interleaved>} : vector<32xbf16> -> vector<16xf32>
      %parallel_loop3A_155 = tpu.unpack_subelements %parallel_loop3A_153, 1 {pack_format = #tpu.pack_format<interleaved>} : vector<32xbf16> -> vector<16xf32>
      %parallel_loop3A_156 = vector.bitcast %parallel_loop3A_152 : vector<16xf32> to vector<32xbf16>
      %parallel_loop3A_157 = tpu.unpack_subelements %parallel_loop3A_156, 0 {pack_format = #tpu.pack_format<interleaved>} : vector<32xbf16> -> vector<16xf32>
      %parallel_loop3A_158 = tpu.unpack_subelements %parallel_loop3A_156, 1 {pack_format = #tpu.pack_format<interleaved>} : vector<32xbf16> -> vector<16xf32>
      %parallel_loop3A_159 = vector.broadcast %parallel_loop3A_119 : i32 to vector<16xi32>
      %parallel_loop3A_160 = arith.constant 1 : i32
      %parallel_loop3A_161 = vector.broadcast %parallel_loop3A_160 : i32 to vector<16xi32>
      %parallel_loop3A_162 = arith.constant 3 : i32
      %parallel_loop3A_163 = vector.broadcast %parallel_loop3A_162 : i32 to vector<16xi32>
      %parallel_loop3A_164 = arith.shrui %iota3A, %parallel_loop3A_163 : vector<16xi32>
      %parallel_loop3A_165 = arith.constant 7 : i32
      %parallel_loop3A_166 = vector.broadcast %parallel_loop3A_165 : i32 to vector<16xi32>
      %parallel_loop3A_167 = arith.andi %iota3A, %parallel_loop3A_166 : vector<16xi32>
      %parallel_loop3A_168 = arith.index_cast %parallel_loop3A_121 : i32 to index
      %parallel_loop3A_169 = arith.constant 0 : index
      %parallel_loop3A_170 = tpu.vector_load %arg9[%parallel_loop3A_168, %parallel_loop3A_169] {strides = array<i32>} : memref<512x32xf32, #tpu.memory_space<vmem>>, vector<16xf32>,
      %parallel_loop3A_171 = arith.mulf %parallel_loop3A_157, %parallel_loop3A_170 : vector<16xf32>
      %parallel_loop3A_172 = arith.addf %parallel_loop3A_154, %parallel_loop3A_171 : vector<16xf32>
      tpu.vector_store_idx %arg10[%parallel_loop3A_164, %parallel_loop3A_161, %parallel_loop3A_167, %parallel_loop3A_159], %parallel_loop3A_172 : memref<4x4x8x128xf32, #tpu.memory_space<vmem>>[vector<16xi32>, vector<16xi32>, vector<16xi32>, vector<16xi32>], vector<16xf32>,
      %parallel_loop3A_173 = arith.constant 2 : i32
      %parallel_loop3A_174 = vector.broadcast %parallel_loop3A_173 : i32 to vector<16xi32>
      %parallel_loop3A_175 = arith.addi %parallel_loop3A_164, %parallel_loop3A_174 : vector<16xi32>
      %parallel_loop3A_176 = arith.index_cast %parallel_loop3A_121 : i32 to index
      %parallel_loop3A_177 = arith.constant 16 : index
      %parallel_loop3A_178 = tpu.vector_load %arg9[%parallel_loop3A_176, %parallel_loop3A_177] {strides = array<i32>} : memref<512x32xf32, #tpu.memory_space<vmem>>, vector<16xf32>,
      %parallel_loop3A_179 = arith.mulf %parallel_loop3A_158, %parallel_loop3A_178 : vector<16xf32>
      %parallel_loop3A_180 = arith.addf %parallel_loop3A_155, %parallel_loop3A_179 : vector<16xf32>
      tpu.vector_store_idx %arg10[%parallel_loop3A_175, %parallel_loop3A_161, %parallel_loop3A_167, %parallel_loop3A_159], %parallel_loop3A_180 : memref<4x4x8x128xf32, #tpu.memory_space<vmem>>[vector<16xi32>, vector<16xi32>, vector<16xi32>, vector<16xi32>], vector<16xf32>,
    } {sc.loop_unroll_factor = 2 : i64, sc.parallel_access}
    %dma_start3A_87 = arith.constant 128 : i32
    %dma_start3A_88 = arith.constant 0 : i32
    %dma_start3A_89 = tpu.memref_slice %arg8[%dma_start3A_87, %dma_start3A_88] : memref<256x64xf32, #tpu.memory_space<vmem>> -> memref<128x64xf32, #tpu.memory_space<vmem>>
    %dma_start3A_90 = arith.constant 384 : i32
    %dma_start3A_91 = tpu.memref_slice %arg7[%dma_start3A_90] : memref<512xi32, #tpu.memory_space<vmem>> -> memref<128xi32, #tpu.memory_space<vmem>>
    %dma_start3A_92 = arith.constant 0 : i32
    %dma_start3A_93 = arith.constant 0 : i32
    %dma_start3A_94 = tpu.memref_slice %arg3[%dma_start3A_92, %dma_start3A_93] : memref<51200x64xf32, #tpu.memory_space<hbm>> -> memref<51200x64xf32, #tpu.memory_space<hbm>>
    tpu.enqueue_indirect_dma source(%dma_start3A_94 : memref<51200x64xf32, #tpu.memory_space<hbm>>) target(%dma_start3A_89 : memref<128x64xf32, #tpu.memory_space<vmem>>) offsets(%dma_start3A_91 : memref<128xi32, #tpu.memory_space<vmem>>) semaphore(%arg12 : memref<!tpu.dma_semaphore, #tpu.memory_space<semaphore_mem>>)
    %dma_wait3A_95 = arith.constant 0 : i32
    %dma_wait3A_96 = arith.constant 0 : i32
    %dma_wait3A_97 = tpu.memref_slice %arg8[%dma_wait3A_95, %dma_wait3A_96] : memref<256x64xf32, #tpu.memory_space<vmem>> -> memref<128x64xf32, #tpu.memory_space<vmem>>
    %dma_wait3A_98 = arith.constant 256 : i32
    %dma_wait3A_99 = tpu.memref_slice %arg7[%dma_wait3A_98] : memref<512xi32, #tpu.memory_space<vmem>> -> memref<128xi32, #tpu.memory_space<vmem>>
    %dma_wait3A_100 = arith.constant 0 : i32
    %dma_wait3A_101 = arith.constant 0 : i32
    %dma_wait3A_102 = tpu.memref_slice %arg3[%dma_wait3A_100, %dma_wait3A_101] : memref<51200x64xf32, #tpu.memory_space<hbm>> -> memref<51200x64xf32, #tpu.memory_space<hbm>>
    tpu.wait_indirect_dma semaphore(%arg11 : memref<!tpu.dma_semaphore, #tpu.memory_space<semaphore_mem>>) src(%dma_wait3A_102 : memref<51200x64xf32, #tpu.memory_space<hbm>>) dst(%dma_wait3A_97 : memref<128x64xf32, #tpu.memory_space<vmem>>)
    %parallel_loop3A_103 = arith.constant 0 : i32
    %parallel_loop3A_104 = arith.constant 128 : i32
    %parallel_loop3A_105 = arith.constant 1 : i32
    scf.for %parallel_loop3A_119 = %parallel_loop3A_103 to %parallel_loop3A_104 step %parallel_loop3A_105  : i32 {
      %parallel_loop3A_120 = arith.constant 256 : i32
      %parallel_loop3A_121 = arith.addi %parallel_loop3A_120, %parallel_loop3A_119 : i32
      %parallel_loop3A_122 = vector.broadcast %parallel_loop3A_121 : i32 to vector<16xi32>
      %parallel_loop3A_123 = tpu.vector_load_idx %arg6[%parallel_loop3A_122] : memref<512xi32, #tpu.memory_space<vmem>>[vector<16xi32>], vector<16xi32>,
      %parallel_loop3A_124 = arith.constant 25600 : i32
      %parallel_loop3A_125 = vector.broadcast %parallel_loop3A_124 : i32 to vector<16xi32>
      %parallel_loop3A_126 = arith.cmpi sge, %parallel_loop3A_123, %parallel_loop3A_125 : vector<16xi32>
      %parallel_loop3A_127 = arith.extui %parallel_loop3A_126 : vector<16xi1> to vector<16xi32>
      %parallel_loop3A_128 = arith.constant 51200 : i32
      %parallel_loop3A_129 = vector.broadcast %parallel_loop3A_128 : i32 to vector<16xi32>
      %parallel_loop3A_130 = arith.cmpi sge, %parallel_loop3A_123, %parallel_loop3A_129 : vector<16xi32>
      %parallel_loop3A_131 = arith.extui %parallel_loop3A_130 : vector<16xi1> to vector<16xi32>
      %parallel_loop3A_132 = arith.constant 76800 : i32
      %parallel_loop3A_133 = vector.broadcast %parallel_loop3A_132 : i32 to vector<16xi32>
      %parallel_loop3A_134 = arith.cmpi sge, %parallel_loop3A_123, %parallel_loop3A_133 : vector<16xi32>
      %parallel_loop3A_135 = arith.extui %parallel_loop3A_134 : vector<16xi1> to vector<16xi32>
      %parallel_loop3A_136 = arith.addi %parallel_loop3A_127, %parallel_loop3A_131 : vector<16xi32>
      %parallel_loop3A_137 = arith.addi %parallel_loop3A_136, %parallel_loop3A_135 : vector<16xi32>
      %parallel_loop3A_138 = arith.constant 1 : i32
      %parallel_loop3A_139 = vector.broadcast %parallel_loop3A_138 : i32 to vector<16xi32>
      %parallel_loop3A_140 = arith.andi %parallel_loop3A_137, %parallel_loop3A_139 : vector<16xi32>
      %parallel_loop3A_141 = arith.constant 32 : i32
      %parallel_loop3A_142 = vector.broadcast %parallel_loop3A_141 : i32 to vector<16xi32>
      %parallel_loop3A_143 = arith.muli %parallel_loop3A_140, %parallel_loop3A_142 : vector<16xi32>
      %parallel_loop3A_144 = arith.addi %parallel_loop3A_143, %iota3A : vector<16xi32>
      %parallel_loop3A_145 = arith.constant 0 : i32
      %parallel_loop3A_146 = arith.addi %parallel_loop3A_145, %parallel_loop3A_119 : i32
      %parallel_loop3A_147 = vector.broadcast %parallel_loop3A_146 : i32 to vector<16xi32>
      %parallel_loop3A_148 = tpu.vector_load_idx %arg8[%parallel_loop3A_147, %parallel_loop3A_144] : memref<256x64xf32, #tpu.memory_space<vmem>>[vector<16xi32>, vector<16xi32>], vector<16xf32>,
      %parallel_loop3A_149 = arith.constant 16 : i32
      %parallel_loop3A_150 = vector.broadcast %parallel_loop3A_149 : i32 to vector<16xi32>
      %parallel_loop3A_151 = arith.addi %parallel_loop3A_144, %parallel_loop3A_150 : vector<16xi32>
      %parallel_loop3A_152 = tpu.vector_load_idx %arg8[%parallel_loop3A_147, %parallel_loop3A_151] : memref<256x64xf32, #tpu.memory_space<vmem>>[vector<16xi32>, vector<16xi32>], vector<16xf32>,
      %parallel_loop3A_153 = vector.bitcast %parallel_loop3A_148 : vector<16xf32> to vector<32xbf16>
      %parallel_loop3A_154 = tpu.unpack_subelements %parallel_loop3A_153, 0 {pack_format = #tpu.pack_format<interleaved>} : vector<32xbf16> -> vector<16xf32>
      %parallel_loop3A_155 = tpu.unpack_subelements %parallel_loop3A_153, 1 {pack_format = #tpu.pack_format<interleaved>} : vector<32xbf16> -> vector<16xf32>
      %parallel_loop3A_156 = vector.bitcast %parallel_loop3A_152 : vector<16xf32> to vector<32xbf16>
      %parallel_loop3A_157 = tpu.unpack_subelements %parallel_loop3A_156, 0 {pack_format = #tpu.pack_format<interleaved>} : vector<32xbf16> -> vector<16xf32>
      %parallel_loop3A_158 = tpu.unpack_subelements %parallel_loop3A_156, 1 {pack_format = #tpu.pack_format<interleaved>} : vector<32xbf16> -> vector<16xf32>
      %parallel_loop3A_159 = vector.broadcast %parallel_loop3A_119 : i32 to vector<16xi32>
      %parallel_loop3A_160 = arith.constant 2 : i32
      %parallel_loop3A_161 = vector.broadcast %parallel_loop3A_160 : i32 to vector<16xi32>
      %parallel_loop3A_162 = arith.constant 3 : i32
      %parallel_loop3A_163 = vector.broadcast %parallel_loop3A_162 : i32 to vector<16xi32>
      %parallel_loop3A_164 = arith.shrui %iota3A, %parallel_loop3A_163 : vector<16xi32>
      %parallel_loop3A_165 = arith.constant 7 : i32
      %parallel_loop3A_166 = vector.broadcast %parallel_loop3A_165 : i32 to vector<16xi32>
      %parallel_loop3A_167 = arith.andi %iota3A, %parallel_loop3A_166 : vector<16xi32>
      %parallel_loop3A_168 = arith.index_cast %parallel_loop3A_121 : i32 to index
      %parallel_loop3A_169 = arith.constant 0 : index
      %parallel_loop3A_170 = tpu.vector_load %arg9[%parallel_loop3A_168, %parallel_loop3A_169] {strides = array<i32>} : memref<512x32xf32, #tpu.memory_space<vmem>>, vector<16xf32>,
      %parallel_loop3A_171 = arith.mulf %parallel_loop3A_157, %parallel_loop3A_170 : vector<16xf32>
      %parallel_loop3A_172 = arith.addf %parallel_loop3A_154, %parallel_loop3A_171 : vector<16xf32>
      tpu.vector_store_idx %arg10[%parallel_loop3A_164, %parallel_loop3A_161, %parallel_loop3A_167, %parallel_loop3A_159], %parallel_loop3A_172 : memref<4x4x8x128xf32, #tpu.memory_space<vmem>>[vector<16xi32>, vector<16xi32>, vector<16xi32>, vector<16xi32>], vector<16xf32>,
      %parallel_loop3A_173 = arith.constant 2 : i32
      %parallel_loop3A_174 = vector.broadcast %parallel_loop3A_173 : i32 to vector<16xi32>
      %parallel_loop3A_175 = arith.addi %parallel_loop3A_164, %parallel_loop3A_174 : vector<16xi32>
      %parallel_loop3A_176 = arith.index_cast %parallel_loop3A_121 : i32 to index
      %parallel_loop3A_177 = arith.constant 16 : index
      %parallel_loop3A_178 = tpu.vector_load %arg9[%parallel_loop3A_176, %parallel_loop3A_177] {strides = array<i32>} : memref<512x32xf32, #tpu.memory_space<vmem>>, vector<16xf32>,
      %parallel_loop3A_179 = arith.mulf %parallel_loop3A_158, %parallel_loop3A_178 : vector<16xf32>
      %parallel_loop3A_180 = arith.addf %parallel_loop3A_155, %parallel_loop3A_179 : vector<16xf32>
      tpu.vector_store_idx %arg10[%parallel_loop3A_175, %parallel_loop3A_161, %parallel_loop3A_167, %parallel_loop3A_159], %parallel_loop3A_180 : memref<4x4x8x128xf32, #tpu.memory_space<vmem>>[vector<16xi32>, vector<16xi32>, vector<16xi32>, vector<16xi32>], vector<16xf32>,
    } {sc.loop_unroll_factor = 2 : i64, sc.parallel_access}
    %dma_wait3A_106 = arith.constant 128 : i32
    %dma_wait3A_107 = arith.constant 0 : i32
    %dma_wait3A_108 = tpu.memref_slice %arg8[%dma_wait3A_106, %dma_wait3A_107] : memref<256x64xf32, #tpu.memory_space<vmem>> -> memref<128x64xf32, #tpu.memory_space<vmem>>
    %dma_wait3A_109 = arith.constant 384 : i32
    %dma_wait3A_110 = tpu.memref_slice %arg7[%dma_wait3A_109] : memref<512xi32, #tpu.memory_space<vmem>> -> memref<128xi32, #tpu.memory_space<vmem>>
    %dma_wait3A_111 = arith.constant 0 : i32
    %dma_wait3A_112 = arith.constant 0 : i32
    %dma_wait3A_113 = tpu.memref_slice %arg3[%dma_wait3A_111, %dma_wait3A_112] : memref<51200x64xf32, #tpu.memory_space<hbm>> -> memref<51200x64xf32, #tpu.memory_space<hbm>>
    tpu.wait_indirect_dma semaphore(%arg12 : memref<!tpu.dma_semaphore, #tpu.memory_space<semaphore_mem>>) src(%dma_wait3A_113 : memref<51200x64xf32, #tpu.memory_space<hbm>>) dst(%dma_wait3A_108 : memref<128x64xf32, #tpu.memory_space<vmem>>)
    %parallel_loop3A_114 = arith.constant 0 : i32
    %parallel_loop3A_115 = arith.constant 128 : i32
    %parallel_loop3A_116 = arith.constant 1 : i32
    scf.for %parallel_loop3A_119 = %parallel_loop3A_114 to %parallel_loop3A_115 step %parallel_loop3A_116  : i32 {
      %parallel_loop3A_120 = arith.constant 384 : i32
      %parallel_loop3A_121 = arith.addi %parallel_loop3A_120, %parallel_loop3A_119 : i32
      %parallel_loop3A_122 = vector.broadcast %parallel_loop3A_121 : i32 to vector<16xi32>
      %parallel_loop3A_123 = tpu.vector_load_idx %arg6[%parallel_loop3A_122] : memref<512xi32, #tpu.memory_space<vmem>>[vector<16xi32>], vector<16xi32>,
      %parallel_loop3A_124 = arith.constant 25600 : i32
      %parallel_loop3A_125 = vector.broadcast %parallel_loop3A_124 : i32 to vector<16xi32>
      %parallel_loop3A_126 = arith.cmpi sge, %parallel_loop3A_123, %parallel_loop3A_125 : vector<16xi32>
      %parallel_loop3A_127 = arith.extui %parallel_loop3A_126 : vector<16xi1> to vector<16xi32>
      %parallel_loop3A_128 = arith.constant 51200 : i32
      %parallel_loop3A_129 = vector.broadcast %parallel_loop3A_128 : i32 to vector<16xi32>
      %parallel_loop3A_130 = arith.cmpi sge, %parallel_loop3A_123, %parallel_loop3A_129 : vector<16xi32>
      %parallel_loop3A_131 = arith.extui %parallel_loop3A_130 : vector<16xi1> to vector<16xi32>
      %parallel_loop3A_132 = arith.constant 76800 : i32
      %parallel_loop3A_133 = vector.broadcast %parallel_loop3A_132 : i32 to vector<16xi32>
      %parallel_loop3A_134 = arith.cmpi sge, %parallel_loop3A_123, %parallel_loop3A_133 : vector<16xi32>
      %parallel_loop3A_135 = arith.extui %parallel_loop3A_134 : vector<16xi1> to vector<16xi32>
      %parallel_loop3A_136 = arith.addi %parallel_loop3A_127, %parallel_loop3A_131 : vector<16xi32>
      %parallel_loop3A_137 = arith.addi %parallel_loop3A_136, %parallel_loop3A_135 : vector<16xi32>
      %parallel_loop3A_138 = arith.constant 1 : i32
      %parallel_loop3A_139 = vector.broadcast %parallel_loop3A_138 : i32 to vector<16xi32>
      %parallel_loop3A_140 = arith.andi %parallel_loop3A_137, %parallel_loop3A_139 : vector<16xi32>
      %parallel_loop3A_141 = arith.constant 32 : i32
      %parallel_loop3A_142 = vector.broadcast %parallel_loop3A_141 : i32 to vector<16xi32>
      %parallel_loop3A_143 = arith.muli %parallel_loop3A_140, %parallel_loop3A_142 : vector<16xi32>
      %parallel_loop3A_144 = arith.addi %parallel_loop3A_143, %iota3A : vector<16xi32>
      %parallel_loop3A_145 = arith.constant 128 : i32
      %parallel_loop3A_146 = arith.addi %parallel_loop3A_145, %parallel_loop3A_119 : i32
      %parallel_loop3A_147 = vector.broadcast %parallel_loop3A_146 : i32 to vector<16xi32>
      %parallel_loop3A_148 = tpu.vector_load_idx %arg8[%parallel_loop3A_147, %parallel_loop3A_144] : memref<256x64xf32, #tpu.memory_space<vmem>>[vector<16xi32>, vector<16xi32>], vector<16xf32>,
      %parallel_loop3A_149 = arith.constant 16 : i32
      %parallel_loop3A_150 = vector.broadcast %parallel_loop3A_149 : i32 to vector<16xi32>
      %parallel_loop3A_151 = arith.addi %parallel_loop3A_144, %parallel_loop3A_150 : vector<16xi32>
      %parallel_loop3A_152 = tpu.vector_load_idx %arg8[%parallel_loop3A_147, %parallel_loop3A_151] : memref<256x64xf32, #tpu.memory_space<vmem>>[vector<16xi32>, vector<16xi32>], vector<16xf32>,
      %parallel_loop3A_153 = vector.bitcast %parallel_loop3A_148 : vector<16xf32> to vector<32xbf16>
      %parallel_loop3A_154 = tpu.unpack_subelements %parallel_loop3A_153, 0 {pack_format = #tpu.pack_format<interleaved>} : vector<32xbf16> -> vector<16xf32>
      %parallel_loop3A_155 = tpu.unpack_subelements %parallel_loop3A_153, 1 {pack_format = #tpu.pack_format<interleaved>} : vector<32xbf16> -> vector<16xf32>
      %parallel_loop3A_156 = vector.bitcast %parallel_loop3A_152 : vector<16xf32> to vector<32xbf16>
      %parallel_loop3A_157 = tpu.unpack_subelements %parallel_loop3A_156, 0 {pack_format = #tpu.pack_format<interleaved>} : vector<32xbf16> -> vector<16xf32>
      %parallel_loop3A_158 = tpu.unpack_subelements %parallel_loop3A_156, 1 {pack_format = #tpu.pack_format<interleaved>} : vector<32xbf16> -> vector<16xf32>
      %parallel_loop3A_159 = vector.broadcast %parallel_loop3A_119 : i32 to vector<16xi32>
      %parallel_loop3A_160 = arith.constant 3 : i32
      %parallel_loop3A_161 = vector.broadcast %parallel_loop3A_160 : i32 to vector<16xi32>
      %parallel_loop3A_162 = arith.constant 3 : i32
      %parallel_loop3A_163 = vector.broadcast %parallel_loop3A_162 : i32 to vector<16xi32>
      %parallel_loop3A_164 = arith.shrui %iota3A, %parallel_loop3A_163 : vector<16xi32>
      %parallel_loop3A_165 = arith.constant 7 : i32
      %parallel_loop3A_166 = vector.broadcast %parallel_loop3A_165 : i32 to vector<16xi32>
      %parallel_loop3A_167 = arith.andi %iota3A, %parallel_loop3A_166 : vector<16xi32>
      %parallel_loop3A_168 = arith.index_cast %parallel_loop3A_121 : i32 to index
      %parallel_loop3A_169 = arith.constant 0 : index
      %parallel_loop3A_170 = tpu.vector_load %arg9[%parallel_loop3A_168, %parallel_loop3A_169] {strides = array<i32>} : memref<512x32xf32, #tpu.memory_space<vmem>>, vector<16xf32>,
      %parallel_loop3A_171 = arith.mulf %parallel_loop3A_157, %parallel_loop3A_170 : vector<16xf32>
      %parallel_loop3A_172 = arith.addf %parallel_loop3A_154, %parallel_loop3A_171 : vector<16xf32>
      tpu.vector_store_idx %arg10[%parallel_loop3A_164, %parallel_loop3A_161, %parallel_loop3A_167, %parallel_loop3A_159], %parallel_loop3A_172 : memref<4x4x8x128xf32, #tpu.memory_space<vmem>>[vector<16xi32>, vector<16xi32>, vector<16xi32>, vector<16xi32>], vector<16xf32>,
      %parallel_loop3A_173 = arith.constant 2 : i32
      %parallel_loop3A_174 = vector.broadcast %parallel_loop3A_173 : i32 to vector<16xi32>
      %parallel_loop3A_175 = arith.addi %parallel_loop3A_164, %parallel_loop3A_174 : vector<16xi32>
      %parallel_loop3A_176 = arith.index_cast %parallel_loop3A_121 : i32 to index
      %parallel_loop3A_177 = arith.constant 16 : index
      %parallel_loop3A_178 = tpu.vector_load %arg9[%parallel_loop3A_176, %parallel_loop3A_177] {strides = array<i32>} : memref<512x32xf32, #tpu.memory_space<vmem>>, vector<16xf32>,
      %parallel_loop3A_179 = arith.mulf %parallel_loop3A_158, %parallel_loop3A_178 : vector<16xf32>
      %parallel_loop3A_180 = arith.addf %parallel_loop3A_155, %parallel_loop3A_179 : vector<16xf32>
      tpu.vector_store_idx %arg10[%parallel_loop3A_175, %parallel_loop3A_161, %parallel_loop3A_167, %parallel_loop3A_159], %parallel_loop3A_180 : memref<4x4x8x128xf32, #tpu.memory_space<vmem>>[vector<16xi32>, vector<16xi32>, vector<16xi32>, vector<16xi32>], vector<16xf32>,
    } {sc.loop_unroll_factor = 2 : i64, sc.parallel_access}
    %mul3A_117 = arith.constant 4 : i32
    %mul3A_118 = arith.muli %mul3A_117, %add3A : i32
    "tpu.region"() ({
      %run_scoped3A = tpu.sem_alloc : memref<!tpu.dma_semaphore, #tpu.memory_space<semaphore_mem>>
      %dma_start3A_119 = arith.constant 0 : i32
      %dma_start3A_120 = arith.constant 0 : i32
      %dma_start3A_121 = arith.constant 0 : i32
      %dma_start3A_122 = tpu.memref_slice %arg5[%dma_start3A_119, %mul3A_118, %dma_start3A_120, %dma_start3A_121] : memref<4x128x8x128xf32, #tpu.memory_space<hbm>> -> memref<4x4x8x128xf32, #tpu.memory_space<hbm>>
      %dma_start3A_123 = arith.constant 0 : i32
      %dma_start3A_124 = arith.constant 0 : i32
      %dma_start3A_125 = arith.constant 0 : i32
      %dma_start3A_126 = tpu.memref_slice %arg5[%dma_start3A_123, %mul3A_118, %dma_start3A_124, %dma_start3A_125] : memref<4x128x8x128xf32, #tpu.memory_space<hbm>> -> memref<4x4x8x128xf32, #tpu.memory_space<hbm>>
      tpu.enqueue_dma source(%arg10 : memref<4x4x8x128xf32, #tpu.memory_space<vmem>>) target(%dma_start3A_126 : memref<4x4x8x128xf32, #tpu.memory_space<hbm>>) target_semaphore(%run_scoped3A : memref<!tpu.dma_semaphore, #tpu.memory_space<semaphore_mem>>)
      %dma_wait3A_127 = arith.constant 0 : i32
      %dma_wait3A_128 = arith.constant 0 : i32
      %dma_wait3A_129 = arith.constant 0 : i32
      %dma_wait3A_130 = tpu.memref_slice %arg5[%dma_wait3A_127, %mul3A_118, %dma_wait3A_128, %dma_wait3A_129] : memref<4x128x8x128xf32, #tpu.memory_space<hbm>> -> memref<4x4x8x128xf32, #tpu.memory_space<hbm>>
      %dma_wait3A_131 = arith.constant 0 : i32
      %dma_wait3A_132 = arith.constant 0 : i32
      %dma_wait3A_133 = arith.constant 0 : i32
      %dma_wait3A_134 = tpu.memref_slice %arg5[%dma_wait3A_131, %mul3A_118, %dma_wait3A_132, %dma_wait3A_133] : memref<4x128x8x128xf32, #tpu.memory_space<hbm>> -> memref<4x4x8x128xf32, #tpu.memory_space<hbm>>
      tpu.wait_dma2 semaphore(%run_scoped3A : memref<!tpu.dma_semaphore, #tpu.memory_space<semaphore_mem>>) src(%arg10 : memref<4x4x8x128xf32, #tpu.memory_space<vmem>>) dst(%dma_wait3A_134 : memref<4x4x8x128xf32, #tpu.memory_space<hbm>>)
      tpu.yield
    }) : () -> ()
    return
  }
}

module attributes {stable_mosaic.version = 14 : i64} {
  func.func @_nz_prep_body(%arg0: i32, %arg1: memref<32x2048xf32, #tpu.memory_space<vmem>>, %arg2: memref<32x2048xf32, #tpu.memory_space<vmem>>, %arg3: memref<32x2048xf32, #tpu.memory_space<vmem>>, %arg4: memref<32x2048xf32, #tpu.memory_space<vmem>>, %arg5: memref<1x8192xi32, #tpu.memory_space<vmem>>, %arg6: memref<2048x128xf32, #tpu.memory_space<vmem>>, %arg7: memref<8192xi32, #tpu.memory_space<vmem>>) attributes {dimension_semantics = [#tpu.dimension_semantics<arbitrary>], iteration_bounds = array<i64: 2>, scalar_prefetch = 0 : i64, scratch_operands = 0 : i64, tpu.core_type = #tpu.core_type<tc>, window_params = [{transform_indices = @transform_0, window_bounds = array<i64: 32, 2048>}, {transform_indices = @transform_1, window_bounds = array<i64: 32, 2048>}, {transform_indices = @transform_2, window_bounds = array<i64: 32, 2048>}, {transform_indices = @transform_3, window_bounds = array<i64: 32, 2048>}, {transform_indices = @transform_4, window_bounds = array<i64: 1, 8192>}, {transform_indices = @transform_5, window_bounds = array<i64: 2048, 128>}, {transform_indices = @transform_6, window_bounds = array<i64: 8192>}]} {
    %get3A = arith.constant 0 : index
    %get3A_0 = arith.constant 0 : index
    %get3A_1 = vector.load %arg1[%get3A, %get3A_0] : memref<32x2048xf32, #tpu.memory_space<vmem>>, vector<32x2048xf32>
    %get3A_2 = arith.constant 0 : index
    %get3A_3 = arith.constant 0 : index
    %get3A_4 = vector.load %arg2[%get3A_2, %get3A_3] : memref<32x2048xf32, #tpu.memory_space<vmem>>, vector<32x2048xf32>
    %get3A_5 = arith.constant 0 : index
    %get3A_6 = arith.constant 0 : index
    %get3A_7 = vector.load %arg3[%get3A_5, %get3A_6] : memref<32x2048xf32, #tpu.memory_space<vmem>>, vector<32x2048xf32>
    %get3A_8 = arith.constant 0 : index
    %get3A_9 = arith.constant 0 : index
    %get3A_10 = vector.load %arg4[%get3A_8, %get3A_9] : memref<32x2048xf32, #tpu.memory_space<vmem>>, vector<32x2048xf32>
    %slice3A = vector.extract_strided_slice %get3A_1 {offsets = [0, 0], sizes = [32, 128], strides = [1, 1]} : vector<32x2048xf32> to vector<32x128xf32>
    %slice3A_11 = vector.extract_strided_slice %get3A_4 {offsets = [0, 0], sizes = [32, 128], strides = [1, 1]} : vector<32x2048xf32> to vector<32x128xf32>
    %slice3A_12 = vector.extract_strided_slice %get3A_7 {offsets = [0, 0], sizes = [32, 128], strides = [1, 1]} : vector<32x2048xf32> to vector<32x128xf32>
    %slice3A_13 = vector.extract_strided_slice %get3A_10 {offsets = [0, 0], sizes = [32, 128], strides = [1, 1]} : vector<32x2048xf32> to vector<32x128xf32>
    %concatenate3A = tpu.concatenate %slice3A, %slice3A_11, %slice3A_12, %slice3A_13 in 0 : vector<32x128xf32>, vector<32x128xf32>, vector<32x128xf32>, vector<32x128xf32> -> vector<128x128xf32>
    %transpose3A = tpu.transpose %concatenate3A, [1, 0] : vector<128x128xf32> -> vector<128x128xf32>
    %swap3A = arith.constant 0 : index
    %swap3A_14 = arith.constant 0 : index
    %swap3A_15 = vector.load %arg6[%swap3A, %swap3A_14] : memref<2048x128xf32, #tpu.memory_space<vmem>>, vector<128x128xf32>
    tpu.vector_store %arg6[%swap3A, %swap3A_14], %transpose3A {strides = array<i32>} : memref<2048x128xf32, #tpu.memory_space<vmem>>, vector<128x128xf32>,
    %slice3A_16 = vector.extract_strided_slice %get3A_1 {offsets = [0, 128], sizes = [32, 128], strides = [1, 1]} : vector<32x2048xf32> to vector<32x128xf32>
    %slice3A_17 = vector.extract_strided_slice %get3A_4 {offsets = [0, 128], sizes = [32, 128], strides = [1, 1]} : vector<32x2048xf32> to vector<32x128xf32>
    %slice3A_18 = vector.extract_strided_slice %get3A_7 {offsets = [0, 128], sizes = [32, 128], strides = [1, 1]} : vector<32x2048xf32> to vector<32x128xf32>
    %slice3A_19 = vector.extract_strided_slice %get3A_10 {offsets = [0, 128], sizes = [32, 128], strides = [1, 1]} : vector<32x2048xf32> to vector<32x128xf32>
    %concatenate3A_20 = tpu.concatenate %slice3A_16, %slice3A_17, %slice3A_18, %slice3A_19 in 0 : vector<32x128xf32>, vector<32x128xf32>, vector<32x128xf32>, vector<32x128xf32> -> vector<128x128xf32>
    %transpose3A_21 = tpu.transpose %concatenate3A_20, [1, 0] : vector<128x128xf32> -> vector<128x128xf32>
    %swap3A_22 = arith.constant 128 : index
    %swap3A_23 = arith.constant 0 : index
    %swap3A_24 = vector.load %arg6[%swap3A_22, %swap3A_23] : memref<2048x128xf32, #tpu.memory_space<vmem>>, vector<128x128xf32>
    tpu.vector_store %arg6[%swap3A_22, %swap3A_23], %transpose3A_21 {strides = array<i32>} : memref<2048x128xf32, #tpu.memory_space<vmem>>, vector<128x128xf32>,
    %slice3A_25 = vector.extract_strided_slice %get3A_1 {offsets = [0, 256], sizes = [32, 128], strides = [1, 1]} : vector<32x2048xf32> to vector<32x128xf32>
    %slice3A_26 = vector.extract_strided_slice %get3A_4 {offsets = [0, 256], sizes = [32, 128], strides = [1, 1]} : vector<32x2048xf32> to vector<32x128xf32>
    %slice3A_27 = vector.extract_strided_slice %get3A_7 {offsets = [0, 256], sizes = [32, 128], strides = [1, 1]} : vector<32x2048xf32> to vector<32x128xf32>
    %slice3A_28 = vector.extract_strided_slice %get3A_10 {offsets = [0, 256], sizes = [32, 128], strides = [1, 1]} : vector<32x2048xf32> to vector<32x128xf32>
    %concatenate3A_29 = tpu.concatenate %slice3A_25, %slice3A_26, %slice3A_27, %slice3A_28 in 0 : vector<32x128xf32>, vector<32x128xf32>, vector<32x128xf32>, vector<32x128xf32> -> vector<128x128xf32>
    %transpose3A_30 = tpu.transpose %concatenate3A_29, [1, 0] : vector<128x128xf32> -> vector<128x128xf32>
    %swap3A_31 = arith.constant 256 : index
    %swap3A_32 = arith.constant 0 : index
    %swap3A_33 = vector.load %arg6[%swap3A_31, %swap3A_32] : memref<2048x128xf32, #tpu.memory_space<vmem>>, vector<128x128xf32>
    tpu.vector_store %arg6[%swap3A_31, %swap3A_32], %transpose3A_30 {strides = array<i32>} : memref<2048x128xf32, #tpu.memory_space<vmem>>, vector<128x128xf32>,
    %slice3A_34 = vector.extract_strided_slice %get3A_1 {offsets = [0, 384], sizes = [32, 128], strides = [1, 1]} : vector<32x2048xf32> to vector<32x128xf32>
    %slice3A_35 = vector.extract_strided_slice %get3A_4 {offsets = [0, 384], sizes = [32, 128], strides = [1, 1]} : vector<32x2048xf32> to vector<32x128xf32>
    %slice3A_36 = vector.extract_strided_slice %get3A_7 {offsets = [0, 384], sizes = [32, 128], strides = [1, 1]} : vector<32x2048xf32> to vector<32x128xf32>
    %slice3A_37 = vector.extract_strided_slice %get3A_10 {offsets = [0, 384], sizes = [32, 128], strides = [1, 1]} : vector<32x2048xf32> to vector<32x128xf32>
    %concatenate3A_38 = tpu.concatenate %slice3A_34, %slice3A_35, %slice3A_36, %slice3A_37 in 0 : vector<32x128xf32>, vector<32x128xf32>, vector<32x128xf32>, vector<32x128xf32> -> vector<128x128xf32>
    %transpose3A_39 = tpu.transpose %concatenate3A_38, [1, 0] : vector<128x128xf32> -> vector<128x128xf32>
    %swap3A_40 = arith.constant 384 : index
    %swap3A_41 = arith.constant 0 : index
    %swap3A_42 = vector.load %arg6[%swap3A_40, %swap3A_41] : memref<2048x128xf32, #tpu.memory_space<vmem>>, vector<128x128xf32>
    tpu.vector_store %arg6[%swap3A_40, %swap3A_41], %transpose3A_39 {strides = array<i32>} : memref<2048x128xf32, #tpu.memory_space<vmem>>, vector<128x128xf32>,
    %slice3A_43 = vector.extract_strided_slice %get3A_1 {offsets = [0, 512], sizes = [32, 128], strides = [1, 1]} : vector<32x2048xf32> to vector<32x128xf32>
    %slice3A_44 = vector.extract_strided_slice %get3A_4 {offsets = [0, 512], sizes = [32, 128], strides = [1, 1]} : vector<32x2048xf32> to vector<32x128xf32>
    %slice3A_45 = vector.extract_strided_slice %get3A_7 {offsets = [0, 512], sizes = [32, 128], strides = [1, 1]} : vector<32x2048xf32> to vector<32x128xf32>
    %slice3A_46 = vector.extract_strided_slice %get3A_10 {offsets = [0, 512], sizes = [32, 128], strides = [1, 1]} : vector<32x2048xf32> to vector<32x128xf32>
    %concatenate3A_47 = tpu.concatenate %slice3A_43, %slice3A_44, %slice3A_45, %slice3A_46 in 0 : vector<32x128xf32>, vector<32x128xf32>, vector<32x128xf32>, vector<32x128xf32> -> vector<128x128xf32>
    %transpose3A_48 = tpu.transpose %concatenate3A_47, [1, 0] : vector<128x128xf32> -> vector<128x128xf32>
    %swap3A_49 = arith.constant 512 : index
    %swap3A_50 = arith.constant 0 : index
    %swap3A_51 = vector.load %arg6[%swap3A_49, %swap3A_50] : memref<2048x128xf32, #tpu.memory_space<vmem>>, vector<128x128xf32>
    tpu.vector_store %arg6[%swap3A_49, %swap3A_50], %transpose3A_48 {strides = array<i32>} : memref<2048x128xf32, #tpu.memory_space<vmem>>, vector<128x128xf32>,
    %slice3A_52 = vector.extract_strided_slice %get3A_1 {offsets = [0, 640], sizes = [32, 128], strides = [1, 1]} : vector<32x2048xf32> to vector<32x128xf32>
    %slice3A_53 = vector.extract_strided_slice %get3A_4 {offsets = [0, 640], sizes = [32, 128], strides = [1, 1]} : vector<32x2048xf32> to vector<32x128xf32>
    %slice3A_54 = vector.extract_strided_slice %get3A_7 {offsets = [0, 640], sizes = [32, 128], strides = [1, 1]} : vector<32x2048xf32> to vector<32x128xf32>
    %slice3A_55 = vector.extract_strided_slice %get3A_10 {offsets = [0, 640], sizes = [32, 128], strides = [1, 1]} : vector<32x2048xf32> to vector<32x128xf32>
    %concatenate3A_56 = tpu.concatenate %slice3A_52, %slice3A_53, %slice3A_54, %slice3A_55 in 0 : vector<32x128xf32>, vector<32x128xf32>, vector<32x128xf32>, vector<32x128xf32> -> vector<128x128xf32>
    %transpose3A_57 = tpu.transpose %concatenate3A_56, [1, 0] : vector<128x128xf32> -> vector<128x128xf32>
    %swap3A_58 = arith.constant 640 : index
    %swap3A_59 = arith.constant 0 : index
    %swap3A_60 = vector.load %arg6[%swap3A_58, %swap3A_59] : memref<2048x128xf32, #tpu.memory_space<vmem>>, vector<128x128xf32>
    tpu.vector_store %arg6[%swap3A_58, %swap3A_59], %transpose3A_57 {strides = array<i32>} : memref<2048x128xf32, #tpu.memory_space<vmem>>, vector<128x128xf32>,
    %slice3A_61 = vector.extract_strided_slice %get3A_1 {offsets = [0, 768], sizes = [32, 128], strides = [1, 1]} : vector<32x2048xf32> to vector<32x128xf32>
    %slice3A_62 = vector.extract_strided_slice %get3A_4 {offsets = [0, 768], sizes = [32, 128], strides = [1, 1]} : vector<32x2048xf32> to vector<32x128xf32>
    %slice3A_63 = vector.extract_strided_slice %get3A_7 {offsets = [0, 768], sizes = [32, 128], strides = [1, 1]} : vector<32x2048xf32> to vector<32x128xf32>
    %slice3A_64 = vector.extract_strided_slice %get3A_10 {offsets = [0, 768], sizes = [32, 128], strides = [1, 1]} : vector<32x2048xf32> to vector<32x128xf32>
    %concatenate3A_65 = tpu.concatenate %slice3A_61, %slice3A_62, %slice3A_63, %slice3A_64 in 0 : vector<32x128xf32>, vector<32x128xf32>, vector<32x128xf32>, vector<32x128xf32> -> vector<128x128xf32>
    %transpose3A_66 = tpu.transpose %concatenate3A_65, [1, 0] : vector<128x128xf32> -> vector<128x128xf32>
    %swap3A_67 = arith.constant 768 : index
    %swap3A_68 = arith.constant 0 : index
    %swap3A_69 = vector.load %arg6[%swap3A_67, %swap3A_68] : memref<2048x128xf32, #tpu.memory_space<vmem>>, vector<128x128xf32>
    tpu.vector_store %arg6[%swap3A_67, %swap3A_68], %transpose3A_66 {strides = array<i32>} : memref<2048x128xf32, #tpu.memory_space<vmem>>, vector<128x128xf32>,
    %slice3A_70 = vector.extract_strided_slice %get3A_1 {offsets = [0, 896], sizes = [32, 128], strides = [1, 1]} : vector<32x2048xf32> to vector<32x128xf32>
    %slice3A_71 = vector.extract_strided_slice %get3A_4 {offsets = [0, 896], sizes = [32, 128], strides = [1, 1]} : vector<32x2048xf32> to vector<32x128xf32>
    %slice3A_72 = vector.extract_strided_slice %get3A_7 {offsets = [0, 896], sizes = [32, 128], strides = [1, 1]} : vector<32x2048xf32> to vector<32x128xf32>
    %slice3A_73 = vector.extract_strided_slice %get3A_10 {offsets = [0, 896], sizes = [32, 128], strides = [1, 1]} : vector<32x2048xf32> to vector<32x128xf32>
    %concatenate3A_74 = tpu.concatenate %slice3A_70, %slice3A_71, %slice3A_72, %slice3A_73 in 0 : vector<32x128xf32>, vector<32x128xf32>, vector<32x128xf32>, vector<32x128xf32> -> vector<128x128xf32>
    %transpose3A_75 = tpu.transpose %concatenate3A_74, [1, 0] : vector<128x128xf32> -> vector<128x128xf32>
    %swap3A_76 = arith.constant 896 : index
    %swap3A_77 = arith.constant 0 : index
    %swap3A_78 = vector.load %arg6[%swap3A_76, %swap3A_77] : memref<2048x128xf32, #tpu.memory_space<vmem>>, vector<128x128xf32>
    tpu.vector_store %arg6[%swap3A_76, %swap3A_77], %transpose3A_75 {strides = array<i32>} : memref<2048x128xf32, #tpu.memory_space<vmem>>, vector<128x128xf32>,
    %slice3A_79 = vector.extract_strided_slice %get3A_1 {offsets = [0, 1024], sizes = [32, 128], strides = [1, 1]} : vector<32x2048xf32> to vector<32x128xf32>
    %slice3A_80 = vector.extract_strided_slice %get3A_4 {offsets = [0, 1024], sizes = [32, 128], strides = [1, 1]} : vector<32x2048xf32> to vector<32x128xf32>
    %slice3A_81 = vector.extract_strided_slice %get3A_7 {offsets = [0, 1024], sizes = [32, 128], strides = [1, 1]} : vector<32x2048xf32> to vector<32x128xf32>
    %slice3A_82 = vector.extract_strided_slice %get3A_10 {offsets = [0, 1024], sizes = [32, 128], strides = [1, 1]} : vector<32x2048xf32> to vector<32x128xf32>
    %concatenate3A_83 = tpu.concatenate %slice3A_79, %slice3A_80, %slice3A_81, %slice3A_82 in 0 : vector<32x128xf32>, vector<32x128xf32>, vector<32x128xf32>, vector<32x128xf32> -> vector<128x128xf32>
    %transpose3A_84 = tpu.transpose %concatenate3A_83, [1, 0] : vector<128x128xf32> -> vector<128x128xf32>
    %swap3A_85 = arith.constant 1024 : index
    %swap3A_86 = arith.constant 0 : index
    %swap3A_87 = vector.load %arg6[%swap3A_85, %swap3A_86] : memref<2048x128xf32, #tpu.memory_space<vmem>>, vector<128x128xf32>
    tpu.vector_store %arg6[%swap3A_85, %swap3A_86], %transpose3A_84 {strides = array<i32>} : memref<2048x128xf32, #tpu.memory_space<vmem>>, vector<128x128xf32>,
    %slice3A_88 = vector.extract_strided_slice %get3A_1 {offsets = [0, 1152], sizes = [32, 128], strides = [1, 1]} : vector<32x2048xf32> to vector<32x128xf32>
    %slice3A_89 = vector.extract_strided_slice %get3A_4 {offsets = [0, 1152], sizes = [32, 128], strides = [1, 1]} : vector<32x2048xf32> to vector<32x128xf32>
    %slice3A_90 = vector.extract_strided_slice %get3A_7 {offsets = [0, 1152], sizes = [32, 128], strides = [1, 1]} : vector<32x2048xf32> to vector<32x128xf32>
    %slice3A_91 = vector.extract_strided_slice %get3A_10 {offsets = [0, 1152], sizes = [32, 128], strides = [1, 1]} : vector<32x2048xf32> to vector<32x128xf32>
    %concatenate3A_92 = tpu.concatenate %slice3A_88, %slice3A_89, %slice3A_90, %slice3A_91 in 0 : vector<32x128xf32>, vector<32x128xf32>, vector<32x128xf32>, vector<32x128xf32> -> vector<128x128xf32>
    %transpose3A_93 = tpu.transpose %concatenate3A_92, [1, 0] : vector<128x128xf32> -> vector<128x128xf32>
    %swap3A_94 = arith.constant 1152 : index
    %swap3A_95 = arith.constant 0 : index
    %swap3A_96 = vector.load %arg6[%swap3A_94, %swap3A_95] : memref<2048x128xf32, #tpu.memory_space<vmem>>, vector<128x128xf32>
    tpu.vector_store %arg6[%swap3A_94, %swap3A_95], %transpose3A_93 {strides = array<i32>} : memref<2048x128xf32, #tpu.memory_space<vmem>>, vector<128x128xf32>,
    %slice3A_97 = vector.extract_strided_slice %get3A_1 {offsets = [0, 1280], sizes = [32, 128], strides = [1, 1]} : vector<32x2048xf32> to vector<32x128xf32>
    %slice3A_98 = vector.extract_strided_slice %get3A_4 {offsets = [0, 1280], sizes = [32, 128], strides = [1, 1]} : vector<32x2048xf32> to vector<32x128xf32>
    %slice3A_99 = vector.extract_strided_slice %get3A_7 {offsets = [0, 1280], sizes = [32, 128], strides = [1, 1]} : vector<32x2048xf32> to vector<32x128xf32>
    %slice3A_100 = vector.extract_strided_slice %get3A_10 {offsets = [0, 1280], sizes = [32, 128], strides = [1, 1]} : vector<32x2048xf32> to vector<32x128xf32>
    %concatenate3A_101 = tpu.concatenate %slice3A_97, %slice3A_98, %slice3A_99, %slice3A_100 in 0 : vector<32x128xf32>, vector<32x128xf32>, vector<32x128xf32>, vector<32x128xf32> -> vector<128x128xf32>
    %transpose3A_102 = tpu.transpose %concatenate3A_101, [1, 0] : vector<128x128xf32> -> vector<128x128xf32>
    %swap3A_103 = arith.constant 1280 : index
    %swap3A_104 = arith.constant 0 : index
    %swap3A_105 = vector.load %arg6[%swap3A_103, %swap3A_104] : memref<2048x128xf32, #tpu.memory_space<vmem>>, vector<128x128xf32>
    tpu.vector_store %arg6[%swap3A_103, %swap3A_104], %transpose3A_102 {strides = array<i32>} : memref<2048x128xf32, #tpu.memory_space<vmem>>, vector<128x128xf32>,
    %slice3A_106 = vector.extract_strided_slice %get3A_1 {offsets = [0, 1408], sizes = [32, 128], strides = [1, 1]} : vector<32x2048xf32> to vector<32x128xf32>
    %slice3A_107 = vector.extract_strided_slice %get3A_4 {offsets = [0, 1408], sizes = [32, 128], strides = [1, 1]} : vector<32x2048xf32> to vector<32x128xf32>
    %slice3A_108 = vector.extract_strided_slice %get3A_7 {offsets = [0, 1408], sizes = [32, 128], strides = [1, 1]} : vector<32x2048xf32> to vector<32x128xf32>
    %slice3A_109 = vector.extract_strided_slice %get3A_10 {offsets = [0, 1408], sizes = [32, 128], strides = [1, 1]} : vector<32x2048xf32> to vector<32x128xf32>
    %concatenate3A_110 = tpu.concatenate %slice3A_106, %slice3A_107, %slice3A_108, %slice3A_109 in 0 : vector<32x128xf32>, vector<32x128xf32>, vector<32x128xf32>, vector<32x128xf32> -> vector<128x128xf32>
    %transpose3A_111 = tpu.transpose %concatenate3A_110, [1, 0] : vector<128x128xf32> -> vector<128x128xf32>
    %swap3A_112 = arith.constant 1408 : index
    %swap3A_113 = arith.constant 0 : index
    %swap3A_114 = vector.load %arg6[%swap3A_112, %swap3A_113] : memref<2048x128xf32, #tpu.memory_space<vmem>>, vector<128x128xf32>
    tpu.vector_store %arg6[%swap3A_112, %swap3A_113], %transpose3A_111 {strides = array<i32>} : memref<2048x128xf32, #tpu.memory_space<vmem>>, vector<128x128xf32>,
    %slice3A_115 = vector.extract_strided_slice %get3A_1 {offsets = [0, 1536], sizes = [32, 128], strides = [1, 1]} : vector<32x2048xf32> to vector<32x128xf32>
    %slice3A_116 = vector.extract_strided_slice %get3A_4 {offsets = [0, 1536], sizes = [32, 128], strides = [1, 1]} : vector<32x2048xf32> to vector<32x128xf32>
    %slice3A_117 = vector.extract_strided_slice %get3A_7 {offsets = [0, 1536], sizes = [32, 128], strides = [1, 1]} : vector<32x2048xf32> to vector<32x128xf32>
    %slice3A_118 = vector.extract_strided_slice %get3A_10 {offsets = [0, 1536], sizes = [32, 128], strides = [1, 1]} : vector<32x2048xf32> to vector<32x128xf32>
    %concatenate3A_119 = tpu.concatenate %slice3A_115, %slice3A_116, %slice3A_117, %slice3A_118 in 0 : vector<32x128xf32>, vector<32x128xf32>, vector<32x128xf32>, vector<32x128xf32> -> vector<128x128xf32>
    %transpose3A_120 = tpu.transpose %concatenate3A_119, [1, 0] : vector<128x128xf32> -> vector<128x128xf32>
    %swap3A_121 = arith.constant 1536 : index
    %swap3A_122 = arith.constant 0 : index
    %swap3A_123 = vector.load %arg6[%swap3A_121, %swap3A_122] : memref<2048x128xf32, #tpu.memory_space<vmem>>, vector<128x128xf32>
    tpu.vector_store %arg6[%swap3A_121, %swap3A_122], %transpose3A_120 {strides = array<i32>} : memref<2048x128xf32, #tpu.memory_space<vmem>>, vector<128x128xf32>,
    %slice3A_124 = vector.extract_strided_slice %get3A_1 {offsets = [0, 1664], sizes = [32, 128], strides = [1, 1]} : vector<32x2048xf32> to vector<32x128xf32>
    %slice3A_125 = vector.extract_strided_slice %get3A_4 {offsets = [0, 1664], sizes = [32, 128], strides = [1, 1]} : vector<32x2048xf32> to vector<32x128xf32>
    %slice3A_126 = vector.extract_strided_slice %get3A_7 {offsets = [0, 1664], sizes = [32, 128], strides = [1, 1]} : vector<32x2048xf32> to vector<32x128xf32>
    %slice3A_127 = vector.extract_strided_slice %get3A_10 {offsets = [0, 1664], sizes = [32, 128], strides = [1, 1]} : vector<32x2048xf32> to vector<32x128xf32>
    %concatenate3A_128 = tpu.concatenate %slice3A_124, %slice3A_125, %slice3A_126, %slice3A_127 in 0 : vector<32x128xf32>, vector<32x128xf32>, vector<32x128xf32>, vector<32x128xf32> -> vector<128x128xf32>
    %transpose3A_129 = tpu.transpose %concatenate3A_128, [1, 0] : vector<128x128xf32> -> vector<128x128xf32>
    %swap3A_130 = arith.constant 1664 : index
    %swap3A_131 = arith.constant 0 : index
    %swap3A_132 = vector.load %arg6[%swap3A_130, %swap3A_131] : memref<2048x128xf32, #tpu.memory_space<vmem>>, vector<128x128xf32>
    tpu.vector_store %arg6[%swap3A_130, %swap3A_131], %transpose3A_129 {strides = array<i32>} : memref<2048x128xf32, #tpu.memory_space<vmem>>, vector<128x128xf32>,
    %slice3A_133 = vector.extract_strided_slice %get3A_1 {offsets = [0, 1792], sizes = [32, 128], strides = [1, 1]} : vector<32x2048xf32> to vector<32x128xf32>
    %slice3A_134 = vector.extract_strided_slice %get3A_4 {offsets = [0, 1792], sizes = [32, 128], strides = [1, 1]} : vector<32x2048xf32> to vector<32x128xf32>
    %slice3A_135 = vector.extract_strided_slice %get3A_7 {offsets = [0, 1792], sizes = [32, 128], strides = [1, 1]} : vector<32x2048xf32> to vector<32x128xf32>
    %slice3A_136 = vector.extract_strided_slice %get3A_10 {offsets = [0, 1792], sizes = [32, 128], strides = [1, 1]} : vector<32x2048xf32> to vector<32x128xf32>
    %concatenate3A_137 = tpu.concatenate %slice3A_133, %slice3A_134, %slice3A_135, %slice3A_136 in 0 : vector<32x128xf32>, vector<32x128xf32>, vector<32x128xf32>, vector<32x128xf32> -> vector<128x128xf32>
    %transpose3A_138 = tpu.transpose %concatenate3A_137, [1, 0] : vector<128x128xf32> -> vector<128x128xf32>
    %swap3A_139 = arith.constant 1792 : index
    %swap3A_140 = arith.constant 0 : index
    %swap3A_141 = vector.load %arg6[%swap3A_139, %swap3A_140] : memref<2048x128xf32, #tpu.memory_space<vmem>>, vector<128x128xf32>
    tpu.vector_store %arg6[%swap3A_139, %swap3A_140], %transpose3A_138 {strides = array<i32>} : memref<2048x128xf32, #tpu.memory_space<vmem>>, vector<128x128xf32>,
    %slice3A_142 = vector.extract_strided_slice %get3A_1 {offsets = [0, 1920], sizes = [32, 128], strides = [1, 1]} : vector<32x2048xf32> to vector<32x128xf32>
    %slice3A_143 = vector.extract_strided_slice %get3A_4 {offsets = [0, 1920], sizes = [32, 128], strides = [1, 1]} : vector<32x2048xf32> to vector<32x128xf32>
    %slice3A_144 = vector.extract_strided_slice %get3A_7 {offsets = [0, 1920], sizes = [32, 128], strides = [1, 1]} : vector<32x2048xf32> to vector<32x128xf32>
    %slice3A_145 = vector.extract_strided_slice %get3A_10 {offsets = [0, 1920], sizes = [32, 128], strides = [1, 1]} : vector<32x2048xf32> to vector<32x128xf32>
    %concatenate3A_146 = tpu.concatenate %slice3A_142, %slice3A_143, %slice3A_144, %slice3A_145 in 0 : vector<32x128xf32>, vector<32x128xf32>, vector<32x128xf32>, vector<32x128xf32> -> vector<128x128xf32>
    %transpose3A_147 = tpu.transpose %concatenate3A_146, [1, 0] : vector<128x128xf32> -> vector<128x128xf32>
    %swap3A_148 = arith.constant 1920 : index
    %swap3A_149 = arith.constant 0 : index
    %swap3A_150 = vector.load %arg6[%swap3A_148, %swap3A_149] : memref<2048x128xf32, #tpu.memory_space<vmem>>, vector<128x128xf32>
    tpu.vector_store %arg6[%swap3A_148, %swap3A_149], %transpose3A_147 {strides = array<i32>} : memref<2048x128xf32, #tpu.memory_space<vmem>>, vector<128x128xf32>,
    %get3A_151 = arith.constant 0 : index
    %get3A_152 = arith.constant 0 : index
    %get3A_153 = vector.load %arg5[%get3A_151, %get3A_152] : memref<1x8192xi32, #tpu.memory_space<vmem>>, vector<1x8192xi32>
    %reshape3A = vector.shape_cast %get3A_153 : vector<1x8192xi32> to vector<8192xi32>
    %swap3A_154 = arith.constant 0 : index
    %swap3A_155 = vector.load %arg7[%swap3A_154] : memref<8192xi32, #tpu.memory_space<vmem>>, vector<8192xi32>
    tpu.vector_store %arg7[%swap3A_154], %reshape3A {strides = array<i32>} : memref<8192xi32, #tpu.memory_space<vmem>>, vector<8192xi32>,
    return
  }
  func.func @transform_0(%arg0: i32) -> (i32, i32) {
    %c0_i32 = arith.constant 0 : i32
    %c0_i32_0 = arith.constant 0 : i32
    return %c0_i32, %arg0 : i32, i32
  }
  func.func @transform_1(%arg0: i32) -> (i32, i32) {
    %add3A = arith.constant 2 : i32
    %add3A_0 = arith.addi %arg0, %add3A : i32
    %c0_i32 = arith.constant 0 : i32
    %c0_i32_1 = arith.constant 0 : i32
    return %c0_i32, %add3A_0 : i32, i32
  }
  func.func @transform_2(%arg0: i32) -> (i32, i32) {
    %add3A = arith.constant 4 : i32
    %add3A_0 = arith.addi %arg0, %add3A : i32
    %c0_i32 = arith.constant 0 : i32
    %c0_i32_1 = arith.constant 0 : i32
    return %c0_i32, %add3A_0 : i32, i32
  }
  func.func @transform_3(%arg0: i32) -> (i32, i32) {
    %add3A = arith.constant 6 : i32
    %add3A_0 = arith.addi %arg0, %add3A : i32
    %c0_i32 = arith.constant 0 : i32
    %c0_i32_1 = arith.constant 0 : i32
    return %c0_i32, %add3A_0 : i32, i32
  }
  func.func @transform_4(%arg0: i32) -> (i32, i32) {
    %c0_i32 = arith.constant 0 : i32
    %c0_i32_0 = arith.constant 0 : i32
    return %c0_i32, %arg0 : i32, i32
  }
  func.func @transform_5(%arg0: i32) -> (i32, i32) {
    %c0_i32 = arith.constant 0 : i32
    %c0_i32_0 = arith.constant 0 : i32
    return %arg0, %c0_i32 : i32, i32
  }
  func.func @transform_6(%arg0: i32) -> i32 {
    %c0_i32 = arith.constant 0 : i32
    return %arg0 : i32
  }
}

module attributes {stable_mosaic.version = 14 : i64} {
  func.func @_tc_prep_body(%arg0: i32, %arg1: memref<32x5120xf32, #tpu.memory_space<vmem>>, %arg2: memref<32x5120xf32, #tpu.memory_space<vmem>>, %arg3: memref<32x5120xf32, #tpu.memory_space<vmem>>, %arg4: memref<32x5120xf32, #tpu.memory_space<vmem>>, %arg5: memref<32x5120xf32, #tpu.memory_space<vmem>>, %arg6: memref<32x5120xf32, #tpu.memory_space<vmem>>, %arg7: memref<32x5120xf32, #tpu.memory_space<vmem>>, %arg8: memref<32x5120xf32, #tpu.memory_space<vmem>>, %arg9: memref<655360xf32, #tpu.memory_space<vmem>>) attributes {dimension_semantics = [#tpu.dimension_semantics<arbitrary>], iteration_bounds = array<i64: 5>, scalar_prefetch = 0 : i64, scratch_operands = 0 : i64, tpu.core_type = #tpu.core_type<tc>, window_params = [{transform_indices = @transform_0, window_bounds = array<i64: 32, 5120>}, {transform_indices = @transform_1, window_bounds = array<i64: 32, 5120>}, {transform_indices = @transform_2, window_bounds = array<i64: 32, 5120>}, {transform_indices = @transform_3, window_bounds = array<i64: 32, 5120>}, {transform_indices = @transform_4, window_bounds = array<i64: 32, 5120>}, {transform_indices = @transform_5, window_bounds = array<i64: 32, 5120>}, {transform_indices = @transform_6, window_bounds = array<i64: 32, 5120>}, {transform_indices = @transform_7, window_bounds = array<i64: 32, 5120>}, {transform_indices = @transform_8, window_bounds = array<i64: 655360>}]} {
    %get3A = arith.constant 0 : index
    %get3A_0 = arith.constant 0 : index
    %get3A_1 = vector.load %arg1[%get3A, %get3A_0] : memref<32x5120xf32, #tpu.memory_space<vmem>>, vector<32x5120xf32>
    %neg3A = arith.constant 0.000000e+00 : f32
    %neg3A_2 = vector.broadcast %neg3A : f32 to vector<32x5120xf32>
    %neg3A_3 = arith.subf %neg3A_2, %get3A_1 : vector<32x5120xf32>
    %exp3A = math.exp %neg3A_3 : vector<32x5120xf32>
    %add3A = arith.constant 1.000000e+00 : f32
    %add3A_4 = vector.broadcast %add3A : f32 to vector<32x5120xf32>
    %add3A_5 = arith.addf %add3A_4, %exp3A : vector<32x5120xf32>
    %div3A = arith.constant 1.000000e+00 : f32
    %div3A_6 = vector.broadcast %div3A : f32 to vector<32x5120xf32>
    %div3A_7 = arith.divf %div3A_6, %add3A_5 : vector<32x5120xf32>
    %add3A_8 = arith.constant 1.000000e-07 : f32
    %add3A_9 = vector.broadcast %add3A_8 : f32 to vector<32x5120xf32>
    %add3A_10 = arith.addf %add3A_9, %div3A_7 : vector<32x5120xf32>
    %convert_element_type3A = arith.truncf %add3A_10 : vector<32x5120xf32> to vector<32x5120xbf16>
    %bitcast_convert_type3A = tpu.bitcast %convert_element_type3A : vector<32x5120xbf16> -> vector<32x5120xi16>
    %convert_element_type3A_11 = arith.extui %bitcast_convert_type3A : vector<32x5120xi16> to vector<32x5120xi32>
    %slice3A = vector.extract_strided_slice %convert_element_type3A_11 {offsets = [0, 0], sizes = [16, 5120], strides = [1, 1]} : vector<32x5120xi32> to vector<16x5120xi32>
    %slice3A_12 = vector.extract_strided_slice %convert_element_type3A_11 {offsets = [16, 0], sizes = [16, 5120], strides = [1, 1]} : vector<32x5120xi32> to vector<16x5120xi32>
    %shift_left3A = arith.constant 16 : i32
    %shift_left3A_13 = vector.broadcast %shift_left3A : i32 to vector<16x5120xi32>
    %shift_left3A_14 = arith.shli %slice3A_12, %shift_left3A_13 : vector<16x5120xi32>
    %or3A = arith.ori %slice3A, %shift_left3A_14 : vector<16x5120xi32>
    %bitcast_convert_type3A_15 = tpu.bitcast %or3A : vector<16x5120xi32> -> vector<16x5120xf32>
    %get3A_16 = arith.constant 0 : index
    %get3A_17 = arith.constant 0 : index
    %get3A_18 = vector.load %arg2[%get3A_16, %get3A_17] : memref<32x5120xf32, #tpu.memory_space<vmem>>, vector<32x5120xf32>
    %max3A = arith.constant 0.000000e+00 : f32
    %max3A_19 = vector.broadcast %max3A : f32 to vector<32x5120xf32>
    %max3A_20 = arith.maximumf %get3A_18, %max3A_19 : vector<32x5120xf32>
    %add3A_21 = arith.constant 1.000000e-07 : f32
    %add3A_22 = vector.broadcast %add3A_21 : f32 to vector<32x5120xf32>
    %add3A_23 = arith.addf %add3A_22, %max3A_20 : vector<32x5120xf32>
    %abs3A = math.absf %get3A_18 : vector<32x5120xf32>
    %neg3A_24 = arith.constant 0.000000e+00 : f32
    %neg3A_25 = vector.broadcast %neg3A_24 : f32 to vector<32x5120xf32>
    %neg3A_26 = arith.subf %neg3A_25, %abs3A : vector<32x5120xf32>
    %exp3A_27 = math.exp %neg3A_26 : vector<32x5120xf32>
    %add3A_28 = arith.constant 1.000000e+00 : f32
    %add3A_29 = vector.broadcast %add3A_28 : f32 to vector<32x5120xf32>
    %add3A_30 = arith.addf %add3A_29, %exp3A_27 : vector<32x5120xf32>
    %log3A = math.log %add3A_30 : vector<32x5120xf32>
    %add3A_31 = arith.addf %add3A_23, %log3A : vector<32x5120xf32>
    %convert_element_type3A_32 = arith.truncf %add3A_31 : vector<32x5120xf32> to vector<32x5120xbf16>
    %bitcast_convert_type3A_33 = tpu.bitcast %convert_element_type3A_32 : vector<32x5120xbf16> -> vector<32x5120xi16>
    %convert_element_type3A_34 = arith.extui %bitcast_convert_type3A_33 : vector<32x5120xi16> to vector<32x5120xi32>
    %slice3A_35 = vector.extract_strided_slice %convert_element_type3A_34 {offsets = [0, 0], sizes = [16, 5120], strides = [1, 1]} : vector<32x5120xi32> to vector<16x5120xi32>
    %slice3A_36 = vector.extract_strided_slice %convert_element_type3A_34 {offsets = [16, 0], sizes = [16, 5120], strides = [1, 1]} : vector<32x5120xi32> to vector<16x5120xi32>
    %shift_left3A_37 = arith.constant 16 : i32
    %shift_left3A_38 = vector.broadcast %shift_left3A_37 : i32 to vector<16x5120xi32>
    %shift_left3A_39 = arith.shli %slice3A_36, %shift_left3A_38 : vector<16x5120xi32>
    %or3A_40 = arith.ori %slice3A_35, %shift_left3A_39 : vector<16x5120xi32>
    %bitcast_convert_type3A_41 = tpu.bitcast %or3A_40 : vector<16x5120xi32> -> vector<16x5120xf32>
    %get3A_42 = arith.constant 0 : index
    %get3A_43 = arith.constant 0 : index
    %get3A_44 = vector.load %arg3[%get3A_42, %get3A_43] : memref<32x5120xf32, #tpu.memory_space<vmem>>, vector<32x5120xf32>
    %neg3A_45 = arith.constant 0.000000e+00 : f32
    %neg3A_46 = vector.broadcast %neg3A_45 : f32 to vector<32x5120xf32>
    %neg3A_47 = arith.subf %neg3A_46, %get3A_44 : vector<32x5120xf32>
    %exp3A_48 = math.exp %neg3A_47 : vector<32x5120xf32>
    %add3A_49 = arith.constant 1.000000e+00 : f32
    %add3A_50 = vector.broadcast %add3A_49 : f32 to vector<32x5120xf32>
    %add3A_51 = arith.addf %add3A_50, %exp3A_48 : vector<32x5120xf32>
    %div3A_52 = arith.constant 1.000000e+00 : f32
    %div3A_53 = vector.broadcast %div3A_52 : f32 to vector<32x5120xf32>
    %div3A_54 = arith.divf %div3A_53, %add3A_51 : vector<32x5120xf32>
    %add3A_55 = arith.constant 1.000000e-07 : f32
    %add3A_56 = vector.broadcast %add3A_55 : f32 to vector<32x5120xf32>
    %add3A_57 = arith.addf %add3A_56, %div3A_54 : vector<32x5120xf32>
    %convert_element_type3A_58 = arith.truncf %add3A_57 : vector<32x5120xf32> to vector<32x5120xbf16>
    %bitcast_convert_type3A_59 = tpu.bitcast %convert_element_type3A_58 : vector<32x5120xbf16> -> vector<32x5120xi16>
    %convert_element_type3A_60 = arith.extui %bitcast_convert_type3A_59 : vector<32x5120xi16> to vector<32x5120xi32>
    %slice3A_61 = vector.extract_strided_slice %convert_element_type3A_60 {offsets = [0, 0], sizes = [16, 5120], strides = [1, 1]} : vector<32x5120xi32> to vector<16x5120xi32>
    %slice3A_62 = vector.extract_strided_slice %convert_element_type3A_60 {offsets = [16, 0], sizes = [16, 5120], strides = [1, 1]} : vector<32x5120xi32> to vector<16x5120xi32>
    %shift_left3A_63 = arith.constant 16 : i32
    %shift_left3A_64 = vector.broadcast %shift_left3A_63 : i32 to vector<16x5120xi32>
    %shift_left3A_65 = arith.shli %slice3A_62, %shift_left3A_64 : vector<16x5120xi32>
    %or3A_66 = arith.ori %slice3A_61, %shift_left3A_65 : vector<16x5120xi32>
    %bitcast_convert_type3A_67 = tpu.bitcast %or3A_66 : vector<16x5120xi32> -> vector<16x5120xf32>
    %get3A_68 = arith.constant 0 : index
    %get3A_69 = arith.constant 0 : index
    %get3A_70 = vector.load %arg4[%get3A_68, %get3A_69] : memref<32x5120xf32, #tpu.memory_space<vmem>>, vector<32x5120xf32>
    %max3A_71 = arith.constant 0.000000e+00 : f32
    %max3A_72 = vector.broadcast %max3A_71 : f32 to vector<32x5120xf32>
    %max3A_73 = arith.maximumf %get3A_70, %max3A_72 : vector<32x5120xf32>
    %add3A_74 = arith.constant 1.000000e-07 : f32
    %add3A_75 = vector.broadcast %add3A_74 : f32 to vector<32x5120xf32>
    %add3A_76 = arith.addf %add3A_75, %max3A_73 : vector<32x5120xf32>
    %abs3A_77 = math.absf %get3A_70 : vector<32x5120xf32>
    %neg3A_78 = arith.constant 0.000000e+00 : f32
    %neg3A_79 = vector.broadcast %neg3A_78 : f32 to vector<32x5120xf32>
    %neg3A_80 = arith.subf %neg3A_79, %abs3A_77 : vector<32x5120xf32>
    %exp3A_81 = math.exp %neg3A_80 : vector<32x5120xf32>
    %add3A_82 = arith.constant 1.000000e+00 : f32
    %add3A_83 = vector.broadcast %add3A_82 : f32 to vector<32x5120xf32>
    %add3A_84 = arith.addf %add3A_83, %exp3A_81 : vector<32x5120xf32>
    %log3A_85 = math.log %add3A_84 : vector<32x5120xf32>
    %add3A_86 = arith.addf %add3A_76, %log3A_85 : vector<32x5120xf32>
    %convert_element_type3A_87 = arith.truncf %add3A_86 : vector<32x5120xf32> to vector<32x5120xbf16>
    %bitcast_convert_type3A_88 = tpu.bitcast %convert_element_type3A_87 : vector<32x5120xbf16> -> vector<32x5120xi16>
    %convert_element_type3A_89 = arith.extui %bitcast_convert_type3A_88 : vector<32x5120xi16> to vector<32x5120xi32>
    %slice3A_90 = vector.extract_strided_slice %convert_element_type3A_89 {offsets = [0, 0], sizes = [16, 5120], strides = [1, 1]} : vector<32x5120xi32> to vector<16x5120xi32>
    %slice3A_91 = vector.extract_strided_slice %convert_element_type3A_89 {offsets = [16, 0], sizes = [16, 5120], strides = [1, 1]} : vector<32x5120xi32> to vector<16x5120xi32>
    %shift_left3A_92 = arith.constant 16 : i32
    %shift_left3A_93 = vector.broadcast %shift_left3A_92 : i32 to vector<16x5120xi32>
    %shift_left3A_94 = arith.shli %slice3A_91, %shift_left3A_93 : vector<16x5120xi32>
    %or3A_95 = arith.ori %slice3A_90, %shift_left3A_94 : vector<16x5120xi32>
    %bitcast_convert_type3A_96 = tpu.bitcast %or3A_95 : vector<16x5120xi32> -> vector<16x5120xf32>
    %get3A_97 = arith.constant 0 : index
    %get3A_98 = arith.constant 0 : index
    %get3A_99 = vector.load %arg5[%get3A_97, %get3A_98] : memref<32x5120xf32, #tpu.memory_space<vmem>>, vector<32x5120xf32>
    %neg3A_100 = arith.constant 0.000000e+00 : f32
    %neg3A_101 = vector.broadcast %neg3A_100 : f32 to vector<32x5120xf32>
    %neg3A_102 = arith.subf %neg3A_101, %get3A_99 : vector<32x5120xf32>
    %exp3A_103 = math.exp %neg3A_102 : vector<32x5120xf32>
    %add3A_104 = arith.constant 1.000000e+00 : f32
    %add3A_105 = vector.broadcast %add3A_104 : f32 to vector<32x5120xf32>
    %add3A_106 = arith.addf %add3A_105, %exp3A_103 : vector<32x5120xf32>
    %div3A_107 = arith.constant 1.000000e+00 : f32
    %div3A_108 = vector.broadcast %div3A_107 : f32 to vector<32x5120xf32>
    %div3A_109 = arith.divf %div3A_108, %add3A_106 : vector<32x5120xf32>
    %add3A_110 = arith.constant 1.000000e-07 : f32
    %add3A_111 = vector.broadcast %add3A_110 : f32 to vector<32x5120xf32>
    %add3A_112 = arith.addf %add3A_111, %div3A_109 : vector<32x5120xf32>
    %convert_element_type3A_113 = arith.truncf %add3A_112 : vector<32x5120xf32> to vector<32x5120xbf16>
    %bitcast_convert_type3A_114 = tpu.bitcast %convert_element_type3A_113 : vector<32x5120xbf16> -> vector<32x5120xi16>
    %convert_element_type3A_115 = arith.extui %bitcast_convert_type3A_114 : vector<32x5120xi16> to vector<32x5120xi32>
    %slice3A_116 = vector.extract_strided_slice %convert_element_type3A_115 {offsets = [0, 0], sizes = [16, 5120], strides = [1, 1]} : vector<32x5120xi32> to vector<16x5120xi32>
    %slice3A_117 = vector.extract_strided_slice %convert_element_type3A_115 {offsets = [16, 0], sizes = [16, 5120], strides = [1, 1]} : vector<32x5120xi32> to vector<16x5120xi32>
    %shift_left3A_118 = arith.constant 16 : i32
    %shift_left3A_119 = vector.broadcast %shift_left3A_118 : i32 to vector<16x5120xi32>
    %shift_left3A_120 = arith.shli %slice3A_117, %shift_left3A_119 : vector<16x5120xi32>
    %or3A_121 = arith.ori %slice3A_116, %shift_left3A_120 : vector<16x5120xi32>
    %bitcast_convert_type3A_122 = tpu.bitcast %or3A_121 : vector<16x5120xi32> -> vector<16x5120xf32>
    %get3A_123 = arith.constant 0 : index
    %get3A_124 = arith.constant 0 : index
    %get3A_125 = vector.load %arg6[%get3A_123, %get3A_124] : memref<32x5120xf32, #tpu.memory_space<vmem>>, vector<32x5120xf32>
    %max3A_126 = arith.constant 0.000000e+00 : f32
    %max3A_127 = vector.broadcast %max3A_126 : f32 to vector<32x5120xf32>
    %max3A_128 = arith.maximumf %get3A_125, %max3A_127 : vector<32x5120xf32>
    %add3A_129 = arith.constant 1.000000e-07 : f32
    %add3A_130 = vector.broadcast %add3A_129 : f32 to vector<32x5120xf32>
    %add3A_131 = arith.addf %add3A_130, %max3A_128 : vector<32x5120xf32>
    %abs3A_132 = math.absf %get3A_125 : vector<32x5120xf32>
    %neg3A_133 = arith.constant 0.000000e+00 : f32
    %neg3A_134 = vector.broadcast %neg3A_133 : f32 to vector<32x5120xf32>
    %neg3A_135 = arith.subf %neg3A_134, %abs3A_132 : vector<32x5120xf32>
    %exp3A_136 = math.exp %neg3A_135 : vector<32x5120xf32>
    %add3A_137 = arith.constant 1.000000e+00 : f32
    %add3A_138 = vector.broadcast %add3A_137 : f32 to vector<32x5120xf32>
    %add3A_139 = arith.addf %add3A_138, %exp3A_136 : vector<32x5120xf32>
    %log3A_140 = math.log %add3A_139 : vector<32x5120xf32>
    %add3A_141 = arith.addf %add3A_131, %log3A_140 : vector<32x5120xf32>
    %convert_element_type3A_142 = arith.truncf %add3A_141 : vector<32x5120xf32> to vector<32x5120xbf16>
    %bitcast_convert_type3A_143 = tpu.bitcast %convert_element_type3A_142 : vector<32x5120xbf16> -> vector<32x5120xi16>
    %convert_element_type3A_144 = arith.extui %bitcast_convert_type3A_143 : vector<32x5120xi16> to vector<32x5120xi32>
    %slice3A_145 = vector.extract_strided_slice %convert_element_type3A_144 {offsets = [0, 0], sizes = [16, 5120], strides = [1, 1]} : vector<32x5120xi32> to vector<16x5120xi32>
    %slice3A_146 = vector.extract_strided_slice %convert_element_type3A_144 {offsets = [16, 0], sizes = [16, 5120], strides = [1, 1]} : vector<32x5120xi32> to vector<16x5120xi32>
    %shift_left3A_147 = arith.constant 16 : i32
    %shift_left3A_148 = vector.broadcast %shift_left3A_147 : i32 to vector<16x5120xi32>
    %shift_left3A_149 = arith.shli %slice3A_146, %shift_left3A_148 : vector<16x5120xi32>
    %or3A_150 = arith.ori %slice3A_145, %shift_left3A_149 : vector<16x5120xi32>
    %bitcast_convert_type3A_151 = tpu.bitcast %or3A_150 : vector<16x5120xi32> -> vector<16x5120xf32>
    %get3A_152 = arith.constant 0 : index
    %get3A_153 = arith.constant 0 : index
    %get3A_154 = vector.load %arg7[%get3A_152, %get3A_153] : memref<32x5120xf32, #tpu.memory_space<vmem>>, vector<32x5120xf32>
    %neg3A_155 = arith.constant 0.000000e+00 : f32
    %neg3A_156 = vector.broadcast %neg3A_155 : f32 to vector<32x5120xf32>
    %neg3A_157 = arith.subf %neg3A_156, %get3A_154 : vector<32x5120xf32>
    %exp3A_158 = math.exp %neg3A_157 : vector<32x5120xf32>
    %add3A_159 = arith.constant 1.000000e+00 : f32
    %add3A_160 = vector.broadcast %add3A_159 : f32 to vector<32x5120xf32>
    %add3A_161 = arith.addf %add3A_160, %exp3A_158 : vector<32x5120xf32>
    %div3A_162 = arith.constant 1.000000e+00 : f32
    %div3A_163 = vector.broadcast %div3A_162 : f32 to vector<32x5120xf32>
    %div3A_164 = arith.divf %div3A_163, %add3A_161 : vector<32x5120xf32>
    %add3A_165 = arith.constant 1.000000e-07 : f32
    %add3A_166 = vector.broadcast %add3A_165 : f32 to vector<32x5120xf32>
    %add3A_167 = arith.addf %add3A_166, %div3A_164 : vector<32x5120xf32>
    %convert_element_type3A_168 = arith.truncf %add3A_167 : vector<32x5120xf32> to vector<32x5120xbf16>
    %bitcast_convert_type3A_169 = tpu.bitcast %convert_element_type3A_168 : vector<32x5120xbf16> -> vector<32x5120xi16>
    %convert_element_type3A_170 = arith.extui %bitcast_convert_type3A_169 : vector<32x5120xi16> to vector<32x5120xi32>
    %slice3A_171 = vector.extract_strided_slice %convert_element_type3A_170 {offsets = [0, 0], sizes = [16, 5120], strides = [1, 1]} : vector<32x5120xi32> to vector<16x5120xi32>
    %slice3A_172 = vector.extract_strided_slice %convert_element_type3A_170 {offsets = [16, 0], sizes = [16, 5120], strides = [1, 1]} : vector<32x5120xi32> to vector<16x5120xi32>
    %shift_left3A_173 = arith.constant 16 : i32
    %shift_left3A_174 = vector.broadcast %shift_left3A_173 : i32 to vector<16x5120xi32>
    %shift_left3A_175 = arith.shli %slice3A_172, %shift_left3A_174 : vector<16x5120xi32>
    %or3A_176 = arith.ori %slice3A_171, %shift_left3A_175 : vector<16x5120xi32>
    %bitcast_convert_type3A_177 = tpu.bitcast %or3A_176 : vector<16x5120xi32> -> vector<16x5120xf32>
    %get3A_178 = arith.constant 0 : index
    %get3A_179 = arith.constant 0 : index
    %get3A_180 = vector.load %arg8[%get3A_178, %get3A_179] : memref<32x5120xf32, #tpu.memory_space<vmem>>, vector<32x5120xf32>
    %max3A_181 = arith.constant 0.000000e+00 : f32
    %max3A_182 = vector.broadcast %max3A_181 : f32 to vector<32x5120xf32>
    %max3A_183 = arith.maximumf %get3A_180, %max3A_182 : vector<32x5120xf32>
    %add3A_184 = arith.constant 1.000000e-07 : f32
    %add3A_185 = vector.broadcast %add3A_184 : f32 to vector<32x5120xf32>
    %add3A_186 = arith.addf %add3A_185, %max3A_183 : vector<32x5120xf32>
    %abs3A_187 = math.absf %get3A_180 : vector<32x5120xf32>
    %neg3A_188 = arith.constant 0.000000e+00 : f32
    %neg3A_189 = vector.broadcast %neg3A_188 : f32 to vector<32x5120xf32>
    %neg3A_190 = arith.subf %neg3A_189, %abs3A_187 : vector<32x5120xf32>
    %exp3A_191 = math.exp %neg3A_190 : vector<32x5120xf32>
    %add3A_192 = arith.constant 1.000000e+00 : f32
    %add3A_193 = vector.broadcast %add3A_192 : f32 to vector<32x5120xf32>
    %add3A_194 = arith.addf %add3A_193, %exp3A_191 : vector<32x5120xf32>
    %log3A_195 = math.log %add3A_194 : vector<32x5120xf32>
    %add3A_196 = arith.addf %add3A_186, %log3A_195 : vector<32x5120xf32>
    %convert_element_type3A_197 = arith.truncf %add3A_196 : vector<32x5120xf32> to vector<32x5120xbf16>
    %bitcast_convert_type3A_198 = tpu.bitcast %convert_element_type3A_197 : vector<32x5120xbf16> -> vector<32x5120xi16>
    %convert_element_type3A_199 = arith.extui %bitcast_convert_type3A_198 : vector<32x5120xi16> to vector<32x5120xi32>
    %slice3A_200 = vector.extract_strided_slice %convert_element_type3A_199 {offsets = [0, 0], sizes = [16, 5120], strides = [1, 1]} : vector<32x5120xi32> to vector<16x5120xi32>
    %slice3A_201 = vector.extract_strided_slice %convert_element_type3A_199 {offsets = [16, 0], sizes = [16, 5120], strides = [1, 1]} : vector<32x5120xi32> to vector<16x5120xi32>
    %shift_left3A_202 = arith.constant 16 : i32
    %shift_left3A_203 = vector.broadcast %shift_left3A_202 : i32 to vector<16x5120xi32>
    %shift_left3A_204 = arith.shli %slice3A_201, %shift_left3A_203 : vector<16x5120xi32>
    %or3A_205 = arith.ori %slice3A_200, %shift_left3A_204 : vector<16x5120xi32>
    %bitcast_convert_type3A_206 = tpu.bitcast %or3A_205 : vector<16x5120xi32> -> vector<16x5120xf32>
    %slice3A_207 = vector.extract_strided_slice %bitcast_convert_type3A_15 {offsets = [0, 0], sizes = [16, 128], strides = [1, 1]} : vector<16x5120xf32> to vector<16x128xf32>
    %slice3A_208 = vector.extract_strided_slice %bitcast_convert_type3A_41 {offsets = [0, 0], sizes = [16, 128], strides = [1, 1]} : vector<16x5120xf32> to vector<16x128xf32>
    %slice3A_209 = vector.extract_strided_slice %bitcast_convert_type3A_67 {offsets = [0, 0], sizes = [16, 128], strides = [1, 1]} : vector<16x5120xf32> to vector<16x128xf32>
    %slice3A_210 = vector.extract_strided_slice %bitcast_convert_type3A_96 {offsets = [0, 0], sizes = [16, 128], strides = [1, 1]} : vector<16x5120xf32> to vector<16x128xf32>
    %slice3A_211 = vector.extract_strided_slice %bitcast_convert_type3A_122 {offsets = [0, 0], sizes = [16, 128], strides = [1, 1]} : vector<16x5120xf32> to vector<16x128xf32>
    %slice3A_212 = vector.extract_strided_slice %bitcast_convert_type3A_151 {offsets = [0, 0], sizes = [16, 128], strides = [1, 1]} : vector<16x5120xf32> to vector<16x128xf32>
    %slice3A_213 = vector.extract_strided_slice %bitcast_convert_type3A_177 {offsets = [0, 0], sizes = [16, 128], strides = [1, 1]} : vector<16x5120xf32> to vector<16x128xf32>
    %slice3A_214 = vector.extract_strided_slice %bitcast_convert_type3A_206 {offsets = [0, 0], sizes = [16, 128], strides = [1, 1]} : vector<16x5120xf32> to vector<16x128xf32>
    %concatenate3A = tpu.concatenate %slice3A_207, %slice3A_208, %slice3A_209, %slice3A_210, %slice3A_211, %slice3A_212, %slice3A_213, %slice3A_214 in 0 : vector<16x128xf32>, vector<16x128xf32>, vector<16x128xf32>, vector<16x128xf32>, vector<16x128xf32>, vector<16x128xf32>, vector<16x128xf32>, vector<16x128xf32> -> vector<128x128xf32>
    %transpose3A = tpu.transpose %concatenate3A, [1, 0] : vector<128x128xf32> -> vector<128x128xf32>
    %reshape3A = vector.shape_cast %transpose3A : vector<128x128xf32> to vector<16384xf32>
    %swap3A = arith.constant 0 : index
    %swap3A_215 = vector.load %arg9[%swap3A] : memref<655360xf32, #tpu.memory_space<vmem>>, vector<16384xf32>
    tpu.vector_store %arg9[%swap3A], %reshape3A {strides = array<i32>} : memref<655360xf32, #tpu.memory_space<vmem>>, vector<16384xf32>,
    %slice3A_216 = vector.extract_strided_slice %bitcast_convert_type3A_15 {offsets = [0, 128], sizes = [16, 128], strides = [1, 1]} : vector<16x5120xf32> to vector<16x128xf32>
    %slice3A_217 = vector.extract_strided_slice %bitcast_convert_type3A_41 {offsets = [0, 128], sizes = [16, 128], strides = [1, 1]} : vector<16x5120xf32> to vector<16x128xf32>
    %slice3A_218 = vector.extract_strided_slice %bitcast_convert_type3A_67 {offsets = [0, 128], sizes = [16, 128], strides = [1, 1]} : vector<16x5120xf32> to vector<16x128xf32>
    %slice3A_219 = vector.extract_strided_slice %bitcast_convert_type3A_96 {offsets = [0, 128], sizes = [16, 128], strides = [1, 1]} : vector<16x5120xf32> to vector<16x128xf32>
    %slice3A_220 = vector.extract_strided_slice %bitcast_convert_type3A_122 {offsets = [0, 128], sizes = [16, 128], strides = [1, 1]} : vector<16x5120xf32> to vector<16x128xf32>
    %slice3A_221 = vector.extract_strided_slice %bitcast_convert_type3A_151 {offsets = [0, 128], sizes = [16, 128], strides = [1, 1]} : vector<16x5120xf32> to vector<16x128xf32>
    %slice3A_222 = vector.extract_strided_slice %bitcast_convert_type3A_177 {offsets = [0, 128], sizes = [16, 128], strides = [1, 1]} : vector<16x5120xf32> to vector<16x128xf32>
    %slice3A_223 = vector.extract_strided_slice %bitcast_convert_type3A_206 {offsets = [0, 128], sizes = [16, 128], strides = [1, 1]} : vector<16x5120xf32> to vector<16x128xf32>
    %concatenate3A_224 = tpu.concatenate %slice3A_216, %slice3A_217, %slice3A_218, %slice3A_219, %slice3A_220, %slice3A_221, %slice3A_222, %slice3A_223 in 0 : vector<16x128xf32>, vector<16x128xf32>, vector<16x128xf32>, vector<16x128xf32>, vector<16x128xf32>, vector<16x128xf32>, vector<16x128xf32>, vector<16x128xf32> -> vector<128x128xf32>
    %transpose3A_225 = tpu.transpose %concatenate3A_224, [1, 0] : vector<128x128xf32> -> vector<128x128xf32>
    %reshape3A_226 = vector.shape_cast %transpose3A_225 : vector<128x128xf32> to vector<16384xf32>
    %swap3A_227 = arith.constant 16384 : index
    %swap3A_228 = vector.load %arg9[%swap3A_227] : memref<655360xf32, #tpu.memory_space<vmem>>, vector<16384xf32>
    tpu.vector_store %arg9[%swap3A_227], %reshape3A_226 {strides = array<i32>} : memref<655360xf32, #tpu.memory_space<vmem>>, vector<16384xf32>,
    %slice3A_229 = vector.extract_strided_slice %bitcast_convert_type3A_15 {offsets = [0, 256], sizes = [16, 128], strides = [1, 1]} : vector<16x5120xf32> to vector<16x128xf32>
    %slice3A_230 = vector.extract_strided_slice %bitcast_convert_type3A_41 {offsets = [0, 256], sizes = [16, 128], strides = [1, 1]} : vector<16x5120xf32> to vector<16x128xf32>
    %slice3A_231 = vector.extract_strided_slice %bitcast_convert_type3A_67 {offsets = [0, 256], sizes = [16, 128], strides = [1, 1]} : vector<16x5120xf32> to vector<16x128xf32>
    %slice3A_232 = vector.extract_strided_slice %bitcast_convert_type3A_96 {offsets = [0, 256], sizes = [16, 128], strides = [1, 1]} : vector<16x5120xf32> to vector<16x128xf32>
    %slice3A_233 = vector.extract_strided_slice %bitcast_convert_type3A_122 {offsets = [0, 256], sizes = [16, 128], strides = [1, 1]} : vector<16x5120xf32> to vector<16x128xf32>
    %slice3A_234 = vector.extract_strided_slice %bitcast_convert_type3A_151 {offsets = [0, 256], sizes = [16, 128], strides = [1, 1]} : vector<16x5120xf32> to vector<16x128xf32>
    %slice3A_235 = vector.extract_strided_slice %bitcast_convert_type3A_177 {offsets = [0, 256], sizes = [16, 128], strides = [1, 1]} : vector<16x5120xf32> to vector<16x128xf32>
    %slice3A_236 = vector.extract_strided_slice %bitcast_convert_type3A_206 {offsets = [0, 256], sizes = [16, 128], strides = [1, 1]} : vector<16x5120xf32> to vector<16x128xf32>
    %concatenate3A_237 = tpu.concatenate %slice3A_229, %slice3A_230, %slice3A_231, %slice3A_232, %slice3A_233, %slice3A_234, %slice3A_235, %slice3A_236 in 0 : vector<16x128xf32>, vector<16x128xf32>, vector<16x128xf32>, vector<16x128xf32>, vector<16x128xf32>, vector<16x128xf32>, vector<16x128xf32>, vector<16x128xf32> -> vector<128x128xf32>
    %transpose3A_238 = tpu.transpose %concatenate3A_237, [1, 0] : vector<128x128xf32> -> vector<128x128xf32>
    %reshape3A_239 = vector.shape_cast %transpose3A_238 : vector<128x128xf32> to vector<16384xf32>
    %swap3A_240 = arith.constant 32768 : index
    %swap3A_241 = vector.load %arg9[%swap3A_240] : memref<655360xf32, #tpu.memory_space<vmem>>, vector<16384xf32>
    tpu.vector_store %arg9[%swap3A_240], %reshape3A_239 {strides = array<i32>} : memref<655360xf32, #tpu.memory_space<vmem>>, vector<16384xf32>,
    %slice3A_242 = vector.extract_strided_slice %bitcast_convert_type3A_15 {offsets = [0, 384], sizes = [16, 128], strides = [1, 1]} : vector<16x5120xf32> to vector<16x128xf32>
    %slice3A_243 = vector.extract_strided_slice %bitcast_convert_type3A_41 {offsets = [0, 384], sizes = [16, 128], strides = [1, 1]} : vector<16x5120xf32> to vector<16x128xf32>
    %slice3A_244 = vector.extract_strided_slice %bitcast_convert_type3A_67 {offsets = [0, 384], sizes = [16, 128], strides = [1, 1]} : vector<16x5120xf32> to vector<16x128xf32>
    %slice3A_245 = vector.extract_strided_slice %bitcast_convert_type3A_96 {offsets = [0, 384], sizes = [16, 128], strides = [1, 1]} : vector<16x5120xf32> to vector<16x128xf32>
    %slice3A_246 = vector.extract_strided_slice %bitcast_convert_type3A_122 {offsets = [0, 384], sizes = [16, 128], strides = [1, 1]} : vector<16x5120xf32> to vector<16x128xf32>
    %slice3A_247 = vector.extract_strided_slice %bitcast_convert_type3A_151 {offsets = [0, 384], sizes = [16, 128], strides = [1, 1]} : vector<16x5120xf32> to vector<16x128xf32>
    %slice3A_248 = vector.extract_strided_slice %bitcast_convert_type3A_177 {offsets = [0, 384], sizes = [16, 128], strides = [1, 1]} : vector<16x5120xf32> to vector<16x128xf32>
    %slice3A_249 = vector.extract_strided_slice %bitcast_convert_type3A_206 {offsets = [0, 384], sizes = [16, 128], strides = [1, 1]} : vector<16x5120xf32> to vector<16x128xf32>
    %concatenate3A_250 = tpu.concatenate %slice3A_242, %slice3A_243, %slice3A_244, %slice3A_245, %slice3A_246, %slice3A_247, %slice3A_248, %slice3A_249 in 0 : vector<16x128xf32>, vector<16x128xf32>, vector<16x128xf32>, vector<16x128xf32>, vector<16x128xf32>, vector<16x128xf32>, vector<16x128xf32>, vector<16x128xf32> -> vector<128x128xf32>
    %transpose3A_251 = tpu.transpose %concatenate3A_250, [1, 0] : vector<128x128xf32> -> vector<128x128xf32>
    %reshape3A_252 = vector.shape_cast %transpose3A_251 : vector<128x128xf32> to vector<16384xf32>
    %swap3A_253 = arith.constant 49152 : index
    %swap3A_254 = vector.load %arg9[%swap3A_253] : memref<655360xf32, #tpu.memory_space<vmem>>, vector<16384xf32>
    tpu.vector_store %arg9[%swap3A_253], %reshape3A_252 {strides = array<i32>} : memref<655360xf32, #tpu.memory_space<vmem>>, vector<16384xf32>,
    %slice3A_255 = vector.extract_strided_slice %bitcast_convert_type3A_15 {offsets = [0, 512], sizes = [16, 128], strides = [1, 1]} : vector<16x5120xf32> to vector<16x128xf32>
    %slice3A_256 = vector.extract_strided_slice %bitcast_convert_type3A_41 {offsets = [0, 512], sizes = [16, 128], strides = [1, 1]} : vector<16x5120xf32> to vector<16x128xf32>
    %slice3A_257 = vector.extract_strided_slice %bitcast_convert_type3A_67 {offsets = [0, 512], sizes = [16, 128], strides = [1, 1]} : vector<16x5120xf32> to vector<16x128xf32>
    %slice3A_258 = vector.extract_strided_slice %bitcast_convert_type3A_96 {offsets = [0, 512], sizes = [16, 128], strides = [1, 1]} : vector<16x5120xf32> to vector<16x128xf32>
    %slice3A_259 = vector.extract_strided_slice %bitcast_convert_type3A_122 {offsets = [0, 512], sizes = [16, 128], strides = [1, 1]} : vector<16x5120xf32> to vector<16x128xf32>
    %slice3A_260 = vector.extract_strided_slice %bitcast_convert_type3A_151 {offsets = [0, 512], sizes = [16, 128], strides = [1, 1]} : vector<16x5120xf32> to vector<16x128xf32>
    %slice3A_261 = vector.extract_strided_slice %bitcast_convert_type3A_177 {offsets = [0, 512], sizes = [16, 128], strides = [1, 1]} : vector<16x5120xf32> to vector<16x128xf32>
    %slice3A_262 = vector.extract_strided_slice %bitcast_convert_type3A_206 {offsets = [0, 512], sizes = [16, 128], strides = [1, 1]} : vector<16x5120xf32> to vector<16x128xf32>
    %concatenate3A_263 = tpu.concatenate %slice3A_255, %slice3A_256, %slice3A_257, %slice3A_258, %slice3A_259, %slice3A_260, %slice3A_261, %slice3A_262 in 0 : vector<16x128xf32>, vector<16x128xf32>, vector<16x128xf32>, vector<16x128xf32>, vector<16x128xf32>, vector<16x128xf32>, vector<16x128xf32>, vector<16x128xf32> -> vector<128x128xf32>
    %transpose3A_264 = tpu.transpose %concatenate3A_263, [1, 0] : vector<128x128xf32> -> vector<128x128xf32>
    %reshape3A_265 = vector.shape_cast %transpose3A_264 : vector<128x128xf32> to vector<16384xf32>
    %swap3A_266 = arith.constant 65536 : index
    %swap3A_267 = vector.load %arg9[%swap3A_266] : memref<655360xf32, #tpu.memory_space<vmem>>, vector<16384xf32>
    tpu.vector_store %arg9[%swap3A_266], %reshape3A_265 {strides = array<i32>} : memref<655360xf32, #tpu.memory_space<vmem>>, vector<16384xf32>,
    %slice3A_268 = vector.extract_strided_slice %bitcast_convert_type3A_15 {offsets = [0, 640], sizes = [16, 128], strides = [1, 1]} : vector<16x5120xf32> to vector<16x128xf32>
    %slice3A_269 = vector.extract_strided_slice %bitcast_convert_type3A_41 {offsets = [0, 640], sizes = [16, 128], strides = [1, 1]} : vector<16x5120xf32> to vector<16x128xf32>
    %slice3A_270 = vector.extract_strided_slice %bitcast_convert_type3A_67 {offsets = [0, 640], sizes = [16, 128], strides = [1, 1]} : vector<16x5120xf32> to vector<16x128xf32>
    %slice3A_271 = vector.extract_strided_slice %bitcast_convert_type3A_96 {offsets = [0, 640], sizes = [16, 128], strides = [1, 1]} : vector<16x5120xf32> to vector<16x128xf32>
    %slice3A_272 = vector.extract_strided_slice %bitcast_convert_type3A_122 {offsets = [0, 640], sizes = [16, 128], strides = [1, 1]} : vector<16x5120xf32> to vector<16x128xf32>
    %slice3A_273 = vector.extract_strided_slice %bitcast_convert_type3A_151 {offsets = [0, 640], sizes = [16, 128], strides = [1, 1]} : vector<16x5120xf32> to vector<16x128xf32>
    %slice3A_274 = vector.extract_strided_slice %bitcast_convert_type3A_177 {offsets = [0, 640], sizes = [16, 128], strides = [1, 1]} : vector<16x5120xf32> to vector<16x128xf32>
    %slice3A_275 = vector.extract_strided_slice %bitcast_convert_type3A_206 {offsets = [0, 640], sizes = [16, 128], strides = [1, 1]} : vector<16x5120xf32> to vector<16x128xf32>
    %concatenate3A_276 = tpu.concatenate %slice3A_268, %slice3A_269, %slice3A_270, %slice3A_271, %slice3A_272, %slice3A_273, %slice3A_274, %slice3A_275 in 0 : vector<16x128xf32>, vector<16x128xf32>, vector<16x128xf32>, vector<16x128xf32>, vector<16x128xf32>, vector<16x128xf32>, vector<16x128xf32>, vector<16x128xf32> -> vector<128x128xf32>
    %transpose3A_277 = tpu.transpose %concatenate3A_276, [1, 0] : vector<128x128xf32> -> vector<128x128xf32>
    %reshape3A_278 = vector.shape_cast %transpose3A_277 : vector<128x128xf32> to vector<16384xf32>
    %swap3A_279 = arith.constant 81920 : index
    %swap3A_280 = vector.load %arg9[%swap3A_279] : memref<655360xf32, #tpu.memory_space<vmem>>, vector<16384xf32>
    tpu.vector_store %arg9[%swap3A_279], %reshape3A_278 {strides = array<i32>} : memref<655360xf32, #tpu.memory_space<vmem>>, vector<16384xf32>,
    %slice3A_281 = vector.extract_strided_slice %bitcast_convert_type3A_15 {offsets = [0, 768], sizes = [16, 128], strides = [1, 1]} : vector<16x5120xf32> to vector<16x128xf32>
    %slice3A_282 = vector.extract_strided_slice %bitcast_convert_type3A_41 {offsets = [0, 768], sizes = [16, 128], strides = [1, 1]} : vector<16x5120xf32> to vector<16x128xf32>
    %slice3A_283 = vector.extract_strided_slice %bitcast_convert_type3A_67 {offsets = [0, 768], sizes = [16, 128], strides = [1, 1]} : vector<16x5120xf32> to vector<16x128xf32>
    %slice3A_284 = vector.extract_strided_slice %bitcast_convert_type3A_96 {offsets = [0, 768], sizes = [16, 128], strides = [1, 1]} : vector<16x5120xf32> to vector<16x128xf32>
    %slice3A_285 = vector.extract_strided_slice %bitcast_convert_type3A_122 {offsets = [0, 768], sizes = [16, 128], strides = [1, 1]} : vector<16x5120xf32> to vector<16x128xf32>
    %slice3A_286 = vector.extract_strided_slice %bitcast_convert_type3A_151 {offsets = [0, 768], sizes = [16, 128], strides = [1, 1]} : vector<16x5120xf32> to vector<16x128xf32>
    %slice3A_287 = vector.extract_strided_slice %bitcast_convert_type3A_177 {offsets = [0, 768], sizes = [16, 128], strides = [1, 1]} : vector<16x5120xf32> to vector<16x128xf32>
    %slice3A_288 = vector.extract_strided_slice %bitcast_convert_type3A_206 {offsets = [0, 768], sizes = [16, 128], strides = [1, 1]} : vector<16x5120xf32> to vector<16x128xf32>
    %concatenate3A_289 = tpu.concatenate %slice3A_281, %slice3A_282, %slice3A_283, %slice3A_284, %slice3A_285, %slice3A_286, %slice3A_287, %slice3A_288 in 0 : vector<16x128xf32>, vector<16x128xf32>, vector<16x128xf32>, vector<16x128xf32>, vector<16x128xf32>, vector<16x128xf32>, vector<16x128xf32>, vector<16x128xf32> -> vector<128x128xf32>
    %transpose3A_290 = tpu.transpose %concatenate3A_289, [1, 0] : vector<128x128xf32> -> vector<128x128xf32>
    %reshape3A_291 = vector.shape_cast %transpose3A_290 : vector<128x128xf32> to vector<16384xf32>
    %swap3A_292 = arith.constant 98304 : index
    %swap3A_293 = vector.load %arg9[%swap3A_292] : memref<655360xf32, #tpu.memory_space<vmem>>, vector<16384xf32>
    tpu.vector_store %arg9[%swap3A_292], %reshape3A_291 {strides = array<i32>} : memref<655360xf32, #tpu.memory_space<vmem>>, vector<16384xf32>,
    %slice3A_294 = vector.extract_strided_slice %bitcast_convert_type3A_15 {offsets = [0, 896], sizes = [16, 128], strides = [1, 1]} : vector<16x5120xf32> to vector<16x128xf32>
    %slice3A_295 = vector.extract_strided_slice %bitcast_convert_type3A_41 {offsets = [0, 896], sizes = [16, 128], strides = [1, 1]} : vector<16x5120xf32> to vector<16x128xf32>
    %slice3A_296 = vector.extract_strided_slice %bitcast_convert_type3A_67 {offsets = [0, 896], sizes = [16, 128], strides = [1, 1]} : vector<16x5120xf32> to vector<16x128xf32>
    %slice3A_297 = vector.extract_strided_slice %bitcast_convert_type3A_96 {offsets = [0, 896], sizes = [16, 128], strides = [1, 1]} : vector<16x5120xf32> to vector<16x128xf32>
    %slice3A_298 = vector.extract_strided_slice %bitcast_convert_type3A_122 {offsets = [0, 896], sizes = [16, 128], strides = [1, 1]} : vector<16x5120xf32> to vector<16x128xf32>
    %slice3A_299 = vector.extract_strided_slice %bitcast_convert_type3A_151 {offsets = [0, 896], sizes = [16, 128], strides = [1, 1]} : vector<16x5120xf32> to vector<16x128xf32>
    %slice3A_300 = vector.extract_strided_slice %bitcast_convert_type3A_177 {offsets = [0, 896], sizes = [16, 128], strides = [1, 1]} : vector<16x5120xf32> to vector<16x128xf32>
    %slice3A_301 = vector.extract_strided_slice %bitcast_convert_type3A_206 {offsets = [0, 896], sizes = [16, 128], strides = [1, 1]} : vector<16x5120xf32> to vector<16x128xf32>
    %concatenate3A_302 = tpu.concatenate %slice3A_294, %slice3A_295, %slice3A_296, %slice3A_297, %slice3A_298, %slice3A_299, %slice3A_300, %slice3A_301 in 0 : vector<16x128xf32>, vector<16x128xf32>, vector<16x128xf32>, vector<16x128xf32>, vector<16x128xf32>, vector<16x128xf32>, vector<16x128xf32>, vector<16x128xf32> -> vector<128x128xf32>
    %transpose3A_303 = tpu.transpose %concatenate3A_302, [1, 0] : vector<128x128xf32> -> vector<128x128xf32>
    %reshape3A_304 = vector.shape_cast %transpose3A_303 : vector<128x128xf32> to vector<16384xf32>
    %swap3A_305 = arith.constant 114688 : index
    %swap3A_306 = vector.load %arg9[%swap3A_305] : memref<655360xf32, #tpu.memory_space<vmem>>, vector<16384xf32>
    tpu.vector_store %arg9[%swap3A_305], %reshape3A_304 {strides = array<i32>} : memref<655360xf32, #tpu.memory_space<vmem>>, vector<16384xf32>,
    %slice3A_307 = vector.extract_strided_slice %bitcast_convert_type3A_15 {offsets = [0, 1024], sizes = [16, 128], strides = [1, 1]} : vector<16x5120xf32> to vector<16x128xf32>
    %slice3A_308 = vector.extract_strided_slice %bitcast_convert_type3A_41 {offsets = [0, 1024], sizes = [16, 128], strides = [1, 1]} : vector<16x5120xf32> to vector<16x128xf32>
    %slice3A_309 = vector.extract_strided_slice %bitcast_convert_type3A_67 {offsets = [0, 1024], sizes = [16, 128], strides = [1, 1]} : vector<16x5120xf32> to vector<16x128xf32>
    %slice3A_310 = vector.extract_strided_slice %bitcast_convert_type3A_96 {offsets = [0, 1024], sizes = [16, 128], strides = [1, 1]} : vector<16x5120xf32> to vector<16x128xf32>
    %slice3A_311 = vector.extract_strided_slice %bitcast_convert_type3A_122 {offsets = [0, 1024], sizes = [16, 128], strides = [1, 1]} : vector<16x5120xf32> to vector<16x128xf32>
    %slice3A_312 = vector.extract_strided_slice %bitcast_convert_type3A_151 {offsets = [0, 1024], sizes = [16, 128], strides = [1, 1]} : vector<16x5120xf32> to vector<16x128xf32>
    %slice3A_313 = vector.extract_strided_slice %bitcast_convert_type3A_177 {offsets = [0, 1024], sizes = [16, 128], strides = [1, 1]} : vector<16x5120xf32> to vector<16x128xf32>
    %slice3A_314 = vector.extract_strided_slice %bitcast_convert_type3A_206 {offsets = [0, 1024], sizes = [16, 128], strides = [1, 1]} : vector<16x5120xf32> to vector<16x128xf32>
    %concatenate3A_315 = tpu.concatenate %slice3A_307, %slice3A_308, %slice3A_309, %slice3A_310, %slice3A_311, %slice3A_312, %slice3A_313, %slice3A_314 in 0 : vector<16x128xf32>, vector<16x128xf32>, vector<16x128xf32>, vector<16x128xf32>, vector<16x128xf32>, vector<16x128xf32>, vector<16x128xf32>, vector<16x128xf32> -> vector<128x128xf32>
    %transpose3A_316 = tpu.transpose %concatenate3A_315, [1, 0] : vector<128x128xf32> -> vector<128x128xf32>
    %reshape3A_317 = vector.shape_cast %transpose3A_316 : vector<128x128xf32> to vector<16384xf32>
    %swap3A_318 = arith.constant 131072 : index
    %swap3A_319 = vector.load %arg9[%swap3A_318] : memref<655360xf32, #tpu.memory_space<vmem>>, vector<16384xf32>
    tpu.vector_store %arg9[%swap3A_318], %reshape3A_317 {strides = array<i32>} : memref<655360xf32, #tpu.memory_space<vmem>>, vector<16384xf32>,
    %slice3A_320 = vector.extract_strided_slice %bitcast_convert_type3A_15 {offsets = [0, 1152], sizes = [16, 128], strides = [1, 1]} : vector<16x5120xf32> to vector<16x128xf32>
    %slice3A_321 = vector.extract_strided_slice %bitcast_convert_type3A_41 {offsets = [0, 1152], sizes = [16, 128], strides = [1, 1]} : vector<16x5120xf32> to vector<16x128xf32>
    %slice3A_322 = vector.extract_strided_slice %bitcast_convert_type3A_67 {offsets = [0, 1152], sizes = [16, 128], strides = [1, 1]} : vector<16x5120xf32> to vector<16x128xf32>
    %slice3A_323 = vector.extract_strided_slice %bitcast_convert_type3A_96 {offsets = [0, 1152], sizes = [16, 128], strides = [1, 1]} : vector<16x5120xf32> to vector<16x128xf32>
    %slice3A_324 = vector.extract_strided_slice %bitcast_convert_type3A_122 {offsets = [0, 1152], sizes = [16, 128], strides = [1, 1]} : vector<16x5120xf32> to vector<16x128xf32>
    %slice3A_325 = vector.extract_strided_slice %bitcast_convert_type3A_151 {offsets = [0, 1152], sizes = [16, 128], strides = [1, 1]} : vector<16x5120xf32> to vector<16x128xf32>
    %slice3A_326 = vector.extract_strided_slice %bitcast_convert_type3A_177 {offsets = [0, 1152], sizes = [16, 128], strides = [1, 1]} : vector<16x5120xf32> to vector<16x128xf32>
    %slice3A_327 = vector.extract_strided_slice %bitcast_convert_type3A_206 {offsets = [0, 1152], sizes = [16, 128], strides = [1, 1]} : vector<16x5120xf32> to vector<16x128xf32>
    %concatenate3A_328 = tpu.concatenate %slice3A_320, %slice3A_321, %slice3A_322, %slice3A_323, %slice3A_324, %slice3A_325, %slice3A_326, %slice3A_327 in 0 : vector<16x128xf32>, vector<16x128xf32>, vector<16x128xf32>, vector<16x128xf32>, vector<16x128xf32>, vector<16x128xf32>, vector<16x128xf32>, vector<16x128xf32> -> vector<128x128xf32>
    %transpose3A_329 = tpu.transpose %concatenate3A_328, [1, 0] : vector<128x128xf32> -> vector<128x128xf32>
    %reshape3A_330 = vector.shape_cast %transpose3A_329 : vector<128x128xf32> to vector<16384xf32>
    %swap3A_331 = arith.constant 147456 : index
    %swap3A_332 = vector.load %arg9[%swap3A_331] : memref<655360xf32, #tpu.memory_space<vmem>>, vector<16384xf32>
    tpu.vector_store %arg9[%swap3A_331], %reshape3A_330 {strides = array<i32>} : memref<655360xf32, #tpu.memory_space<vmem>>, vector<16384xf32>,
    %slice3A_333 = vector.extract_strided_slice %bitcast_convert_type3A_15 {offsets = [0, 1280], sizes = [16, 128], strides = [1, 1]} : vector<16x5120xf32> to vector<16x128xf32>
    %slice3A_334 = vector.extract_strided_slice %bitcast_convert_type3A_41 {offsets = [0, 1280], sizes = [16, 128], strides = [1, 1]} : vector<16x5120xf32> to vector<16x128xf32>
    %slice3A_335 = vector.extract_strided_slice %bitcast_convert_type3A_67 {offsets = [0, 1280], sizes = [16, 128], strides = [1, 1]} : vector<16x5120xf32> to vector<16x128xf32>
    %slice3A_336 = vector.extract_strided_slice %bitcast_convert_type3A_96 {offsets = [0, 1280], sizes = [16, 128], strides = [1, 1]} : vector<16x5120xf32> to vector<16x128xf32>
    %slice3A_337 = vector.extract_strided_slice %bitcast_convert_type3A_122 {offsets = [0, 1280], sizes = [16, 128], strides = [1, 1]} : vector<16x5120xf32> to vector<16x128xf32>
    %slice3A_338 = vector.extract_strided_slice %bitcast_convert_type3A_151 {offsets = [0, 1280], sizes = [16, 128], strides = [1, 1]} : vector<16x5120xf32> to vector<16x128xf32>
    %slice3A_339 = vector.extract_strided_slice %bitcast_convert_type3A_177 {offsets = [0, 1280], sizes = [16, 128], strides = [1, 1]} : vector<16x5120xf32> to vector<16x128xf32>
    %slice3A_340 = vector.extract_strided_slice %bitcast_convert_type3A_206 {offsets = [0, 1280], sizes = [16, 128], strides = [1, 1]} : vector<16x5120xf32> to vector<16x128xf32>
    %concatenate3A_341 = tpu.concatenate %slice3A_333, %slice3A_334, %slice3A_335, %slice3A_336, %slice3A_337, %slice3A_338, %slice3A_339, %slice3A_340 in 0 : vector<16x128xf32>, vector<16x128xf32>, vector<16x128xf32>, vector<16x128xf32>, vector<16x128xf32>, vector<16x128xf32>, vector<16x128xf32>, vector<16x128xf32> -> vector<128x128xf32>
    %transpose3A_342 = tpu.transpose %concatenate3A_341, [1, 0] : vector<128x128xf32> -> vector<128x128xf32>
    %reshape3A_343 = vector.shape_cast %transpose3A_342 : vector<128x128xf32> to vector<16384xf32>
    %swap3A_344 = arith.constant 163840 : index
    %swap3A_345 = vector.load %arg9[%swap3A_344] : memref<655360xf32, #tpu.memory_space<vmem>>, vector<16384xf32>
    tpu.vector_store %arg9[%swap3A_344], %reshape3A_343 {strides = array<i32>} : memref<655360xf32, #tpu.memory_space<vmem>>, vector<16384xf32>,
    %slice3A_346 = vector.extract_strided_slice %bitcast_convert_type3A_15 {offsets = [0, 1408], sizes = [16, 128], strides = [1, 1]} : vector<16x5120xf32> to vector<16x128xf32>
    %slice3A_347 = vector.extract_strided_slice %bitcast_convert_type3A_41 {offsets = [0, 1408], sizes = [16, 128], strides = [1, 1]} : vector<16x5120xf32> to vector<16x128xf32>
    %slice3A_348 = vector.extract_strided_slice %bitcast_convert_type3A_67 {offsets = [0, 1408], sizes = [16, 128], strides = [1, 1]} : vector<16x5120xf32> to vector<16x128xf32>
    %slice3A_349 = vector.extract_strided_slice %bitcast_convert_type3A_96 {offsets = [0, 1408], sizes = [16, 128], strides = [1, 1]} : vector<16x5120xf32> to vector<16x128xf32>
    %slice3A_350 = vector.extract_strided_slice %bitcast_convert_type3A_122 {offsets = [0, 1408], sizes = [16, 128], strides = [1, 1]} : vector<16x5120xf32> to vector<16x128xf32>
    %slice3A_351 = vector.extract_strided_slice %bitcast_convert_type3A_151 {offsets = [0, 1408], sizes = [16, 128], strides = [1, 1]} : vector<16x5120xf32> to vector<16x128xf32>
    %slice3A_352 = vector.extract_strided_slice %bitcast_convert_type3A_177 {offsets = [0, 1408], sizes = [16, 128], strides = [1, 1]} : vector<16x5120xf32> to vector<16x128xf32>
    %slice3A_353 = vector.extract_strided_slice %bitcast_convert_type3A_206 {offsets = [0, 1408], sizes = [16, 128], strides = [1, 1]} : vector<16x5120xf32> to vector<16x128xf32>
    %concatenate3A_354 = tpu.concatenate %slice3A_346, %slice3A_347, %slice3A_348, %slice3A_349, %slice3A_350, %slice3A_351, %slice3A_352, %slice3A_353 in 0 : vector<16x128xf32>, vector<16x128xf32>, vector<16x128xf32>, vector<16x128xf32>, vector<16x128xf32>, vector<16x128xf32>, vector<16x128xf32>, vector<16x128xf32> -> vector<128x128xf32>
    %transpose3A_355 = tpu.transpose %concatenate3A_354, [1, 0] : vector<128x128xf32> -> vector<128x128xf32>
    %reshape3A_356 = vector.shape_cast %transpose3A_355 : vector<128x128xf32> to vector<16384xf32>
    %swap3A_357 = arith.constant 180224 : index
    %swap3A_358 = vector.load %arg9[%swap3A_357] : memref<655360xf32, #tpu.memory_space<vmem>>, vector<16384xf32>
    tpu.vector_store %arg9[%swap3A_357], %reshape3A_356 {strides = array<i32>} : memref<655360xf32, #tpu.memory_space<vmem>>, vector<16384xf32>,
    %slice3A_359 = vector.extract_strided_slice %bitcast_convert_type3A_15 {offsets = [0, 1536], sizes = [16, 128], strides = [1, 1]} : vector<16x5120xf32> to vector<16x128xf32>
    %slice3A_360 = vector.extract_strided_slice %bitcast_convert_type3A_41 {offsets = [0, 1536], sizes = [16, 128], strides = [1, 1]} : vector<16x5120xf32> to vector<16x128xf32>
    %slice3A_361 = vector.extract_strided_slice %bitcast_convert_type3A_67 {offsets = [0, 1536], sizes = [16, 128], strides = [1, 1]} : vector<16x5120xf32> to vector<16x128xf32>
    %slice3A_362 = vector.extract_strided_slice %bitcast_convert_type3A_96 {offsets = [0, 1536], sizes = [16, 128], strides = [1, 1]} : vector<16x5120xf32> to vector<16x128xf32>
    %slice3A_363 = vector.extract_strided_slice %bitcast_convert_type3A_122 {offsets = [0, 1536], sizes = [16, 128], strides = [1, 1]} : vector<16x5120xf32> to vector<16x128xf32>
    %slice3A_364 = vector.extract_strided_slice %bitcast_convert_type3A_151 {offsets = [0, 1536], sizes = [16, 128], strides = [1, 1]} : vector<16x5120xf32> to vector<16x128xf32>
    %slice3A_365 = vector.extract_strided_slice %bitcast_convert_type3A_177 {offsets = [0, 1536], sizes = [16, 128], strides = [1, 1]} : vector<16x5120xf32> to vector<16x128xf32>
    %slice3A_366 = vector.extract_strided_slice %bitcast_convert_type3A_206 {offsets = [0, 1536], sizes = [16, 128], strides = [1, 1]} : vector<16x5120xf32> to vector<16x128xf32>
    %concatenate3A_367 = tpu.concatenate %slice3A_359, %slice3A_360, %slice3A_361, %slice3A_362, %slice3A_363, %slice3A_364, %slice3A_365, %slice3A_366 in 0 : vector<16x128xf32>, vector<16x128xf32>, vector<16x128xf32>, vector<16x128xf32>, vector<16x128xf32>, vector<16x128xf32>, vector<16x128xf32>, vector<16x128xf32> -> vector<128x128xf32>
    %transpose3A_368 = tpu.transpose %concatenate3A_367, [1, 0] : vector<128x128xf32> -> vector<128x128xf32>
    %reshape3A_369 = vector.shape_cast %transpose3A_368 : vector<128x128xf32> to vector<16384xf32>
    %swap3A_370 = arith.constant 196608 : index
    %swap3A_371 = vector.load %arg9[%swap3A_370] : memref<655360xf32, #tpu.memory_space<vmem>>, vector<16384xf32>
    tpu.vector_store %arg9[%swap3A_370], %reshape3A_369 {strides = array<i32>} : memref<655360xf32, #tpu.memory_space<vmem>>, vector<16384xf32>,
    %slice3A_372 = vector.extract_strided_slice %bitcast_convert_type3A_15 {offsets = [0, 1664], sizes = [16, 128], strides = [1, 1]} : vector<16x5120xf32> to vector<16x128xf32>
    %slice3A_373 = vector.extract_strided_slice %bitcast_convert_type3A_41 {offsets = [0, 1664], sizes = [16, 128], strides = [1, 1]} : vector<16x5120xf32> to vector<16x128xf32>
    %slice3A_374 = vector.extract_strided_slice %bitcast_convert_type3A_67 {offsets = [0, 1664], sizes = [16, 128], strides = [1, 1]} : vector<16x5120xf32> to vector<16x128xf32>
    %slice3A_375 = vector.extract_strided_slice %bitcast_convert_type3A_96 {offsets = [0, 1664], sizes = [16, 128], strides = [1, 1]} : vector<16x5120xf32> to vector<16x128xf32>
    %slice3A_376 = vector.extract_strided_slice %bitcast_convert_type3A_122 {offsets = [0, 1664], sizes = [16, 128], strides = [1, 1]} : vector<16x5120xf32> to vector<16x128xf32>
    %slice3A_377 = vector.extract_strided_slice %bitcast_convert_type3A_151 {offsets = [0, 1664], sizes = [16, 128], strides = [1, 1]} : vector<16x5120xf32> to vector<16x128xf32>
    %slice3A_378 = vector.extract_strided_slice %bitcast_convert_type3A_177 {offsets = [0, 1664], sizes = [16, 128], strides = [1, 1]} : vector<16x5120xf32> to vector<16x128xf32>
    %slice3A_379 = vector.extract_strided_slice %bitcast_convert_type3A_206 {offsets = [0, 1664], sizes = [16, 128], strides = [1, 1]} : vector<16x5120xf32> to vector<16x128xf32>
    %concatenate3A_380 = tpu.concatenate %slice3A_372, %slice3A_373, %slice3A_374, %slice3A_375, %slice3A_376, %slice3A_377, %slice3A_378, %slice3A_379 in 0 : vector<16x128xf32>, vector<16x128xf32>, vector<16x128xf32>, vector<16x128xf32>, vector<16x128xf32>, vector<16x128xf32>, vector<16x128xf32>, vector<16x128xf32> -> vector<128x128xf32>
    %transpose3A_381 = tpu.transpose %concatenate3A_380, [1, 0] : vector<128x128xf32> -> vector<128x128xf32>
    %reshape3A_382 = vector.shape_cast %transpose3A_381 : vector<128x128xf32> to vector<16384xf32>
    %swap3A_383 = arith.constant 212992 : index
    %swap3A_384 = vector.load %arg9[%swap3A_383] : memref<655360xf32, #tpu.memory_space<vmem>>, vector<16384xf32>
    tpu.vector_store %arg9[%swap3A_383], %reshape3A_382 {strides = array<i32>} : memref<655360xf32, #tpu.memory_space<vmem>>, vector<16384xf32>,
    %slice3A_385 = vector.extract_strided_slice %bitcast_convert_type3A_15 {offsets = [0, 1792], sizes = [16, 128], strides = [1, 1]} : vector<16x5120xf32> to vector<16x128xf32>
    %slice3A_386 = vector.extract_strided_slice %bitcast_convert_type3A_41 {offsets = [0, 1792], sizes = [16, 128], strides = [1, 1]} : vector<16x5120xf32> to vector<16x128xf32>
    %slice3A_387 = vector.extract_strided_slice %bitcast_convert_type3A_67 {offsets = [0, 1792], sizes = [16, 128], strides = [1, 1]} : vector<16x5120xf32> to vector<16x128xf32>
    %slice3A_388 = vector.extract_strided_slice %bitcast_convert_type3A_96 {offsets = [0, 1792], sizes = [16, 128], strides = [1, 1]} : vector<16x5120xf32> to vector<16x128xf32>
    %slice3A_389 = vector.extract_strided_slice %bitcast_convert_type3A_122 {offsets = [0, 1792], sizes = [16, 128], strides = [1, 1]} : vector<16x5120xf32> to vector<16x128xf32>
    %slice3A_390 = vector.extract_strided_slice %bitcast_convert_type3A_151 {offsets = [0, 1792], sizes = [16, 128], strides = [1, 1]} : vector<16x5120xf32> to vector<16x128xf32>
    %slice3A_391 = vector.extract_strided_slice %bitcast_convert_type3A_177 {offsets = [0, 1792], sizes = [16, 128], strides = [1, 1]} : vector<16x5120xf32> to vector<16x128xf32>
    %slice3A_392 = vector.extract_strided_slice %bitcast_convert_type3A_206 {offsets = [0, 1792], sizes = [16, 128], strides = [1, 1]} : vector<16x5120xf32> to vector<16x128xf32>
    %concatenate3A_393 = tpu.concatenate %slice3A_385, %slice3A_386, %slice3A_387, %slice3A_388, %slice3A_389, %slice3A_390, %slice3A_391, %slice3A_392 in 0 : vector<16x128xf32>, vector<16x128xf32>, vector<16x128xf32>, vector<16x128xf32>, vector<16x128xf32>, vector<16x128xf32>, vector<16x128xf32>, vector<16x128xf32> -> vector<128x128xf32>
    %transpose3A_394 = tpu.transpose %concatenate3A_393, [1, 0] : vector<128x128xf32> -> vector<128x128xf32>
    %reshape3A_395 = vector.shape_cast %transpose3A_394 : vector<128x128xf32> to vector<16384xf32>
    %swap3A_396 = arith.constant 229376 : index
    %swap3A_397 = vector.load %arg9[%swap3A_396] : memref<655360xf32, #tpu.memory_space<vmem>>, vector<16384xf32>
    tpu.vector_store %arg9[%swap3A_396], %reshape3A_395 {strides = array<i32>} : memref<655360xf32, #tpu.memory_space<vmem>>, vector<16384xf32>,
    %slice3A_398 = vector.extract_strided_slice %bitcast_convert_type3A_15 {offsets = [0, 1920], sizes = [16, 128], strides = [1, 1]} : vector<16x5120xf32> to vector<16x128xf32>
    %slice3A_399 = vector.extract_strided_slice %bitcast_convert_type3A_41 {offsets = [0, 1920], sizes = [16, 128], strides = [1, 1]} : vector<16x5120xf32> to vector<16x128xf32>
    %slice3A_400 = vector.extract_strided_slice %bitcast_convert_type3A_67 {offsets = [0, 1920], sizes = [16, 128], strides = [1, 1]} : vector<16x5120xf32> to vector<16x128xf32>
    %slice3A_401 = vector.extract_strided_slice %bitcast_convert_type3A_96 {offsets = [0, 1920], sizes = [16, 128], strides = [1, 1]} : vector<16x5120xf32> to vector<16x128xf32>
    %slice3A_402 = vector.extract_strided_slice %bitcast_convert_type3A_122 {offsets = [0, 1920], sizes = [16, 128], strides = [1, 1]} : vector<16x5120xf32> to vector<16x128xf32>
    %slice3A_403 = vector.extract_strided_slice %bitcast_convert_type3A_151 {offsets = [0, 1920], sizes = [16, 128], strides = [1, 1]} : vector<16x5120xf32> to vector<16x128xf32>
    %slice3A_404 = vector.extract_strided_slice %bitcast_convert_type3A_177 {offsets = [0, 1920], sizes = [16, 128], strides = [1, 1]} : vector<16x5120xf32> to vector<16x128xf32>
    %slice3A_405 = vector.extract_strided_slice %bitcast_convert_type3A_206 {offsets = [0, 1920], sizes = [16, 128], strides = [1, 1]} : vector<16x5120xf32> to vector<16x128xf32>
    %concatenate3A_406 = tpu.concatenate %slice3A_398, %slice3A_399, %slice3A_400, %slice3A_401, %slice3A_402, %slice3A_403, %slice3A_404, %slice3A_405 in 0 : vector<16x128xf32>, vector<16x128xf32>, vector<16x128xf32>, vector<16x128xf32>, vector<16x128xf32>, vector<16x128xf32>, vector<16x128xf32>, vector<16x128xf32> -> vector<128x128xf32>
    %transpose3A_407 = tpu.transpose %concatenate3A_406, [1, 0] : vector<128x128xf32> -> vector<128x128xf32>
    %reshape3A_408 = vector.shape_cast %transpose3A_407 : vector<128x128xf32> to vector<16384xf32>
    %swap3A_409 = arith.constant 245760 : index
    %swap3A_410 = vector.load %arg9[%swap3A_409] : memref<655360xf32, #tpu.memory_space<vmem>>, vector<16384xf32>
    tpu.vector_store %arg9[%swap3A_409], %reshape3A_408 {strides = array<i32>} : memref<655360xf32, #tpu.memory_space<vmem>>, vector<16384xf32>,
    %slice3A_411 = vector.extract_strided_slice %bitcast_convert_type3A_15 {offsets = [0, 2048], sizes = [16, 128], strides = [1, 1]} : vector<16x5120xf32> to vector<16x128xf32>
    %slice3A_412 = vector.extract_strided_slice %bitcast_convert_type3A_41 {offsets = [0, 2048], sizes = [16, 128], strides = [1, 1]} : vector<16x5120xf32> to vector<16x128xf32>
    %slice3A_413 = vector.extract_strided_slice %bitcast_convert_type3A_67 {offsets = [0, 2048], sizes = [16, 128], strides = [1, 1]} : vector<16x5120xf32> to vector<16x128xf32>
    %slice3A_414 = vector.extract_strided_slice %bitcast_convert_type3A_96 {offsets = [0, 2048], sizes = [16, 128], strides = [1, 1]} : vector<16x5120xf32> to vector<16x128xf32>
    %slice3A_415 = vector.extract_strided_slice %bitcast_convert_type3A_122 {offsets = [0, 2048], sizes = [16, 128], strides = [1, 1]} : vector<16x5120xf32> to vector<16x128xf32>
    %slice3A_416 = vector.extract_strided_slice %bitcast_convert_type3A_151 {offsets = [0, 2048], sizes = [16, 128], strides = [1, 1]} : vector<16x5120xf32> to vector<16x128xf32>
    %slice3A_417 = vector.extract_strided_slice %bitcast_convert_type3A_177 {offsets = [0, 2048], sizes = [16, 128], strides = [1, 1]} : vector<16x5120xf32> to vector<16x128xf32>
    %slice3A_418 = vector.extract_strided_slice %bitcast_convert_type3A_206 {offsets = [0, 2048], sizes = [16, 128], strides = [1, 1]} : vector<16x5120xf32> to vector<16x128xf32>
    %concatenate3A_419 = tpu.concatenate %slice3A_411, %slice3A_412, %slice3A_413, %slice3A_414, %slice3A_415, %slice3A_416, %slice3A_417, %slice3A_418 in 0 : vector<16x128xf32>, vector<16x128xf32>, vector<16x128xf32>, vector<16x128xf32>, vector<16x128xf32>, vector<16x128xf32>, vector<16x128xf32>, vector<16x128xf32> -> vector<128x128xf32>
    %transpose3A_420 = tpu.transpose %concatenate3A_419, [1, 0] : vector<128x128xf32> -> vector<128x128xf32>
    %reshape3A_421 = vector.shape_cast %transpose3A_420 : vector<128x128xf32> to vector<16384xf32>
    %swap3A_422 = arith.constant 262144 : index
    %swap3A_423 = vector.load %arg9[%swap3A_422] : memref<655360xf32, #tpu.memory_space<vmem>>, vector<16384xf32>
    tpu.vector_store %arg9[%swap3A_422], %reshape3A_421 {strides = array<i32>} : memref<655360xf32, #tpu.memory_space<vmem>>, vector<16384xf32>,
    %slice3A_424 = vector.extract_strided_slice %bitcast_convert_type3A_15 {offsets = [0, 2176], sizes = [16, 128], strides = [1, 1]} : vector<16x5120xf32> to vector<16x128xf32>
    %slice3A_425 = vector.extract_strided_slice %bitcast_convert_type3A_41 {offsets = [0, 2176], sizes = [16, 128], strides = [1, 1]} : vector<16x5120xf32> to vector<16x128xf32>
    %slice3A_426 = vector.extract_strided_slice %bitcast_convert_type3A_67 {offsets = [0, 2176], sizes = [16, 128], strides = [1, 1]} : vector<16x5120xf32> to vector<16x128xf32>
    %slice3A_427 = vector.extract_strided_slice %bitcast_convert_type3A_96 {offsets = [0, 2176], sizes = [16, 128], strides = [1, 1]} : vector<16x5120xf32> to vector<16x128xf32>
    %slice3A_428 = vector.extract_strided_slice %bitcast_convert_type3A_122 {offsets = [0, 2176], sizes = [16, 128], strides = [1, 1]} : vector<16x5120xf32> to vector<16x128xf32>
    %slice3A_429 = vector.extract_strided_slice %bitcast_convert_type3A_151 {offsets = [0, 2176], sizes = [16, 128], strides = [1, 1]} : vector<16x5120xf32> to vector<16x128xf32>
    %slice3A_430 = vector.extract_strided_slice %bitcast_convert_type3A_177 {offsets = [0, 2176], sizes = [16, 128], strides = [1, 1]} : vector<16x5120xf32> to vector<16x128xf32>
    %slice3A_431 = vector.extract_strided_slice %bitcast_convert_type3A_206 {offsets = [0, 2176], sizes = [16, 128], strides = [1, 1]} : vector<16x5120xf32> to vector<16x128xf32>
    %concatenate3A_432 = tpu.concatenate %slice3A_424, %slice3A_425, %slice3A_426, %slice3A_427, %slice3A_428, %slice3A_429, %slice3A_430, %slice3A_431 in 0 : vector<16x128xf32>, vector<16x128xf32>, vector<16x128xf32>, vector<16x128xf32>, vector<16x128xf32>, vector<16x128xf32>, vector<16x128xf32>, vector<16x128xf32> -> vector<128x128xf32>
    %transpose3A_433 = tpu.transpose %concatenate3A_432, [1, 0] : vector<128x128xf32> -> vector<128x128xf32>
    %reshape3A_434 = vector.shape_cast %transpose3A_433 : vector<128x128xf32> to vector<16384xf32>
    %swap3A_435 = arith.constant 278528 : index
    %swap3A_436 = vector.load %arg9[%swap3A_435] : memref<655360xf32, #tpu.memory_space<vmem>>, vector<16384xf32>
    tpu.vector_store %arg9[%swap3A_435], %reshape3A_434 {strides = array<i32>} : memref<655360xf32, #tpu.memory_space<vmem>>, vector<16384xf32>,
    %slice3A_437 = vector.extract_strided_slice %bitcast_convert_type3A_15 {offsets = [0, 2304], sizes = [16, 128], strides = [1, 1]} : vector<16x5120xf32> to vector<16x128xf32>
    %slice3A_438 = vector.extract_strided_slice %bitcast_convert_type3A_41 {offsets = [0, 2304], sizes = [16, 128], strides = [1, 1]} : vector<16x5120xf32> to vector<16x128xf32>
    %slice3A_439 = vector.extract_strided_slice %bitcast_convert_type3A_67 {offsets = [0, 2304], sizes = [16, 128], strides = [1, 1]} : vector<16x5120xf32> to vector<16x128xf32>
    %slice3A_440 = vector.extract_strided_slice %bitcast_convert_type3A_96 {offsets = [0, 2304], sizes = [16, 128], strides = [1, 1]} : vector<16x5120xf32> to vector<16x128xf32>
    %slice3A_441 = vector.extract_strided_slice %bitcast_convert_type3A_122 {offsets = [0, 2304], sizes = [16, 128], strides = [1, 1]} : vector<16x5120xf32> to vector<16x128xf32>
    %slice3A_442 = vector.extract_strided_slice %bitcast_convert_type3A_151 {offsets = [0, 2304], sizes = [16, 128], strides = [1, 1]} : vector<16x5120xf32> to vector<16x128xf32>
    %slice3A_443 = vector.extract_strided_slice %bitcast_convert_type3A_177 {offsets = [0, 2304], sizes = [16, 128], strides = [1, 1]} : vector<16x5120xf32> to vector<16x128xf32>
    %slice3A_444 = vector.extract_strided_slice %bitcast_convert_type3A_206 {offsets = [0, 2304], sizes = [16, 128], strides = [1, 1]} : vector<16x5120xf32> to vector<16x128xf32>
    %concatenate3A_445 = tpu.concatenate %slice3A_437, %slice3A_438, %slice3A_439, %slice3A_440, %slice3A_441, %slice3A_442, %slice3A_443, %slice3A_444 in 0 : vector<16x128xf32>, vector<16x128xf32>, vector<16x128xf32>, vector<16x128xf32>, vector<16x128xf32>, vector<16x128xf32>, vector<16x128xf32>, vector<16x128xf32> -> vector<128x128xf32>
    %transpose3A_446 = tpu.transpose %concatenate3A_445, [1, 0] : vector<128x128xf32> -> vector<128x128xf32>
    %reshape3A_447 = vector.shape_cast %transpose3A_446 : vector<128x128xf32> to vector<16384xf32>
    %swap3A_448 = arith.constant 294912 : index
    %swap3A_449 = vector.load %arg9[%swap3A_448] : memref<655360xf32, #tpu.memory_space<vmem>>, vector<16384xf32>
    tpu.vector_store %arg9[%swap3A_448], %reshape3A_447 {strides = array<i32>} : memref<655360xf32, #tpu.memory_space<vmem>>, vector<16384xf32>,
    %slice3A_450 = vector.extract_strided_slice %bitcast_convert_type3A_15 {offsets = [0, 2432], sizes = [16, 128], strides = [1, 1]} : vector<16x5120xf32> to vector<16x128xf32>
    %slice3A_451 = vector.extract_strided_slice %bitcast_convert_type3A_41 {offsets = [0, 2432], sizes = [16, 128], strides = [1, 1]} : vector<16x5120xf32> to vector<16x128xf32>
    %slice3A_452 = vector.extract_strided_slice %bitcast_convert_type3A_67 {offsets = [0, 2432], sizes = [16, 128], strides = [1, 1]} : vector<16x5120xf32> to vector<16x128xf32>
    %slice3A_453 = vector.extract_strided_slice %bitcast_convert_type3A_96 {offsets = [0, 2432], sizes = [16, 128], strides = [1, 1]} : vector<16x5120xf32> to vector<16x128xf32>
    %slice3A_454 = vector.extract_strided_slice %bitcast_convert_type3A_122 {offsets = [0, 2432], sizes = [16, 128], strides = [1, 1]} : vector<16x5120xf32> to vector<16x128xf32>
    %slice3A_455 = vector.extract_strided_slice %bitcast_convert_type3A_151 {offsets = [0, 2432], sizes = [16, 128], strides = [1, 1]} : vector<16x5120xf32> to vector<16x128xf32>
    %slice3A_456 = vector.extract_strided_slice %bitcast_convert_type3A_177 {offsets = [0, 2432], sizes = [16, 128], strides = [1, 1]} : vector<16x5120xf32> to vector<16x128xf32>
    %slice3A_457 = vector.extract_strided_slice %bitcast_convert_type3A_206 {offsets = [0, 2432], sizes = [16, 128], strides = [1, 1]} : vector<16x5120xf32> to vector<16x128xf32>
    %concatenate3A_458 = tpu.concatenate %slice3A_450, %slice3A_451, %slice3A_452, %slice3A_453, %slice3A_454, %slice3A_455, %slice3A_456, %slice3A_457 in 0 : vector<16x128xf32>, vector<16x128xf32>, vector<16x128xf32>, vector<16x128xf32>, vector<16x128xf32>, vector<16x128xf32>, vector<16x128xf32>, vector<16x128xf32> -> vector<128x128xf32>
    %transpose3A_459 = tpu.transpose %concatenate3A_458, [1, 0] : vector<128x128xf32> -> vector<128x128xf32>
    %reshape3A_460 = vector.shape_cast %transpose3A_459 : vector<128x128xf32> to vector<16384xf32>
    %swap3A_461 = arith.constant 311296 : index
    %swap3A_462 = vector.load %arg9[%swap3A_461] : memref<655360xf32, #tpu.memory_space<vmem>>, vector<16384xf32>
    tpu.vector_store %arg9[%swap3A_461], %reshape3A_460 {strides = array<i32>} : memref<655360xf32, #tpu.memory_space<vmem>>, vector<16384xf32>,
    %slice3A_463 = vector.extract_strided_slice %bitcast_convert_type3A_15 {offsets = [0, 2560], sizes = [16, 128], strides = [1, 1]} : vector<16x5120xf32> to vector<16x128xf32>
    %slice3A_464 = vector.extract_strided_slice %bitcast_convert_type3A_41 {offsets = [0, 2560], sizes = [16, 128], strides = [1, 1]} : vector<16x5120xf32> to vector<16x128xf32>
    %slice3A_465 = vector.extract_strided_slice %bitcast_convert_type3A_67 {offsets = [0, 2560], sizes = [16, 128], strides = [1, 1]} : vector<16x5120xf32> to vector<16x128xf32>
    %slice3A_466 = vector.extract_strided_slice %bitcast_convert_type3A_96 {offsets = [0, 2560], sizes = [16, 128], strides = [1, 1]} : vector<16x5120xf32> to vector<16x128xf32>
    %slice3A_467 = vector.extract_strided_slice %bitcast_convert_type3A_122 {offsets = [0, 2560], sizes = [16, 128], strides = [1, 1]} : vector<16x5120xf32> to vector<16x128xf32>
    %slice3A_468 = vector.extract_strided_slice %bitcast_convert_type3A_151 {offsets = [0, 2560], sizes = [16, 128], strides = [1, 1]} : vector<16x5120xf32> to vector<16x128xf32>
    %slice3A_469 = vector.extract_strided_slice %bitcast_convert_type3A_177 {offsets = [0, 2560], sizes = [16, 128], strides = [1, 1]} : vector<16x5120xf32> to vector<16x128xf32>
    %slice3A_470 = vector.extract_strided_slice %bitcast_convert_type3A_206 {offsets = [0, 2560], sizes = [16, 128], strides = [1, 1]} : vector<16x5120xf32> to vector<16x128xf32>
    %concatenate3A_471 = tpu.concatenate %slice3A_463, %slice3A_464, %slice3A_465, %slice3A_466, %slice3A_467, %slice3A_468, %slice3A_469, %slice3A_470 in 0 : vector<16x128xf32>, vector<16x128xf32>, vector<16x128xf32>, vector<16x128xf32>, vector<16x128xf32>, vector<16x128xf32>, vector<16x128xf32>, vector<16x128xf32> -> vector<128x128xf32>
    %transpose3A_472 = tpu.transpose %concatenate3A_471, [1, 0] : vector<128x128xf32> -> vector<128x128xf32>
    %reshape3A_473 = vector.shape_cast %transpose3A_472 : vector<128x128xf32> to vector<16384xf32>
    %swap3A_474 = arith.constant 327680 : index
    %swap3A_475 = vector.load %arg9[%swap3A_474] : memref<655360xf32, #tpu.memory_space<vmem>>, vector<16384xf32>
    tpu.vector_store %arg9[%swap3A_474], %reshape3A_473 {strides = array<i32>} : memref<655360xf32, #tpu.memory_space<vmem>>, vector<16384xf32>,
    %slice3A_476 = vector.extract_strided_slice %bitcast_convert_type3A_15 {offsets = [0, 2688], sizes = [16, 128], strides = [1, 1]} : vector<16x5120xf32> to vector<16x128xf32>
    %slice3A_477 = vector.extract_strided_slice %bitcast_convert_type3A_41 {offsets = [0, 2688], sizes = [16, 128], strides = [1, 1]} : vector<16x5120xf32> to vector<16x128xf32>
    %slice3A_478 = vector.extract_strided_slice %bitcast_convert_type3A_67 {offsets = [0, 2688], sizes = [16, 128], strides = [1, 1]} : vector<16x5120xf32> to vector<16x128xf32>
    %slice3A_479 = vector.extract_strided_slice %bitcast_convert_type3A_96 {offsets = [0, 2688], sizes = [16, 128], strides = [1, 1]} : vector<16x5120xf32> to vector<16x128xf32>
    %slice3A_480 = vector.extract_strided_slice %bitcast_convert_type3A_122 {offsets = [0, 2688], sizes = [16, 128], strides = [1, 1]} : vector<16x5120xf32> to vector<16x128xf32>
    %slice3A_481 = vector.extract_strided_slice %bitcast_convert_type3A_151 {offsets = [0, 2688], sizes = [16, 128], strides = [1, 1]} : vector<16x5120xf32> to vector<16x128xf32>
    %slice3A_482 = vector.extract_strided_slice %bitcast_convert_type3A_177 {offsets = [0, 2688], sizes = [16, 128], strides = [1, 1]} : vector<16x5120xf32> to vector<16x128xf32>
    %slice3A_483 = vector.extract_strided_slice %bitcast_convert_type3A_206 {offsets = [0, 2688], sizes = [16, 128], strides = [1, 1]} : vector<16x5120xf32> to vector<16x128xf32>
    %concatenate3A_484 = tpu.concatenate %slice3A_476, %slice3A_477, %slice3A_478, %slice3A_479, %slice3A_480, %slice3A_481, %slice3A_482, %slice3A_483 in 0 : vector<16x128xf32>, vector<16x128xf32>, vector<16x128xf32>, vector<16x128xf32>, vector<16x128xf32>, vector<16x128xf32>, vector<16x128xf32>, vector<16x128xf32> -> vector<128x128xf32>
    %transpose3A_485 = tpu.transpose %concatenate3A_484, [1, 0] : vector<128x128xf32> -> vector<128x128xf32>
    %reshape3A_486 = vector.shape_cast %transpose3A_485 : vector<128x128xf32> to vector<16384xf32>
    %swap3A_487 = arith.constant 344064 : index
    %swap3A_488 = vector.load %arg9[%swap3A_487] : memref<655360xf32, #tpu.memory_space<vmem>>, vector<16384xf32>
    tpu.vector_store %arg9[%swap3A_487], %reshape3A_486 {strides = array<i32>} : memref<655360xf32, #tpu.memory_space<vmem>>, vector<16384xf32>,
    %slice3A_489 = vector.extract_strided_slice %bitcast_convert_type3A_15 {offsets = [0, 2816], sizes = [16, 128], strides = [1, 1]} : vector<16x5120xf32> to vector<16x128xf32>
    %slice3A_490 = vector.extract_strided_slice %bitcast_convert_type3A_41 {offsets = [0, 2816], sizes = [16, 128], strides = [1, 1]} : vector<16x5120xf32> to vector<16x128xf32>
    %slice3A_491 = vector.extract_strided_slice %bitcast_convert_type3A_67 {offsets = [0, 2816], sizes = [16, 128], strides = [1, 1]} : vector<16x5120xf32> to vector<16x128xf32>
    %slice3A_492 = vector.extract_strided_slice %bitcast_convert_type3A_96 {offsets = [0, 2816], sizes = [16, 128], strides = [1, 1]} : vector<16x5120xf32> to vector<16x128xf32>
    %slice3A_493 = vector.extract_strided_slice %bitcast_convert_type3A_122 {offsets = [0, 2816], sizes = [16, 128], strides = [1, 1]} : vector<16x5120xf32> to vector<16x128xf32>
    %slice3A_494 = vector.extract_strided_slice %bitcast_convert_type3A_151 {offsets = [0, 2816], sizes = [16, 128], strides = [1, 1]} : vector<16x5120xf32> to vector<16x128xf32>
    %slice3A_495 = vector.extract_strided_slice %bitcast_convert_type3A_177 {offsets = [0, 2816], sizes = [16, 128], strides = [1, 1]} : vector<16x5120xf32> to vector<16x128xf32>
    %slice3A_496 = vector.extract_strided_slice %bitcast_convert_type3A_206 {offsets = [0, 2816], sizes = [16, 128], strides = [1, 1]} : vector<16x5120xf32> to vector<16x128xf32>
    %concatenate3A_497 = tpu.concatenate %slice3A_489, %slice3A_490, %slice3A_491, %slice3A_492, %slice3A_493, %slice3A_494, %slice3A_495, %slice3A_496 in 0 : vector<16x128xf32>, vector<16x128xf32>, vector<16x128xf32>, vector<16x128xf32>, vector<16x128xf32>, vector<16x128xf32>, vector<16x128xf32>, vector<16x128xf32> -> vector<128x128xf32>
    %transpose3A_498 = tpu.transpose %concatenate3A_497, [1, 0] : vector<128x128xf32> -> vector<128x128xf32>
    %reshape3A_499 = vector.shape_cast %transpose3A_498 : vector<128x128xf32> to vector<16384xf32>
    %swap3A_500 = arith.constant 360448 : index
    %swap3A_501 = vector.load %arg9[%swap3A_500] : memref<655360xf32, #tpu.memory_space<vmem>>, vector<16384xf32>
    tpu.vector_store %arg9[%swap3A_500], %reshape3A_499 {strides = array<i32>} : memref<655360xf32, #tpu.memory_space<vmem>>, vector<16384xf32>,
    %slice3A_502 = vector.extract_strided_slice %bitcast_convert_type3A_15 {offsets = [0, 2944], sizes = [16, 128], strides = [1, 1]} : vector<16x5120xf32> to vector<16x128xf32>
    %slice3A_503 = vector.extract_strided_slice %bitcast_convert_type3A_41 {offsets = [0, 2944], sizes = [16, 128], strides = [1, 1]} : vector<16x5120xf32> to vector<16x128xf32>
    %slice3A_504 = vector.extract_strided_slice %bitcast_convert_type3A_67 {offsets = [0, 2944], sizes = [16, 128], strides = [1, 1]} : vector<16x5120xf32> to vector<16x128xf32>
    %slice3A_505 = vector.extract_strided_slice %bitcast_convert_type3A_96 {offsets = [0, 2944], sizes = [16, 128], strides = [1, 1]} : vector<16x5120xf32> to vector<16x128xf32>
    %slice3A_506 = vector.extract_strided_slice %bitcast_convert_type3A_122 {offsets = [0, 2944], sizes = [16, 128], strides = [1, 1]} : vector<16x5120xf32> to vector<16x128xf32>
    %slice3A_507 = vector.extract_strided_slice %bitcast_convert_type3A_151 {offsets = [0, 2944], sizes = [16, 128], strides = [1, 1]} : vector<16x5120xf32> to vector<16x128xf32>
    %slice3A_508 = vector.extract_strided_slice %bitcast_convert_type3A_177 {offsets = [0, 2944], sizes = [16, 128], strides = [1, 1]} : vector<16x5120xf32> to vector<16x128xf32>
    %slice3A_509 = vector.extract_strided_slice %bitcast_convert_type3A_206 {offsets = [0, 2944], sizes = [16, 128], strides = [1, 1]} : vector<16x5120xf32> to vector<16x128xf32>
    %concatenate3A_510 = tpu.concatenate %slice3A_502, %slice3A_503, %slice3A_504, %slice3A_505, %slice3A_506, %slice3A_507, %slice3A_508, %slice3A_509 in 0 : vector<16x128xf32>, vector<16x128xf32>, vector<16x128xf32>, vector<16x128xf32>, vector<16x128xf32>, vector<16x128xf32>, vector<16x128xf32>, vector<16x128xf32> -> vector<128x128xf32>
    %transpose3A_511 = tpu.transpose %concatenate3A_510, [1, 0] : vector<128x128xf32> -> vector<128x128xf32>
    %reshape3A_512 = vector.shape_cast %transpose3A_511 : vector<128x128xf32> to vector<16384xf32>
    %swap3A_513 = arith.constant 376832 : index
    %swap3A_514 = vector.load %arg9[%swap3A_513] : memref<655360xf32, #tpu.memory_space<vmem>>, vector<16384xf32>
    tpu.vector_store %arg9[%swap3A_513], %reshape3A_512 {strides = array<i32>} : memref<655360xf32, #tpu.memory_space<vmem>>, vector<16384xf32>,
    %slice3A_515 = vector.extract_strided_slice %bitcast_convert_type3A_15 {offsets = [0, 3072], sizes = [16, 128], strides = [1, 1]} : vector<16x5120xf32> to vector<16x128xf32>
    %slice3A_516 = vector.extract_strided_slice %bitcast_convert_type3A_41 {offsets = [0, 3072], sizes = [16, 128], strides = [1, 1]} : vector<16x5120xf32> to vector<16x128xf32>
    %slice3A_517 = vector.extract_strided_slice %bitcast_convert_type3A_67 {offsets = [0, 3072], sizes = [16, 128], strides = [1, 1]} : vector<16x5120xf32> to vector<16x128xf32>
    %slice3A_518 = vector.extract_strided_slice %bitcast_convert_type3A_96 {offsets = [0, 3072], sizes = [16, 128], strides = [1, 1]} : vector<16x5120xf32> to vector<16x128xf32>
    %slice3A_519 = vector.extract_strided_slice %bitcast_convert_type3A_122 {offsets = [0, 3072], sizes = [16, 128], strides = [1, 1]} : vector<16x5120xf32> to vector<16x128xf32>
    %slice3A_520 = vector.extract_strided_slice %bitcast_convert_type3A_151 {offsets = [0, 3072], sizes = [16, 128], strides = [1, 1]} : vector<16x5120xf32> to vector<16x128xf32>
    %slice3A_521 = vector.extract_strided_slice %bitcast_convert_type3A_177 {offsets = [0, 3072], sizes = [16, 128], strides = [1, 1]} : vector<16x5120xf32> to vector<16x128xf32>
    %slice3A_522 = vector.extract_strided_slice %bitcast_convert_type3A_206 {offsets = [0, 3072], sizes = [16, 128], strides = [1, 1]} : vector<16x5120xf32> to vector<16x128xf32>
    %concatenate3A_523 = tpu.concatenate %slice3A_515, %slice3A_516, %slice3A_517, %slice3A_518, %slice3A_519, %slice3A_520, %slice3A_521, %slice3A_522 in 0 : vector<16x128xf32>, vector<16x128xf32>, vector<16x128xf32>, vector<16x128xf32>, vector<16x128xf32>, vector<16x128xf32>, vector<16x128xf32>, vector<16x128xf32> -> vector<128x128xf32>
    %transpose3A_524 = tpu.transpose %concatenate3A_523, [1, 0] : vector<128x128xf32> -> vector<128x128xf32>
    %reshape3A_525 = vector.shape_cast %transpose3A_524 : vector<128x128xf32> to vector<16384xf32>
    %swap3A_526 = arith.constant 393216 : index
    %swap3A_527 = vector.load %arg9[%swap3A_526] : memref<655360xf32, #tpu.memory_space<vmem>>, vector<16384xf32>
    tpu.vector_store %arg9[%swap3A_526], %reshape3A_525 {strides = array<i32>} : memref<655360xf32, #tpu.memory_space<vmem>>, vector<16384xf32>,
    %slice3A_528 = vector.extract_strided_slice %bitcast_convert_type3A_15 {offsets = [0, 3200], sizes = [16, 128], strides = [1, 1]} : vector<16x5120xf32> to vector<16x128xf32>
    %slice3A_529 = vector.extract_strided_slice %bitcast_convert_type3A_41 {offsets = [0, 3200], sizes = [16, 128], strides = [1, 1]} : vector<16x5120xf32> to vector<16x128xf32>
    %slice3A_530 = vector.extract_strided_slice %bitcast_convert_type3A_67 {offsets = [0, 3200], sizes = [16, 128], strides = [1, 1]} : vector<16x5120xf32> to vector<16x128xf32>
    %slice3A_531 = vector.extract_strided_slice %bitcast_convert_type3A_96 {offsets = [0, 3200], sizes = [16, 128], strides = [1, 1]} : vector<16x5120xf32> to vector<16x128xf32>
    %slice3A_532 = vector.extract_strided_slice %bitcast_convert_type3A_122 {offsets = [0, 3200], sizes = [16, 128], strides = [1, 1]} : vector<16x5120xf32> to vector<16x128xf32>
    %slice3A_533 = vector.extract_strided_slice %bitcast_convert_type3A_151 {offsets = [0, 3200], sizes = [16, 128], strides = [1, 1]} : vector<16x5120xf32> to vector<16x128xf32>
    %slice3A_534 = vector.extract_strided_slice %bitcast_convert_type3A_177 {offsets = [0, 3200], sizes = [16, 128], strides = [1, 1]} : vector<16x5120xf32> to vector<16x128xf32>
    %slice3A_535 = vector.extract_strided_slice %bitcast_convert_type3A_206 {offsets = [0, 3200], sizes = [16, 128], strides = [1, 1]} : vector<16x5120xf32> to vector<16x128xf32>
    %concatenate3A_536 = tpu.concatenate %slice3A_528, %slice3A_529, %slice3A_530, %slice3A_531, %slice3A_532, %slice3A_533, %slice3A_534, %slice3A_535 in 0 : vector<16x128xf32>, vector<16x128xf32>, vector<16x128xf32>, vector<16x128xf32>, vector<16x128xf32>, vector<16x128xf32>, vector<16x128xf32>, vector<16x128xf32> -> vector<128x128xf32>
    %transpose3A_537 = tpu.transpose %concatenate3A_536, [1, 0] : vector<128x128xf32> -> vector<128x128xf32>
    %reshape3A_538 = vector.shape_cast %transpose3A_537 : vector<128x128xf32> to vector<16384xf32>
    %swap3A_539 = arith.constant 409600 : index
    %swap3A_540 = vector.load %arg9[%swap3A_539] : memref<655360xf32, #tpu.memory_space<vmem>>, vector<16384xf32>
    tpu.vector_store %arg9[%swap3A_539], %reshape3A_538 {strides = array<i32>} : memref<655360xf32, #tpu.memory_space<vmem>>, vector<16384xf32>,
    %slice3A_541 = vector.extract_strided_slice %bitcast_convert_type3A_15 {offsets = [0, 3328], sizes = [16, 128], strides = [1, 1]} : vector<16x5120xf32> to vector<16x128xf32>
    %slice3A_542 = vector.extract_strided_slice %bitcast_convert_type3A_41 {offsets = [0, 3328], sizes = [16, 128], strides = [1, 1]} : vector<16x5120xf32> to vector<16x128xf32>
    %slice3A_543 = vector.extract_strided_slice %bitcast_convert_type3A_67 {offsets = [0, 3328], sizes = [16, 128], strides = [1, 1]} : vector<16x5120xf32> to vector<16x128xf32>
    %slice3A_544 = vector.extract_strided_slice %bitcast_convert_type3A_96 {offsets = [0, 3328], sizes = [16, 128], strides = [1, 1]} : vector<16x5120xf32> to vector<16x128xf32>
    %slice3A_545 = vector.extract_strided_slice %bitcast_convert_type3A_122 {offsets = [0, 3328], sizes = [16, 128], strides = [1, 1]} : vector<16x5120xf32> to vector<16x128xf32>
    %slice3A_546 = vector.extract_strided_slice %bitcast_convert_type3A_151 {offsets = [0, 3328], sizes = [16, 128], strides = [1, 1]} : vector<16x5120xf32> to vector<16x128xf32>
    %slice3A_547 = vector.extract_strided_slice %bitcast_convert_type3A_177 {offsets = [0, 3328], sizes = [16, 128], strides = [1, 1]} : vector<16x5120xf32> to vector<16x128xf32>
    %slice3A_548 = vector.extract_strided_slice %bitcast_convert_type3A_206 {offsets = [0, 3328], sizes = [16, 128], strides = [1, 1]} : vector<16x5120xf32> to vector<16x128xf32>
    %concatenate3A_549 = tpu.concatenate %slice3A_541, %slice3A_542, %slice3A_543, %slice3A_544, %slice3A_545, %slice3A_546, %slice3A_547, %slice3A_548 in 0 : vector<16x128xf32>, vector<16x128xf32>, vector<16x128xf32>, vector<16x128xf32>, vector<16x128xf32>, vector<16x128xf32>, vector<16x128xf32>, vector<16x128xf32> -> vector<128x128xf32>
    %transpose3A_550 = tpu.transpose %concatenate3A_549, [1, 0] : vector<128x128xf32> -> vector<128x128xf32>
    %reshape3A_551 = vector.shape_cast %transpose3A_550 : vector<128x128xf32> to vector<16384xf32>
    %swap3A_552 = arith.constant 425984 : index
    %swap3A_553 = vector.load %arg9[%swap3A_552] : memref<655360xf32, #tpu.memory_space<vmem>>, vector<16384xf32>
    tpu.vector_store %arg9[%swap3A_552], %reshape3A_551 {strides = array<i32>} : memref<655360xf32, #tpu.memory_space<vmem>>, vector<16384xf32>,
    %slice3A_554 = vector.extract_strided_slice %bitcast_convert_type3A_15 {offsets = [0, 3456], sizes = [16, 128], strides = [1, 1]} : vector<16x5120xf32> to vector<16x128xf32>
    %slice3A_555 = vector.extract_strided_slice %bitcast_convert_type3A_41 {offsets = [0, 3456], sizes = [16, 128], strides = [1, 1]} : vector<16x5120xf32> to vector<16x128xf32>
    %slice3A_556 = vector.extract_strided_slice %bitcast_convert_type3A_67 {offsets = [0, 3456], sizes = [16, 128], strides = [1, 1]} : vector<16x5120xf32> to vector<16x128xf32>
    %slice3A_557 = vector.extract_strided_slice %bitcast_convert_type3A_96 {offsets = [0, 3456], sizes = [16, 128], strides = [1, 1]} : vector<16x5120xf32> to vector<16x128xf32>
    %slice3A_558 = vector.extract_strided_slice %bitcast_convert_type3A_122 {offsets = [0, 3456], sizes = [16, 128], strides = [1, 1]} : vector<16x5120xf32> to vector<16x128xf32>
    %slice3A_559 = vector.extract_strided_slice %bitcast_convert_type3A_151 {offsets = [0, 3456], sizes = [16, 128], strides = [1, 1]} : vector<16x5120xf32> to vector<16x128xf32>
    %slice3A_560 = vector.extract_strided_slice %bitcast_convert_type3A_177 {offsets = [0, 3456], sizes = [16, 128], strides = [1, 1]} : vector<16x5120xf32> to vector<16x128xf32>
    %slice3A_561 = vector.extract_strided_slice %bitcast_convert_type3A_206 {offsets = [0, 3456], sizes = [16, 128], strides = [1, 1]} : vector<16x5120xf32> to vector<16x128xf32>
    %concatenate3A_562 = tpu.concatenate %slice3A_554, %slice3A_555, %slice3A_556, %slice3A_557, %slice3A_558, %slice3A_559, %slice3A_560, %slice3A_561 in 0 : vector<16x128xf32>, vector<16x128xf32>, vector<16x128xf32>, vector<16x128xf32>, vector<16x128xf32>, vector<16x128xf32>, vector<16x128xf32>, vector<16x128xf32> -> vector<128x128xf32>
    %transpose3A_563 = tpu.transpose %concatenate3A_562, [1, 0] : vector<128x128xf32> -> vector<128x128xf32>
    %reshape3A_564 = vector.shape_cast %transpose3A_563 : vector<128x128xf32> to vector<16384xf32>
    %swap3A_565 = arith.constant 442368 : index
    %swap3A_566 = vector.load %arg9[%swap3A_565] : memref<655360xf32, #tpu.memory_space<vmem>>, vector<16384xf32>
    tpu.vector_store %arg9[%swap3A_565], %reshape3A_564 {strides = array<i32>} : memref<655360xf32, #tpu.memory_space<vmem>>, vector<16384xf32>,
    %slice3A_567 = vector.extract_strided_slice %bitcast_convert_type3A_15 {offsets = [0, 3584], sizes = [16, 128], strides = [1, 1]} : vector<16x5120xf32> to vector<16x128xf32>
    %slice3A_568 = vector.extract_strided_slice %bitcast_convert_type3A_41 {offsets = [0, 3584], sizes = [16, 128], strides = [1, 1]} : vector<16x5120xf32> to vector<16x128xf32>
    %slice3A_569 = vector.extract_strided_slice %bitcast_convert_type3A_67 {offsets = [0, 3584], sizes = [16, 128], strides = [1, 1]} : vector<16x5120xf32> to vector<16x128xf32>
    %slice3A_570 = vector.extract_strided_slice %bitcast_convert_type3A_96 {offsets = [0, 3584], sizes = [16, 128], strides = [1, 1]} : vector<16x5120xf32> to vector<16x128xf32>
    %slice3A_571 = vector.extract_strided_slice %bitcast_convert_type3A_122 {offsets = [0, 3584], sizes = [16, 128], strides = [1, 1]} : vector<16x5120xf32> to vector<16x128xf32>
    %slice3A_572 = vector.extract_strided_slice %bitcast_convert_type3A_151 {offsets = [0, 3584], sizes = [16, 128], strides = [1, 1]} : vector<16x5120xf32> to vector<16x128xf32>
    %slice3A_573 = vector.extract_strided_slice %bitcast_convert_type3A_177 {offsets = [0, 3584], sizes = [16, 128], strides = [1, 1]} : vector<16x5120xf32> to vector<16x128xf32>
    %slice3A_574 = vector.extract_strided_slice %bitcast_convert_type3A_206 {offsets = [0, 3584], sizes = [16, 128], strides = [1, 1]} : vector<16x5120xf32> to vector<16x128xf32>
    %concatenate3A_575 = tpu.concatenate %slice3A_567, %slice3A_568, %slice3A_569, %slice3A_570, %slice3A_571, %slice3A_572, %slice3A_573, %slice3A_574 in 0 : vector<16x128xf32>, vector<16x128xf32>, vector<16x128xf32>, vector<16x128xf32>, vector<16x128xf32>, vector<16x128xf32>, vector<16x128xf32>, vector<16x128xf32> -> vector<128x128xf32>
    %transpose3A_576 = tpu.transpose %concatenate3A_575, [1, 0] : vector<128x128xf32> -> vector<128x128xf32>
    %reshape3A_577 = vector.shape_cast %transpose3A_576 : vector<128x128xf32> to vector<16384xf32>
    %swap3A_578 = arith.constant 458752 : index
    %swap3A_579 = vector.load %arg9[%swap3A_578] : memref<655360xf32, #tpu.memory_space<vmem>>, vector<16384xf32>
    tpu.vector_store %arg9[%swap3A_578], %reshape3A_577 {strides = array<i32>} : memref<655360xf32, #tpu.memory_space<vmem>>, vector<16384xf32>,
    %slice3A_580 = vector.extract_strided_slice %bitcast_convert_type3A_15 {offsets = [0, 3712], sizes = [16, 128], strides = [1, 1]} : vector<16x5120xf32> to vector<16x128xf32>
    %slice3A_581 = vector.extract_strided_slice %bitcast_convert_type3A_41 {offsets = [0, 3712], sizes = [16, 128], strides = [1, 1]} : vector<16x5120xf32> to vector<16x128xf32>
    %slice3A_582 = vector.extract_strided_slice %bitcast_convert_type3A_67 {offsets = [0, 3712], sizes = [16, 128], strides = [1, 1]} : vector<16x5120xf32> to vector<16x128xf32>
    %slice3A_583 = vector.extract_strided_slice %bitcast_convert_type3A_96 {offsets = [0, 3712], sizes = [16, 128], strides = [1, 1]} : vector<16x5120xf32> to vector<16x128xf32>
    %slice3A_584 = vector.extract_strided_slice %bitcast_convert_type3A_122 {offsets = [0, 3712], sizes = [16, 128], strides = [1, 1]} : vector<16x5120xf32> to vector<16x128xf32>
    %slice3A_585 = vector.extract_strided_slice %bitcast_convert_type3A_151 {offsets = [0, 3712], sizes = [16, 128], strides = [1, 1]} : vector<16x5120xf32> to vector<16x128xf32>
    %slice3A_586 = vector.extract_strided_slice %bitcast_convert_type3A_177 {offsets = [0, 3712], sizes = [16, 128], strides = [1, 1]} : vector<16x5120xf32> to vector<16x128xf32>
    %slice3A_587 = vector.extract_strided_slice %bitcast_convert_type3A_206 {offsets = [0, 3712], sizes = [16, 128], strides = [1, 1]} : vector<16x5120xf32> to vector<16x128xf32>
    %concatenate3A_588 = tpu.concatenate %slice3A_580, %slice3A_581, %slice3A_582, %slice3A_583, %slice3A_584, %slice3A_585, %slice3A_586, %slice3A_587 in 0 : vector<16x128xf32>, vector<16x128xf32>, vector<16x128xf32>, vector<16x128xf32>, vector<16x128xf32>, vector<16x128xf32>, vector<16x128xf32>, vector<16x128xf32> -> vector<128x128xf32>
    %transpose3A_589 = tpu.transpose %concatenate3A_588, [1, 0] : vector<128x128xf32> -> vector<128x128xf32>
    %reshape3A_590 = vector.shape_cast %transpose3A_589 : vector<128x128xf32> to vector<16384xf32>
    %swap3A_591 = arith.constant 475136 : index
    %swap3A_592 = vector.load %arg9[%swap3A_591] : memref<655360xf32, #tpu.memory_space<vmem>>, vector<16384xf32>
    tpu.vector_store %arg9[%swap3A_591], %reshape3A_590 {strides = array<i32>} : memref<655360xf32, #tpu.memory_space<vmem>>, vector<16384xf32>,
    %slice3A_593 = vector.extract_strided_slice %bitcast_convert_type3A_15 {offsets = [0, 3840], sizes = [16, 128], strides = [1, 1]} : vector<16x5120xf32> to vector<16x128xf32>
    %slice3A_594 = vector.extract_strided_slice %bitcast_convert_type3A_41 {offsets = [0, 3840], sizes = [16, 128], strides = [1, 1]} : vector<16x5120xf32> to vector<16x128xf32>
    %slice3A_595 = vector.extract_strided_slice %bitcast_convert_type3A_67 {offsets = [0, 3840], sizes = [16, 128], strides = [1, 1]} : vector<16x5120xf32> to vector<16x128xf32>
    %slice3A_596 = vector.extract_strided_slice %bitcast_convert_type3A_96 {offsets = [0, 3840], sizes = [16, 128], strides = [1, 1]} : vector<16x5120xf32> to vector<16x128xf32>
    %slice3A_597 = vector.extract_strided_slice %bitcast_convert_type3A_122 {offsets = [0, 3840], sizes = [16, 128], strides = [1, 1]} : vector<16x5120xf32> to vector<16x128xf32>
    %slice3A_598 = vector.extract_strided_slice %bitcast_convert_type3A_151 {offsets = [0, 3840], sizes = [16, 128], strides = [1, 1]} : vector<16x5120xf32> to vector<16x128xf32>
    %slice3A_599 = vector.extract_strided_slice %bitcast_convert_type3A_177 {offsets = [0, 3840], sizes = [16, 128], strides = [1, 1]} : vector<16x5120xf32> to vector<16x128xf32>
    %slice3A_600 = vector.extract_strided_slice %bitcast_convert_type3A_206 {offsets = [0, 3840], sizes = [16, 128], strides = [1, 1]} : vector<16x5120xf32> to vector<16x128xf32>
    %concatenate3A_601 = tpu.concatenate %slice3A_593, %slice3A_594, %slice3A_595, %slice3A_596, %slice3A_597, %slice3A_598, %slice3A_599, %slice3A_600 in 0 : vector<16x128xf32>, vector<16x128xf32>, vector<16x128xf32>, vector<16x128xf32>, vector<16x128xf32>, vector<16x128xf32>, vector<16x128xf32>, vector<16x128xf32> -> vector<128x128xf32>
    %transpose3A_602 = tpu.transpose %concatenate3A_601, [1, 0] : vector<128x128xf32> -> vector<128x128xf32>
    %reshape3A_603 = vector.shape_cast %transpose3A_602 : vector<128x128xf32> to vector<16384xf32>
    %swap3A_604 = arith.constant 491520 : index
    %swap3A_605 = vector.load %arg9[%swap3A_604] : memref<655360xf32, #tpu.memory_space<vmem>>, vector<16384xf32>
    tpu.vector_store %arg9[%swap3A_604], %reshape3A_603 {strides = array<i32>} : memref<655360xf32, #tpu.memory_space<vmem>>, vector<16384xf32>,
    %slice3A_606 = vector.extract_strided_slice %bitcast_convert_type3A_15 {offsets = [0, 3968], sizes = [16, 128], strides = [1, 1]} : vector<16x5120xf32> to vector<16x128xf32>
    %slice3A_607 = vector.extract_strided_slice %bitcast_convert_type3A_41 {offsets = [0, 3968], sizes = [16, 128], strides = [1, 1]} : vector<16x5120xf32> to vector<16x128xf32>
    %slice3A_608 = vector.extract_strided_slice %bitcast_convert_type3A_67 {offsets = [0, 3968], sizes = [16, 128], strides = [1, 1]} : vector<16x5120xf32> to vector<16x128xf32>
    %slice3A_609 = vector.extract_strided_slice %bitcast_convert_type3A_96 {offsets = [0, 3968], sizes = [16, 128], strides = [1, 1]} : vector<16x5120xf32> to vector<16x128xf32>
    %slice3A_610 = vector.extract_strided_slice %bitcast_convert_type3A_122 {offsets = [0, 3968], sizes = [16, 128], strides = [1, 1]} : vector<16x5120xf32> to vector<16x128xf32>
    %slice3A_611 = vector.extract_strided_slice %bitcast_convert_type3A_151 {offsets = [0, 3968], sizes = [16, 128], strides = [1, 1]} : vector<16x5120xf32> to vector<16x128xf32>
    %slice3A_612 = vector.extract_strided_slice %bitcast_convert_type3A_177 {offsets = [0, 3968], sizes = [16, 128], strides = [1, 1]} : vector<16x5120xf32> to vector<16x128xf32>
    %slice3A_613 = vector.extract_strided_slice %bitcast_convert_type3A_206 {offsets = [0, 3968], sizes = [16, 128], strides = [1, 1]} : vector<16x5120xf32> to vector<16x128xf32>
    %concatenate3A_614 = tpu.concatenate %slice3A_606, %slice3A_607, %slice3A_608, %slice3A_609, %slice3A_610, %slice3A_611, %slice3A_612, %slice3A_613 in 0 : vector<16x128xf32>, vector<16x128xf32>, vector<16x128xf32>, vector<16x128xf32>, vector<16x128xf32>, vector<16x128xf32>, vector<16x128xf32>, vector<16x128xf32> -> vector<128x128xf32>
    %transpose3A_615 = tpu.transpose %concatenate3A_614, [1, 0] : vector<128x128xf32> -> vector<128x128xf32>
    %reshape3A_616 = vector.shape_cast %transpose3A_615 : vector<128x128xf32> to vector<16384xf32>
    %swap3A_617 = arith.constant 507904 : index
    %swap3A_618 = vector.load %arg9[%swap3A_617] : memref<655360xf32, #tpu.memory_space<vmem>>, vector<16384xf32>
    tpu.vector_store %arg9[%swap3A_617], %reshape3A_616 {strides = array<i32>} : memref<655360xf32, #tpu.memory_space<vmem>>, vector<16384xf32>,
    %slice3A_619 = vector.extract_strided_slice %bitcast_convert_type3A_15 {offsets = [0, 4096], sizes = [16, 128], strides = [1, 1]} : vector<16x5120xf32> to vector<16x128xf32>
    %slice3A_620 = vector.extract_strided_slice %bitcast_convert_type3A_41 {offsets = [0, 4096], sizes = [16, 128], strides = [1, 1]} : vector<16x5120xf32> to vector<16x128xf32>
    %slice3A_621 = vector.extract_strided_slice %bitcast_convert_type3A_67 {offsets = [0, 4096], sizes = [16, 128], strides = [1, 1]} : vector<16x5120xf32> to vector<16x128xf32>
    %slice3A_622 = vector.extract_strided_slice %bitcast_convert_type3A_96 {offsets = [0, 4096], sizes = [16, 128], strides = [1, 1]} : vector<16x5120xf32> to vector<16x128xf32>
    %slice3A_623 = vector.extract_strided_slice %bitcast_convert_type3A_122 {offsets = [0, 4096], sizes = [16, 128], strides = [1, 1]} : vector<16x5120xf32> to vector<16x128xf32>
    %slice3A_624 = vector.extract_strided_slice %bitcast_convert_type3A_151 {offsets = [0, 4096], sizes = [16, 128], strides = [1, 1]} : vector<16x5120xf32> to vector<16x128xf32>
    %slice3A_625 = vector.extract_strided_slice %bitcast_convert_type3A_177 {offsets = [0, 4096], sizes = [16, 128], strides = [1, 1]} : vector<16x5120xf32> to vector<16x128xf32>
    %slice3A_626 = vector.extract_strided_slice %bitcast_convert_type3A_206 {offsets = [0, 4096], sizes = [16, 128], strides = [1, 1]} : vector<16x5120xf32> to vector<16x128xf32>
    %concatenate3A_627 = tpu.concatenate %slice3A_619, %slice3A_620, %slice3A_621, %slice3A_622, %slice3A_623, %slice3A_624, %slice3A_625, %slice3A_626 in 0 : vector<16x128xf32>, vector<16x128xf32>, vector<16x128xf32>, vector<16x128xf32>, vector<16x128xf32>, vector<16x128xf32>, vector<16x128xf32>, vector<16x128xf32> -> vector<128x128xf32>
    %transpose3A_628 = tpu.transpose %concatenate3A_627, [1, 0] : vector<128x128xf32> -> vector<128x128xf32>
    %reshape3A_629 = vector.shape_cast %transpose3A_628 : vector<128x128xf32> to vector<16384xf32>
    %swap3A_630 = arith.constant 524288 : index
    %swap3A_631 = vector.load %arg9[%swap3A_630] : memref<655360xf32, #tpu.memory_space<vmem>>, vector<16384xf32>
    tpu.vector_store %arg9[%swap3A_630], %reshape3A_629 {strides = array<i32>} : memref<655360xf32, #tpu.memory_space<vmem>>, vector<16384xf32>,
    %slice3A_632 = vector.extract_strided_slice %bitcast_convert_type3A_15 {offsets = [0, 4224], sizes = [16, 128], strides = [1, 1]} : vector<16x5120xf32> to vector<16x128xf32>
    %slice3A_633 = vector.extract_strided_slice %bitcast_convert_type3A_41 {offsets = [0, 4224], sizes = [16, 128], strides = [1, 1]} : vector<16x5120xf32> to vector<16x128xf32>
    %slice3A_634 = vector.extract_strided_slice %bitcast_convert_type3A_67 {offsets = [0, 4224], sizes = [16, 128], strides = [1, 1]} : vector<16x5120xf32> to vector<16x128xf32>
    %slice3A_635 = vector.extract_strided_slice %bitcast_convert_type3A_96 {offsets = [0, 4224], sizes = [16, 128], strides = [1, 1]} : vector<16x5120xf32> to vector<16x128xf32>
    %slice3A_636 = vector.extract_strided_slice %bitcast_convert_type3A_122 {offsets = [0, 4224], sizes = [16, 128], strides = [1, 1]} : vector<16x5120xf32> to vector<16x128xf32>
    %slice3A_637 = vector.extract_strided_slice %bitcast_convert_type3A_151 {offsets = [0, 4224], sizes = [16, 128], strides = [1, 1]} : vector<16x5120xf32> to vector<16x128xf32>
    %slice3A_638 = vector.extract_strided_slice %bitcast_convert_type3A_177 {offsets = [0, 4224], sizes = [16, 128], strides = [1, 1]} : vector<16x5120xf32> to vector<16x128xf32>
    %slice3A_639 = vector.extract_strided_slice %bitcast_convert_type3A_206 {offsets = [0, 4224], sizes = [16, 128], strides = [1, 1]} : vector<16x5120xf32> to vector<16x128xf32>
    %concatenate3A_640 = tpu.concatenate %slice3A_632, %slice3A_633, %slice3A_634, %slice3A_635, %slice3A_636, %slice3A_637, %slice3A_638, %slice3A_639 in 0 : vector<16x128xf32>, vector<16x128xf32>, vector<16x128xf32>, vector<16x128xf32>, vector<16x128xf32>, vector<16x128xf32>, vector<16x128xf32>, vector<16x128xf32> -> vector<128x128xf32>
    %transpose3A_641 = tpu.transpose %concatenate3A_640, [1, 0] : vector<128x128xf32> -> vector<128x128xf32>
    %reshape3A_642 = vector.shape_cast %transpose3A_641 : vector<128x128xf32> to vector<16384xf32>
    %swap3A_643 = arith.constant 540672 : index
    %swap3A_644 = vector.load %arg9[%swap3A_643] : memref<655360xf32, #tpu.memory_space<vmem>>, vector<16384xf32>
    tpu.vector_store %arg9[%swap3A_643], %reshape3A_642 {strides = array<i32>} : memref<655360xf32, #tpu.memory_space<vmem>>, vector<16384xf32>,
    %slice3A_645 = vector.extract_strided_slice %bitcast_convert_type3A_15 {offsets = [0, 4352], sizes = [16, 128], strides = [1, 1]} : vector<16x5120xf32> to vector<16x128xf32>
    %slice3A_646 = vector.extract_strided_slice %bitcast_convert_type3A_41 {offsets = [0, 4352], sizes = [16, 128], strides = [1, 1]} : vector<16x5120xf32> to vector<16x128xf32>
    %slice3A_647 = vector.extract_strided_slice %bitcast_convert_type3A_67 {offsets = [0, 4352], sizes = [16, 128], strides = [1, 1]} : vector<16x5120xf32> to vector<16x128xf32>
    %slice3A_648 = vector.extract_strided_slice %bitcast_convert_type3A_96 {offsets = [0, 4352], sizes = [16, 128], strides = [1, 1]} : vector<16x5120xf32> to vector<16x128xf32>
    %slice3A_649 = vector.extract_strided_slice %bitcast_convert_type3A_122 {offsets = [0, 4352], sizes = [16, 128], strides = [1, 1]} : vector<16x5120xf32> to vector<16x128xf32>
    %slice3A_650 = vector.extract_strided_slice %bitcast_convert_type3A_151 {offsets = [0, 4352], sizes = [16, 128], strides = [1, 1]} : vector<16x5120xf32> to vector<16x128xf32>
    %slice3A_651 = vector.extract_strided_slice %bitcast_convert_type3A_177 {offsets = [0, 4352], sizes = [16, 128], strides = [1, 1]} : vector<16x5120xf32> to vector<16x128xf32>
    %slice3A_652 = vector.extract_strided_slice %bitcast_convert_type3A_206 {offsets = [0, 4352], sizes = [16, 128], strides = [1, 1]} : vector<16x5120xf32> to vector<16x128xf32>
    %concatenate3A_653 = tpu.concatenate %slice3A_645, %slice3A_646, %slice3A_647, %slice3A_648, %slice3A_649, %slice3A_650, %slice3A_651, %slice3A_652 in 0 : vector<16x128xf32>, vector<16x128xf32>, vector<16x128xf32>, vector<16x128xf32>, vector<16x128xf32>, vector<16x128xf32>, vector<16x128xf32>, vector<16x128xf32> -> vector<128x128xf32>
    %transpose3A_654 = tpu.transpose %concatenate3A_653, [1, 0] : vector<128x128xf32> -> vector<128x128xf32>
    %reshape3A_655 = vector.shape_cast %transpose3A_654 : vector<128x128xf32> to vector<16384xf32>
    %swap3A_656 = arith.constant 557056 : index
    %swap3A_657 = vector.load %arg9[%swap3A_656] : memref<655360xf32, #tpu.memory_space<vmem>>, vector<16384xf32>
    tpu.vector_store %arg9[%swap3A_656], %reshape3A_655 {strides = array<i32>} : memref<655360xf32, #tpu.memory_space<vmem>>, vector<16384xf32>,
    %slice3A_658 = vector.extract_strided_slice %bitcast_convert_type3A_15 {offsets = [0, 4480], sizes = [16, 128], strides = [1, 1]} : vector<16x5120xf32> to vector<16x128xf32>
    %slice3A_659 = vector.extract_strided_slice %bitcast_convert_type3A_41 {offsets = [0, 4480], sizes = [16, 128], strides = [1, 1]} : vector<16x5120xf32> to vector<16x128xf32>
    %slice3A_660 = vector.extract_strided_slice %bitcast_convert_type3A_67 {offsets = [0, 4480], sizes = [16, 128], strides = [1, 1]} : vector<16x5120xf32> to vector<16x128xf32>
    %slice3A_661 = vector.extract_strided_slice %bitcast_convert_type3A_96 {offsets = [0, 4480], sizes = [16, 128], strides = [1, 1]} : vector<16x5120xf32> to vector<16x128xf32>
    %slice3A_662 = vector.extract_strided_slice %bitcast_convert_type3A_122 {offsets = [0, 4480], sizes = [16, 128], strides = [1, 1]} : vector<16x5120xf32> to vector<16x128xf32>
    %slice3A_663 = vector.extract_strided_slice %bitcast_convert_type3A_151 {offsets = [0, 4480], sizes = [16, 128], strides = [1, 1]} : vector<16x5120xf32> to vector<16x128xf32>
    %slice3A_664 = vector.extract_strided_slice %bitcast_convert_type3A_177 {offsets = [0, 4480], sizes = [16, 128], strides = [1, 1]} : vector<16x5120xf32> to vector<16x128xf32>
    %slice3A_665 = vector.extract_strided_slice %bitcast_convert_type3A_206 {offsets = [0, 4480], sizes = [16, 128], strides = [1, 1]} : vector<16x5120xf32> to vector<16x128xf32>
    %concatenate3A_666 = tpu.concatenate %slice3A_658, %slice3A_659, %slice3A_660, %slice3A_661, %slice3A_662, %slice3A_663, %slice3A_664, %slice3A_665 in 0 : vector<16x128xf32>, vector<16x128xf32>, vector<16x128xf32>, vector<16x128xf32>, vector<16x128xf32>, vector<16x128xf32>, vector<16x128xf32>, vector<16x128xf32> -> vector<128x128xf32>
    %transpose3A_667 = tpu.transpose %concatenate3A_666, [1, 0] : vector<128x128xf32> -> vector<128x128xf32>
    %reshape3A_668 = vector.shape_cast %transpose3A_667 : vector<128x128xf32> to vector<16384xf32>
    %swap3A_669 = arith.constant 573440 : index
    %swap3A_670 = vector.load %arg9[%swap3A_669] : memref<655360xf32, #tpu.memory_space<vmem>>, vector<16384xf32>
    tpu.vector_store %arg9[%swap3A_669], %reshape3A_668 {strides = array<i32>} : memref<655360xf32, #tpu.memory_space<vmem>>, vector<16384xf32>,
    %slice3A_671 = vector.extract_strided_slice %bitcast_convert_type3A_15 {offsets = [0, 4608], sizes = [16, 128], strides = [1, 1]} : vector<16x5120xf32> to vector<16x128xf32>
    %slice3A_672 = vector.extract_strided_slice %bitcast_convert_type3A_41 {offsets = [0, 4608], sizes = [16, 128], strides = [1, 1]} : vector<16x5120xf32> to vector<16x128xf32>
    %slice3A_673 = vector.extract_strided_slice %bitcast_convert_type3A_67 {offsets = [0, 4608], sizes = [16, 128], strides = [1, 1]} : vector<16x5120xf32> to vector<16x128xf32>
    %slice3A_674 = vector.extract_strided_slice %bitcast_convert_type3A_96 {offsets = [0, 4608], sizes = [16, 128], strides = [1, 1]} : vector<16x5120xf32> to vector<16x128xf32>
    %slice3A_675 = vector.extract_strided_slice %bitcast_convert_type3A_122 {offsets = [0, 4608], sizes = [16, 128], strides = [1, 1]} : vector<16x5120xf32> to vector<16x128xf32>
    %slice3A_676 = vector.extract_strided_slice %bitcast_convert_type3A_151 {offsets = [0, 4608], sizes = [16, 128], strides = [1, 1]} : vector<16x5120xf32> to vector<16x128xf32>
    %slice3A_677 = vector.extract_strided_slice %bitcast_convert_type3A_177 {offsets = [0, 4608], sizes = [16, 128], strides = [1, 1]} : vector<16x5120xf32> to vector<16x128xf32>
    %slice3A_678 = vector.extract_strided_slice %bitcast_convert_type3A_206 {offsets = [0, 4608], sizes = [16, 128], strides = [1, 1]} : vector<16x5120xf32> to vector<16x128xf32>
    %concatenate3A_679 = tpu.concatenate %slice3A_671, %slice3A_672, %slice3A_673, %slice3A_674, %slice3A_675, %slice3A_676, %slice3A_677, %slice3A_678 in 0 : vector<16x128xf32>, vector<16x128xf32>, vector<16x128xf32>, vector<16x128xf32>, vector<16x128xf32>, vector<16x128xf32>, vector<16x128xf32>, vector<16x128xf32> -> vector<128x128xf32>
    %transpose3A_680 = tpu.transpose %concatenate3A_679, [1, 0] : vector<128x128xf32> -> vector<128x128xf32>
    %reshape3A_681 = vector.shape_cast %transpose3A_680 : vector<128x128xf32> to vector<16384xf32>
    %swap3A_682 = arith.constant 589824 : index
    %swap3A_683 = vector.load %arg9[%swap3A_682] : memref<655360xf32, #tpu.memory_space<vmem>>, vector<16384xf32>
    tpu.vector_store %arg9[%swap3A_682], %reshape3A_681 {strides = array<i32>} : memref<655360xf32, #tpu.memory_space<vmem>>, vector<16384xf32>,
    %slice3A_684 = vector.extract_strided_slice %bitcast_convert_type3A_15 {offsets = [0, 4736], sizes = [16, 128], strides = [1, 1]} : vector<16x5120xf32> to vector<16x128xf32>
    %slice3A_685 = vector.extract_strided_slice %bitcast_convert_type3A_41 {offsets = [0, 4736], sizes = [16, 128], strides = [1, 1]} : vector<16x5120xf32> to vector<16x128xf32>
    %slice3A_686 = vector.extract_strided_slice %bitcast_convert_type3A_67 {offsets = [0, 4736], sizes = [16, 128], strides = [1, 1]} : vector<16x5120xf32> to vector<16x128xf32>
    %slice3A_687 = vector.extract_strided_slice %bitcast_convert_type3A_96 {offsets = [0, 4736], sizes = [16, 128], strides = [1, 1]} : vector<16x5120xf32> to vector<16x128xf32>
    %slice3A_688 = vector.extract_strided_slice %bitcast_convert_type3A_122 {offsets = [0, 4736], sizes = [16, 128], strides = [1, 1]} : vector<16x5120xf32> to vector<16x128xf32>
    %slice3A_689 = vector.extract_strided_slice %bitcast_convert_type3A_151 {offsets = [0, 4736], sizes = [16, 128], strides = [1, 1]} : vector<16x5120xf32> to vector<16x128xf32>
    %slice3A_690 = vector.extract_strided_slice %bitcast_convert_type3A_177 {offsets = [0, 4736], sizes = [16, 128], strides = [1, 1]} : vector<16x5120xf32> to vector<16x128xf32>
    %slice3A_691 = vector.extract_strided_slice %bitcast_convert_type3A_206 {offsets = [0, 4736], sizes = [16, 128], strides = [1, 1]} : vector<16x5120xf32> to vector<16x128xf32>
    %concatenate3A_692 = tpu.concatenate %slice3A_684, %slice3A_685, %slice3A_686, %slice3A_687, %slice3A_688, %slice3A_689, %slice3A_690, %slice3A_691 in 0 : vector<16x128xf32>, vector<16x128xf32>, vector<16x128xf32>, vector<16x128xf32>, vector<16x128xf32>, vector<16x128xf32>, vector<16x128xf32>, vector<16x128xf32> -> vector<128x128xf32>
    %transpose3A_693 = tpu.transpose %concatenate3A_692, [1, 0] : vector<128x128xf32> -> vector<128x128xf32>
    %reshape3A_694 = vector.shape_cast %transpose3A_693 : vector<128x128xf32> to vector<16384xf32>
    %swap3A_695 = arith.constant 606208 : index
    %swap3A_696 = vector.load %arg9[%swap3A_695] : memref<655360xf32, #tpu.memory_space<vmem>>, vector<16384xf32>
    tpu.vector_store %arg9[%swap3A_695], %reshape3A_694 {strides = array<i32>} : memref<655360xf32, #tpu.memory_space<vmem>>, vector<16384xf32>,
    %slice3A_697 = vector.extract_strided_slice %bitcast_convert_type3A_15 {offsets = [0, 4864], sizes = [16, 128], strides = [1, 1]} : vector<16x5120xf32> to vector<16x128xf32>
    %slice3A_698 = vector.extract_strided_slice %bitcast_convert_type3A_41 {offsets = [0, 4864], sizes = [16, 128], strides = [1, 1]} : vector<16x5120xf32> to vector<16x128xf32>
    %slice3A_699 = vector.extract_strided_slice %bitcast_convert_type3A_67 {offsets = [0, 4864], sizes = [16, 128], strides = [1, 1]} : vector<16x5120xf32> to vector<16x128xf32>
    %slice3A_700 = vector.extract_strided_slice %bitcast_convert_type3A_96 {offsets = [0, 4864], sizes = [16, 128], strides = [1, 1]} : vector<16x5120xf32> to vector<16x128xf32>
    %slice3A_701 = vector.extract_strided_slice %bitcast_convert_type3A_122 {offsets = [0, 4864], sizes = [16, 128], strides = [1, 1]} : vector<16x5120xf32> to vector<16x128xf32>
    %slice3A_702 = vector.extract_strided_slice %bitcast_convert_type3A_151 {offsets = [0, 4864], sizes = [16, 128], strides = [1, 1]} : vector<16x5120xf32> to vector<16x128xf32>
    %slice3A_703 = vector.extract_strided_slice %bitcast_convert_type3A_177 {offsets = [0, 4864], sizes = [16, 128], strides = [1, 1]} : vector<16x5120xf32> to vector<16x128xf32>
    %slice3A_704 = vector.extract_strided_slice %bitcast_convert_type3A_206 {offsets = [0, 4864], sizes = [16, 128], strides = [1, 1]} : vector<16x5120xf32> to vector<16x128xf32>
    %concatenate3A_705 = tpu.concatenate %slice3A_697, %slice3A_698, %slice3A_699, %slice3A_700, %slice3A_701, %slice3A_702, %slice3A_703, %slice3A_704 in 0 : vector<16x128xf32>, vector<16x128xf32>, vector<16x128xf32>, vector<16x128xf32>, vector<16x128xf32>, vector<16x128xf32>, vector<16x128xf32>, vector<16x128xf32> -> vector<128x128xf32>
    %transpose3A_706 = tpu.transpose %concatenate3A_705, [1, 0] : vector<128x128xf32> -> vector<128x128xf32>
    %reshape3A_707 = vector.shape_cast %transpose3A_706 : vector<128x128xf32> to vector<16384xf32>
    %swap3A_708 = arith.constant 622592 : index
    %swap3A_709 = vector.load %arg9[%swap3A_708] : memref<655360xf32, #tpu.memory_space<vmem>>, vector<16384xf32>
    tpu.vector_store %arg9[%swap3A_708], %reshape3A_707 {strides = array<i32>} : memref<655360xf32, #tpu.memory_space<vmem>>, vector<16384xf32>,
    %slice3A_710 = vector.extract_strided_slice %bitcast_convert_type3A_15 {offsets = [0, 4992], sizes = [16, 128], strides = [1, 1]} : vector<16x5120xf32> to vector<16x128xf32>
    %slice3A_711 = vector.extract_strided_slice %bitcast_convert_type3A_41 {offsets = [0, 4992], sizes = [16, 128], strides = [1, 1]} : vector<16x5120xf32> to vector<16x128xf32>
    %slice3A_712 = vector.extract_strided_slice %bitcast_convert_type3A_67 {offsets = [0, 4992], sizes = [16, 128], strides = [1, 1]} : vector<16x5120xf32> to vector<16x128xf32>
    %slice3A_713 = vector.extract_strided_slice %bitcast_convert_type3A_96 {offsets = [0, 4992], sizes = [16, 128], strides = [1, 1]} : vector<16x5120xf32> to vector<16x128xf32>
    %slice3A_714 = vector.extract_strided_slice %bitcast_convert_type3A_122 {offsets = [0, 4992], sizes = [16, 128], strides = [1, 1]} : vector<16x5120xf32> to vector<16x128xf32>
    %slice3A_715 = vector.extract_strided_slice %bitcast_convert_type3A_151 {offsets = [0, 4992], sizes = [16, 128], strides = [1, 1]} : vector<16x5120xf32> to vector<16x128xf32>
    %slice3A_716 = vector.extract_strided_slice %bitcast_convert_type3A_177 {offsets = [0, 4992], sizes = [16, 128], strides = [1, 1]} : vector<16x5120xf32> to vector<16x128xf32>
    %slice3A_717 = vector.extract_strided_slice %bitcast_convert_type3A_206 {offsets = [0, 4992], sizes = [16, 128], strides = [1, 1]} : vector<16x5120xf32> to vector<16x128xf32>
    %concatenate3A_718 = tpu.concatenate %slice3A_710, %slice3A_711, %slice3A_712, %slice3A_713, %slice3A_714, %slice3A_715, %slice3A_716, %slice3A_717 in 0 : vector<16x128xf32>, vector<16x128xf32>, vector<16x128xf32>, vector<16x128xf32>, vector<16x128xf32>, vector<16x128xf32>, vector<16x128xf32>, vector<16x128xf32> -> vector<128x128xf32>
    %transpose3A_719 = tpu.transpose %concatenate3A_718, [1, 0] : vector<128x128xf32> -> vector<128x128xf32>
    %reshape3A_720 = vector.shape_cast %transpose3A_719 : vector<128x128xf32> to vector<16384xf32>
    %swap3A_721 = arith.constant 638976 : index
    %swap3A_722 = vector.load %arg9[%swap3A_721] : memref<655360xf32, #tpu.memory_space<vmem>>, vector<16384xf32>
    tpu.vector_store %arg9[%swap3A_721], %reshape3A_720 {strides = array<i32>} : memref<655360xf32, #tpu.memory_space<vmem>>, vector<16384xf32>,
    return
  }
  func.func @transform_0(%arg0: i32) -> (i32, i32) {
    %add3A = arith.constant 0 : i32
    %add3A_0 = arith.addi %arg0, %add3A : i32
    %c0_i32 = arith.constant 0 : i32
    %c0_i32_1 = arith.constant 0 : i32
    return %c0_i32, %add3A_0 : i32, i32
  }
  func.func @transform_1(%arg0: i32) -> (i32, i32) {
    %add3A = arith.constant 0 : i32
    %add3A_0 = arith.addi %arg0, %add3A : i32
    %c0_i32 = arith.constant 0 : i32
    %c0_i32_1 = arith.constant 0 : i32
    return %c0_i32, %add3A_0 : i32, i32
  }
  func.func @transform_2(%arg0: i32) -> (i32, i32) {
    %add3A = arith.constant 5 : i32
    %add3A_0 = arith.addi %arg0, %add3A : i32
    %c0_i32 = arith.constant 0 : i32
    %c0_i32_1 = arith.constant 0 : i32
    return %c0_i32, %add3A_0 : i32, i32
  }
  func.func @transform_3(%arg0: i32) -> (i32, i32) {
    %add3A = arith.constant 5 : i32
    %add3A_0 = arith.addi %arg0, %add3A : i32
    %c0_i32 = arith.constant 0 : i32
    %c0_i32_1 = arith.constant 0 : i32
    return %c0_i32, %add3A_0 : i32, i32
  }
  func.func @transform_4(%arg0: i32) -> (i32, i32) {
    %add3A = arith.constant 10 : i32
    %add3A_0 = arith.addi %arg0, %add3A : i32
    %c0_i32 = arith.constant 0 : i32
    %c0_i32_1 = arith.constant 0 : i32
    return %c0_i32, %add3A_0 : i32, i32
  }
  func.func @transform_5(%arg0: i32) -> (i32, i32) {
    %add3A = arith.constant 10 : i32
    %add3A_0 = arith.addi %arg0, %add3A : i32
    %c0_i32 = arith.constant 0 : i32
    %c0_i32_1 = arith.constant 0 : i32
    return %c0_i32, %add3A_0 : i32, i32
  }
  func.func @transform_6(%arg0: i32) -> (i32, i32) {
    %add3A = arith.constant 15 : i32
    %add3A_0 = arith.addi %arg0, %add3A : i32
    %c0_i32 = arith.constant 0 : i32
    %c0_i32_1 = arith.constant 0 : i32
    return %c0_i32, %add3A_0 : i32, i32
  }
  func.func @transform_7(%arg0: i32) -> (i32, i32) {
    %add3A = arith.constant 15 : i32
    %add3A_0 = arith.addi %arg0, %add3A : i32
    %c0_i32 = arith.constant 0 : i32
    %c0_i32_1 = arith.constant 0 : i32
    return %c0_i32, %add3A_0 : i32, i32
  }
  func.func @transform_8(%arg0: i32) -> i32 {
    %c0_i32 = arith.constant 0 : i32
    return %arg0 : i32
  }
}

</mosaic_0001>

<sc_bundles>
// kernel: kernel.5.cloned.1.call-start
scs
__scs_entry_jumppad:
0x0: {  	(pc) =	sbr.rel $0x88, $3  }
0x1: {  	(tag) =	ssettag $0x0;
	lr =	simm.s32 $0x1  }
0x2: {  	[smem:$0x3F9D] =	sst lr;
	_ =	strace $0xD0000000  }
0x3: {  	_ = 	snop  }
0x4: {  	_ = 	snop  }
0x5: {  	_ = 	snop  }
0x6: {  	_ = 	snop  }
0x7: {  	_ = 	snop  }
__scs_overlays_trampoline_lowered:
0x8: {  	[smem:$0x3FAC] =	sst s0  }
0x9: {  	[smem:$0x3FAD] =	sst s1  }
0xa: {  	[smem:$0x3FAE] =	sst s2  }
0xb: {  	[smem:$0x3FAF] =	sst s3  }
0xc: {  	[smem:$0x3FB0] =	sst s4  }
0xd: {  	[smem:$0x3FB1] =	sst s5  }
0xe: {  	[smem:$0x3FB2] =	sst s6  }
0xf: {  	[smem:$0x3FB3] =	sst s7  }
0x10: {  	[smem:$0x3FB4] =	sst s8  }
0x11: {  	[smem:$0x3FB5] =	sst s9;
	s0 =	simm.s32 @!p0 $0x0  }
0x12: {  	s1 =	sld [smem:$0x3F9B];
	s0 =	simm.s32 @p0 $0x1  }
0x13: {  	[smem:$0x3FB6] =	sst s0;
	s0 =	simm.s32 @!p1 $0x0  }
0x14: {  	s2 =	sld [smem:$0x3F9A];
	s0 =	simm.s32 @p1 $0x1  }
0x15: {  	[smem:$0x3FB7] =	sst s0;
	s0 =	simm.s32 @!p2 $0x0  }
0x16: {  	s3 =	sld [smem:$0x3FDB];
	s0 =	simm.s32 @p2 $0x1  }
0x17: {  	s4 =	simm.s32 $0x1BF5;
	[smem:$0x3FB9] =	sst s0  }
0x18: {  	s0 =	sld [smem:$0x3F9C];
	_ =	swait.ge [sflag:s4], $0x0  }
0x19: {  	s7 =	sld [smem:$0x3F9D]  }
0x1a: {  	s8 =	sadd.s32 $0xFFFFE003, lr  }
0x1b: {  	s9 =	sadd.s32 $0xFFFFFEF7, lr;
	s5 =	simm.s32 $0xFFFFFFFF;
	p2 =	slt.u32 s8, $0xFFFFF086  }
0x1c: {  	p1 =	slt.u32 s9, $0xF7A;
	s5 =	simm.s32 @!p2 $0x0  }
0x1d: {  	s5 =	simm.s32 @p1 $0x1;
	p0 =	seq.s32 s7, s2  }
0x1e: {  	s7 =	smul.u32 @!p0 $0xF7A, s2;
	p2 =	seq.s32 @!p0 s5, $0x0  }
0x1f: {  	s9 =	smul.u32 $0xF7A, s1;
	s8 =	simm.s32 @!p0 $0x1BF5;
	p2 =	por !p2, p0  }
0x20: {  	[sflag:s8] =	ssyncset.s32 @!p0 $0xFFFFF086;
	s6 =	sadd.s32 @!p0 s3, s7;
	s7 =	simm.s32 @!p0 $0x108  }
0x21: {  	s3 =	sadd.s32 s3, s9;
	s6 =	sadd.s32 @!p0 $0x88, s6;
	s7 =	simm.s32 @p2 $0x1082  }
0x22: {  	[simem:s7], [sflag:s8] =	dma.local @!p0 [hbm:s6], $0xF7A  }
0x23: {  	s9 =	sor.u32 $0xD0000000, s2;
	s6 =	simm.s32 $0x108;
	_ =	swait.ge @!p0 [sflag:s8], $0x0  }
0x24: {  	s3 =	sadd.s32 $0x88, s3;
	s6 =	simm.s32 @!p1 $0x1082;
	[sflag:s4] =	ssyncset.s32 $0xFFFFF086  }
0x25: {  	[simem:s6], [sflag:s4] =	dma.local [hbm:s3], $0xF7A  }
0x26: {  	[smem:$0x3F9D] =	sst s1;
	(tag) =	ssettag s2;
	_ =	strace s9  }
0x27: {  	s1 =	sld [smem:$0x3FAD]  }
0x28: {  	s2 =	sld [smem:$0x3FAE]  }
0x29: {  	s4 =	sld [smem:$0x3FB0]  }
0x2a: {  	p0 =	seq.s32 s5, $0x0;
	s5 =	sld [smem:$0x3FB1]  }
0x2b: {  	s6 =	sld [smem:$0x3FB2]  }
0x2c: {  	s7 =	sld [smem:$0x3FB3]  }
0x2d: {  	s3 =	simm.s32 $0x108;
	s8 =	sld [smem:$0x3FB4]  }
0x2e: {  	s3 =	simm.s32 @!p0 $0x1082;
	s9 =	sld [smem:$0x3FB5]  }
0x2f: {  	lr =	sadd.s32 s0, s3;
	s0 =	sld [smem:$0x3FAC]  }
0x30: {  	s3 =	sld [smem:$0x3FAF]  }
0x31: {  	[smem:$0x3FB8] =	sst s10  }
0x32: {  	s10 =	sld [smem:$0x3FB6];
	_ =	sdelay $0x3  }
0x33: {  	p0 =	seq.s32 s10, $0x1;
	s10 =	sld [smem:$0x3FB8];
	_ =	sdelay $0x3  }
0x34: {  	[smem:$0x3FB8] =	sst s10  }
0x35: {  	s10 =	sld [smem:$0x3FB7];
	_ =	sdelay $0x3  }
0x36: {  	p1 =	seq.s32 s10, $0x1;
	s10 =	sld [smem:$0x3FB8];
	_ =	sdelay $0x3  }
0x37: {  	[smem:$0x3FB8] =	sst s10  }
0x38: {  	s10 =	sld [smem:$0x3FB9]  }
0x39: {  	_ = 	snop;
	(pc) =	sbr.ind lr, $3  }
0x3a: {  	_ = 	snop  }
0x3b: {  	_ = 	snop  }
0x3c: {  	p2 =	seq.s32 s10, $0x1;
	s10 =	sld [smem:$0x3FB8]  }
0x3d: {  	_ =	shalt  }
0x3e: {  	_ =	shalt  }
0x3f: {  	_ =	shalt  }
0x40: {  	_ =	shalt  }
0x41: {  	_ =	shalt  }
0x42: {  	_ =	shalt  }
0x43: {  	_ =	shalt  }
0x44: {  	_ =	shalt  }
0x45: {  	_ =	shalt  }
0x46: {  	_ =	shalt  }
0x47: {  	_ =	shalt  }
0x48: {  	_ =	shalt  }
0x49: {  	_ =	shalt  }
0x4a: {  	_ =	shalt  }
0x4b: {  	_ =	shalt  }
0x4c: {  	_ =	shalt  }
0x4d: {  	_ =	shalt  }
0x4e: {  	_ =	shalt  }
0x4f: {  	_ =	shalt  }
0x50: {  	_ =	shalt  }
0x51: {  	_ =	shalt  }
0x52: {  	_ =	shalt  }
0x53: {  	_ =	shalt  }
0x54: {  	_ =	shalt  }
0x55: {  	_ =	shalt  }
0x56: {  	_ =	shalt  }
0x57: {  	_ =	shalt  }
0x58: {  	_ =	shalt  }
0x59: {  	_ =	shalt  }
0x5a: {  	_ =	shalt  }
0x5b: {  	_ =	shalt  }
0x5c: {  	_ =	shalt  }
0x5d: {  	_ =	shalt  }
0x5e: {  	_ =	shalt  }
0x5f: {  	_ =	shalt  }
0x60: {  	_ =	shalt  }
0x61: {  	_ =	shalt  }
0x62: {  	_ =	shalt  }
0x63: {  	_ =	shalt  }
0x64: {  	_ =	shalt  }
0x65: {  	_ =	shalt  }
0x66: {  	_ =	shalt  }
0x67: {  	_ =	shalt  }
0x68: {  	_ =	shalt  }
0x69: {  	_ =	shalt  }
0x6a: {  	_ =	shalt  }
0x6b: {  	_ =	shalt  }
0x6c: {  	_ =	shalt  }
0x6d: {  	_ =	shalt  }
0x6e: {  	_ =	shalt  }
0x6f: {  	_ =	shalt  }
0x70: {  	_ =	shalt  }
0x71: {  	_ =	shalt  }
0x72: {  	_ =	shalt  }
0x73: {  	_ =	shalt  }
0x74: {  	_ =	shalt  }
0x75: {  	_ =	shalt  }
0x76: {  	_ =	shalt  }
0x77: {  	_ =	shalt  }
0x78: {  	_ =	shalt  }
0x79: {  	_ =	shalt  }
0x7a: {  	_ =	shalt  }
0x7b: {  	_ =	shalt  }
0x7c: {  	_ =	shalt  }
0x7d: {  	_ =	shalt  }
0x7e: {  	_ =	shalt  }
0x7f: {  	_ =	shalt  }
0x80: {  	_ =	shalt  }
0x81: {  	_ =	shalt  }
0x82: {  	_ =	shalt  }
0x83: {  	_ =	shalt  }
0x84: {  	_ =	shalt  }
0x85: {  	_ =	shalt  }
0x86: {  	_ =	shalt  }
0x87: {  	_ =	shalt  }
.Lfunc_end0:
.L_simem_size_0:
called_computation_lowered:
.L_overlay_start_0:
0x88: {  	s2 =	sld [smem:$0x3FD9]  }
0x89: {  	s3 =	sld [smem:$0x3FFE];
	_ =	sdelay $0x1  }
0x8a: {  	s1 =	srdreg.scid  }
0x8b: {  	s0 =	sand.u32 $0x1, s1  }
0x8c: {  	s17 =	sshll.u32 s0, $0xA;
	s2 =	sadd.s32 s3, s2  }
0x8d: {  	s2 =	sadd.s32 s2, s17  }
0x8e: {  	[smem:$0x3FC4] =	sst s2  }
0x8f: {  	_ = 	snop  }
0x90: {  	s2 =	sld [smem:$0x3FD0];
	(tm) =	ssettm $0x1  }
0x91: {  	s18 =	sld [smem:$0x3FFB];
	_ =	sdelay $0x3  }
0x92: {  	_ =	strace s18  }
0x93: {  	s3 =	sld [smem:$0x3FFC];
	_ =	sdelay $0x3  }
0x94: {  	_ =	strace s3  }
0x95: {  	s3 =	sld [smem:$0x3FFD];
	_ =	sdelay $0x3  }
0x96: {  	_ =	strace s3  }
0x97: {  	_ =	strace $0x8FFFFFFF  }
0x98: {  	s19 =	sld [smem:$0x3FDB];
	_ =	sdelay $0x1  }
0x99: {  	s4 =	simm.s32 $_scs_section_size  }
0x9a: {  	s5 =	simm.s32 $_size__tile_overlayer_lowered;
	s6 =	simm.s32 $_tile_overlayer_lowered  }
0x9b: {  	s22 =	simm.s32 $0x1BFF;
	s21 =	sshll.u32 s6, $0x1;
	s3 =	sadd.s32 s4, s19  }
0x9c: {  	s7 =	simm.s32 $0x0;
	s20 =	sshll.u32 s5, $0x1;
	s5 =	sadd.s32 s21, s3  }
0x9d: {  	[timem:s7], [sflag:s22] =	dma.local [hbm:s5], s20  }
0x9e: {  	_ =	swait.ge [sflag:s22], s20  }
0x9f: {  	s4 =	ssub.s32 $0x0, s20;
	[sflag:s22] =	ssyncset.done $0x0  }
0xa0: {  	[sflag:s22] =	ssyncadd.s32 s4;
	_ =	sdelay $0x1  }
0xa1: {  	s23 =	simm.s32 $0x1B8B  }
0xa2: {  	_ =	swait.ge [sflag:s23], $0x1  }
0xa3: {  	[sflag:s23] =	ssyncset.done $0x0  }
0xa4: {  	s25 =	simm.s32 $0x1B8E;
	s24 =	sld [smem:$0x3FFE];
	[sflag:s23] =	ssyncadd.s32 $0xFFFFFFFF  }
0xa5: {  	s26 =	simm.s32 $execute0_lowered;
	[smem:$0x3FD2] =	sst s25  }
0xa6: {  	s5 =	sshll.u32 s26, $0x1;
	_ =	strace $0x80000046;
	[dreg:$0x1] =	wrdreg $0xFFFFFFFF  }
0xa7: {  	s28 =	simm.s32 $_size_execute0_lowered;
	s3 =	sadd.s32 s3, s5;
	[dreg:$0x0] =	wrdreg $0x0  }
0xa8: {  	s5 =	sshll.u32 s28, $0x1;
	[dreg:$0x2] =	wrdreg s3  }
0xa9: {  	[dreg:$0x3] =	wrdreg s5  }
0xaa: {  	[dreg:$0x4] =	wrdreg $0xC0  }
0xab: {  	_ =	task [dreg:s7], $0x5FFFF  }
0xac: {  	[dreg:$0x1] =	wrdreg $0xFFFFFFFF  }
0xad: {  	[dreg:$0x0] =	wrdreg $0x60  }
0xae: {  	[dreg:$0x2] =	wrdreg s24  }
0xaf: {  	[dreg:$0x3] =	wrdreg s2  }
0xb0: {  	[dreg:$0x4] =	wrdreg $0x9  }
0xb1: {  	_ =	task.clear_ibuf [dreg:s7], $0x5FFFF;
	_ =	strace $0x90000046  }
0xb2: {  	s29 =	simm.s32 $0x9;
	_ =	strace $0x80000048  }
0xb3: {  	_ =	swait.ge [sflag:s29], $0x1  }
0xb4: {  	[sflag:s29] =	ssyncadd.s32 $0xFFFFFFFF  }
0xb5: {  	_ =	strace $0x90000048  }
0xb6: {  	_ =	sfence  }
0xb7: {  	s30 =	sld [smem:$0x0];
	_ =	sdelay $0x2  }
0xb8: {  	s31 =	sshll.u32 s1, $0xD;
	s1 =	sshrl.u32 s1, $0x2  }
0xb9: {  	s3 =	sand.u32 $0x4000, s31;
	s1 =	sadd.s32 s1, s30  }
0xba: {  	s0 =	sor.u32 s3, s0;
	s1 =	sshll.u32 s1, $0x11  }
0xbb: {  	s0 =	sor.u32 s1, s0  }
0xbc: {  	s0 =	sadd.s32 $0x8F2B, s0  }
0xbd: {  	[sflag:s0] =	ssyncadd.remote.s32 $0x1  }
0xbe: {  	_ =	sfence.sel $0xFFFF  }
0xbf: {  	[dreg:$0x0] =	wrdreg $0xFFFFFFFF;
	(pc) =	sbr.abs _section_cstart, $3  }
0xc0: {  	[dreg:$0x1] =	wrdreg $0xFFFFFFFF  }
0xc1: {  	_ =	task.clear_ibuf [dreg:s7], $0x2FFFF;
	_ =	strace $0x9FFFFFFF  }
0xc2: {  	(tm) =	ssettm $0x7FFFFFFF  }
0xc3: {  	_ =	shalt  }
tec
execute0_lowered:
.L_overlay_start_1:
0x0: {  	(tag) =	ssettag $0x1  }
0x1: {  	v0 =	vlaneseq.u32  }
0x2: {  	v1 =	vimm.s32 $0x0;
	v4 =	vimm.s32 $0x1380;
	vm14 =	vcmask $0x300  }
0x3: {  	v5 =	vimm.s32 $0x3380;
	vm13 =	vcmask $0x704;
	vm12 =	vcmask $0xB08  }
0x4: {  	vm11 =	vcmask $0xF0C;
	vm10 =	vcmask $0x1310;
	vm9 =	vcmask $0x1714  }
0x5: {  	vm8 =	vcmask $0x1B18;
	vm7 =	vcmask $0x1F1C;
	vm6 =	vcmask $0x2320  }
0x6: {  	vm5 =	vcmask $0x2724;
	vm4 =	vcmask $0x2B28;
	vm3 =	vcmask $0x2F2C  }
0x7: {  	vm2 =	vcmask $0x3330;
	vm0 =	vcmask $0x3734;
	vm1 =	vcmask $0x3B38  }
0x8: {  	v6 =	vimm.s32 $0x1780;
	v7 =	vimm.s32 $0x3780;
	v8 =	vimm.s32 $0x1B80  }
0x9: {  	v9 =	vimm.s32 $0x3B80;
	v10 =	vimm.s32 $0x1F80;
	v11 =	vimm.s32 $0x3F80  }
0xa: {  	v2 =	vor.u32 $0x20, v0;
	v3 =	vand.u32 $0x7, v0;
	v4 =	vsel vm14, $0x0, v4  }
0xb: {  	v5 =	vsel vm14, $0x2000, v5;
	v6 =	vsel vm14, $0x400, v6;
	v7 =	vsel vm14, $0x2400, v7  }
0xc: {  	v8 =	vsel vm14, $0x800, v8;
	v9 =	vsel vm14, $0x2800, v9;
	v10 =	vsel vm14, $0xC00, v10  }
0xd: {  	v11 =	vsel vm14, $0x2C00, v11;
	v4 =	vsel vm13, $0x80, v4;
	v5 =	vsel vm13, $0x2080, v5  }
0xe: {  	v3 =	vor.u32 $0x10, v3;
	v6 =	vsel vm13, $0x480, v6;
	v7 =	vsel vm13, $0x2480, v7  }
0xf: {  	v8 =	vsel vm13, $0x880, v8;
	v9 =	vsel vm13, $0x2880, v9;
	v10 =	vsel vm13, $0xC80, v10  }
0x10: {  	v11 =	vsel vm13, $0x2C80, v11;
	v4 =	vsel vm12, $0x100, v4;
	v5 =	vsel vm12, $0x2100, v5  }
0x11: {  	v6 =	vsel vm12, $0x500, v6;
	v7 =	vsel vm12, $0x2500, v7;
	v8 =	vsel vm12, $0x900, v8  }
0x12: {  	v9 =	vsel vm12, $0x2900, v9;
	v10 =	vsel vm12, $0xD00, v10;
	v11 =	vsel vm12, $0x2D00, v11  }
0x13: {  	v4 =	vsel vm11, $0x180, v4;
	v5 =	vsel vm11, $0x2180, v5;
	v6 =	vsel vm11, $0x580, v6  }
0x14: {  	v7 =	vsel vm11, $0x2580, v7;
	v8 =	vsel vm11, $0x980, v8;
	v9 =	vsel vm11, $0x2980, v9  }
0x15: {  	v10 =	vsel vm11, $0xD80, v10;
	v11 =	vsel vm11, $0x2D80, v11;
	v4 =	vsel vm10, $0x200, v4  }
0x16: {  	v5 =	vsel vm10, $0x2200, v5;
	v6 =	vsel vm10, $0x600, v6;
	v7 =	vsel vm10, $0x2600, v7  }
0x17: {  	v8 =	vsel vm10, $0xA00, v8;
	v9 =	vsel vm10, $0x2A00, v9;
	v10 =	vsel vm10, $0xE00, v10  }
0x18: {  	v11 =	vsel vm10, $0x2E00, v11;
	v4 =	vsel vm9, $0x280, v4;
	v5 =	vsel vm9, $0x2280, v5  }
0x19: {  	v6 =	vsel vm9, $0x680, v6;
	v7 =	vsel vm9, $0x2680, v7;
	v8 =	vsel vm9, $0xA80, v8  }
0x1a: {  	v9 =	vsel vm9, $0x2A80, v9;
	v10 =	vsel vm9, $0xE80, v10;
	v11 =	vsel vm9, $0x2E80, v11  }
0x1b: {  	v4 =	vsel vm8, $0x300, v4;
	v5 =	vsel vm8, $0x2300, v5;
	v6 =	vsel vm8, $0x700, v6  }
0x1c: {  	v7 =	vsel vm8, $0x2700, v7;
	v8 =	vsel vm8, $0xB00, v8;
	v9 =	vsel vm8, $0x2B00, v9  }
0x1d: {  	v10 =	vsel vm8, $0xF00, v10;
	v11 =	vsel vm8, $0x2F00, v11;
	v4 =	vsel vm7, $0x380, v4  }
0x1e: {  	v5 =	vsel vm7, $0x2380, v5;
	v6 =	vsel vm7, $0x780, v6;
	v7 =	vsel vm7, $0x2780, v7  }
0x1f: {  	v8 =	vsel vm7, $0xB80, v8;
	v9 =	vsel vm7, $0x2B80, v9;
	v10 =	vsel vm7, $0xF80, v10  }
0x20: {  	v11 =	vsel vm7, $0x2F80, v11;
	v4 =	vsel vm6, $0x1000, v4;
	v5 =	vsel vm6, $0x3000, v5  }
0x21: {  	v6 =	vsel vm6, $0x1400, v6;
	v7 =	vsel vm6, $0x3400, v7;
	v8 =	vsel vm6, $0x1800, v8  }
0x22: {  	v9 =	vsel vm6, $0x3800, v9;
	v10 =	vsel vm6, $0x1C00, v10;
	v11 =	vsel vm6, $0x3C00, v11  }
0x23: {  	v4 =	vsel vm5, $0x1080, v4;
	v5 =	vsel vm5, $0x3080, v5;
	v6 =	vsel vm5, $0x1480, v6  }
0x24: {  	s4 =	rddreg [dreg:$0x0];
	s1 =	srdreg.scid;
	v7 =	vsel vm5, $0x3480, v7;
	v8 =	vsel vm5, $0x1880, v8;
	v9 =	vsel vm5, $0x3880, v9  }
0x25: {  	s0 =	stileid.u32;
	s6 =	rddreg [dreg:$0x1];
	s2 =	simm.s32 $0x0;
	v10 =	vsel vm5, $0x1C80, v10;
	v11 =	vsel vm5, $0x3C80, v11;
	v4 =	vsel vm4, $0x1100, v4  }
0x26: {  	s11 =	simm.s32 $0x4400;
	s12 =	simm.s32 $0x200;
	s13 =	simm.s32 $0x400;
	v5 =	vsel vm4, $0x3100, v5;
	v6 =	vsel vm4, $0x1500, v6;
	v7 =	vsel vm4, $0x3500, v7  }
0x27: {  	s14 =	simm.s32 $0x280;
	s15 =	simm.s32 $0x2400;
	s16 =	simm.s32 $0x3;
	v8 =	vsel vm4, $0x1900, v8;
	v9 =	vsel vm4, $0x3900, v9;
	v10 =	vsel vm4, $0x1D00, v10  }
0x28: {  	s17 =	simm.s32 $0x1;
	s18 =	simm.s32 $0x8400;
	s19 =	simm.s32 $0x300;
	v11 =	vsel vm4, $0x3D00, v11;
	v4 =	vsel vm3, $0x1180, v4;
	v5 =	vsel vm3, $0x3180, v5  }
0x29: {  	s20 =	simm.s32 $0x2;
	s21 =	simm.s32 $0x380;
	s22 =	simm.s32 $0x1000;
	v6 =	vsel vm3, $0x1580, v6;
	v7 =	vsel vm3, $0x3580, v7;
	v8 =	vsel vm3, $0x1980, v8  }
0x2a: {  	s23 =	simm.s32 $0x20000;
	s5 =	sand.u32 $0x1, s1;
	s1 =	rddreg [dreg:$0x2];
	v9 =	vsel vm3, $0x3980, v9;
	v10 =	vsel vm3, $0x1D80, v10;
	v11 =	vsel vm3, $0x3D80, v11  }
0x2b: {  	s24 =	simm.s32 $0x0;
	s3 =	sshll.u32 s0, $0x1;
	[smem:$0x7FF] =	sst s2;
	v4 =	vsel vm2, $0x1200, v4;
	v5 =	vsel vm2, $0x3200, v5;
	v6 =	vsel vm2, $0x1600, v6  }
0x2c: {  	s9 =	sand.u32 $0xC, s0;
	s7 =	sor.u32 s5, s3;
	_ =	strace $0x80000047;
	v7 =	vsel vm2, $0x3600, v7;
	v8 =	vsel vm2, $0x1A00, v8;
	v9 =	vsel vm2, $0x3A00, v9  }
0x2d: {  	s5 =	ssub.s32 $0x2, s5;
	s3 =	sshll.u32 s7, $0x6;
	s10 =	sshll.u32 s7, $0xD;
	v10 =	vsel vm2, $0x1E00, v10;
	v11 =	vsel vm2, $0x3E00, v11;
	v4 =	vsel vm0, $0x1280, v4  }
0x2e: {  	s30 =	sshrl.u32 s5, $0x1;
	s7 =	sshll.u32 s7, $0x9;
	s8 =	sadd.s32 s3, s4;
	v5 =	vsel vm0, $0x3280, v5;
	v6 =	vsel vm0, $0x1680, v6;
	v7 =	vsel vm0, $0x3680, v7  }
0x2f: {  	s3 =	sadd.s32 $0x11800, s4;
	s4 =	sadd.s32 s9, s4;
	s10 =	sand.u32 $0xE000, s10;
	v8 =	vsel vm0, $0x1A80, v8;
	v9 =	vsel vm0, $0x3A80, v9;
	v10 =	vsel vm0, $0x1E80, v10  }
0x30: {  	s9 =	ssub.s32 s5, s30;
	s6 =	sadd.s32 s6, s7;
	s31 =	sadd.s32 s10, s4;
	v11 =	vsel vm0, $0x3E80, v11;
	v4 =	vsel vm1, $0x1300, v4;
	v5 =	vsel vm1, $0x3300, v5  }
0x31: {  	s4 =	sadd.s32 $0x11000, s8;
	s7 =	smax.u32 s9, $0x1;
	s8 =	simm.s32 $0x4;
	v6 =	vsel vm1, $0x1700, v6;
	v7 =	vsel vm1, $0x3700, v7;
	v8 =	vsel vm1, $0x1B00, v8  }
0x32: {  	s9 =	simm.s32 $0x20;
	s10 =	simm.s32 $0x80;
	s5 =	sadd.s32 $0x1000, s31;
	v9 =	vsel vm1, $0x3B00, v9;
	v10 =	vsel vm1, $0x1F00, v10;
	v11 =	vsel vm1, $0x3F00, v11  }
.LBB2_1:
0x33: {  	[tilespmem:s2], [sflag:$0x4] =	stream.linear.gather [hbm4b:s4+s2], $0x200, $0x38;
	[tilespmem:$0xC400] =	vst v63  }
0x34: {  	_ =	swait.ge [sflag:s8], $0x200  }
0x35: {  	[sflag:s8] =	ssyncset.done $0x0  }
0x36: {  	[sflag:s8] =	ssyncadd.s32 $0xFFFFFE00  }
0x37: {  	[tilespmem:s11], [sflag:$0x3] =	stream.strided.gather [hbm4b:s5+s9], $0x4000, s10, s9, $0x38;
	[tilespmem:$0xC400] =	vst v63  }
0x38: {  	v13 =	vld [tilespmem:s2+$0x0];
	_ =	sdelay $0x2  }
0x39: {  	s25 =	simm.s32 $0x10  }
0x3a: {  	v12 =	vld [tilespmem:s25+$0x0]  }
0x3b: {  	vm0 =	vgt.s32 v13, $0x63FF;
	vm1 =	vgt.s32 v13, $0xC7FF  }
0x3c: {  	v14 =	vsel vm0, $0x1, v1;
	v15 =	vsel vm1, $0x1, v1;
	vm0 =	vgt.s32 v13, $0x12BFF  }
0x3d: {  	v14 =	vadd.s32 v15, v14;
	v15 =	vsel vm0, $0x1, v1  }
0x3e: {  	v14 =	vadd.s32 v15, v14  }
0x3f: {  	vm1 =	vgt.s32 v12, $0xC7FF;
	v15 =	vmul.u32 $0x7FFF9C00, v14  }
0x40: {  	vm0 =	vgt.s32 v12, $0x63FF;
	v17 =	vsel vm1, $0x1, v1  }
0x41: {  	s28 =	simm.s32 $0x20;
	v16 =	vsel vm0, $0x1, v1;
	vm0 =	vgt.s32 v12, $0x12BFF;
	v15 =	vadd.s32 v13, v15  }
0x42: {  	s29 =	simm.s32 $0x20;
	s26 =	simm.s32 $0x200;
	s25 =	simm.s32 $0x200;
	v14 =	vshrl.u32 v14, $0x1;
	v16 =	vadd.s32 v17, v16;
	v13 =	vld [tilespmem:s28+$0x0];
	v15 =	vshll.u32 v15, $0x1  }
.LBB2_2:
0x43: {  	s29 =	sadd.s32 $0x10, s29  }
0x44: {  	v17 =	vsel vm0, $0x1, v1;
	v14 =	vadd.s32 v14, v15;
	s25 =	sadd.s32 $0x10, s25;
	p0 =	slt.u32 s29, $0x1F0  }
.Ltmp0:
0x45: {  	v15 =	vadd.s32 v17, v16;
	[tilespmem:s26+$0x0] =	vst v14;
	s26 =	smov.u32 s25;
	(pc) =	sbr.rel @p0 .LBB2_2-.Ltmp0, $4  }
0x46: {  	v16 =	vmul.u32 $0x7FFF9C00, v15  }
0x47: {  	s28 =	sadd.s32 $0x10, s28;
	v14 =	vshrl.u32 v15, $0x1;
	vm0 =	vgt.s32 v13, $0x63FF;
	vm1 =	vgt.s32 v13, $0xC7FF  }
0x48: {  	v15 =	vsel vm0, $0x1, v1;
	v17 =	vsel vm1, $0x1, v1;
	v18 =	vadd.s32 v12, v16;
	v12 =	vmovc v13;
	v13 =	vld [tilespmem:s28+$0x0]  }
0x49: {  	vm0 =	vgt.s32 v12, $0x12BFF;
	v16 =	vadd.s32 v17, v15;
	v15 =	vshll.u32 v18, $0x1  }
0x4a: {  	_ =	sdelay $0x2  }
0x4b: {  	v17 =	vsel vm0, $0x1, v1;
	vm14 =	vgt.s32 v13, $0x63FF;
	vm1 =	vgt.s32 v13, $0xC7FF  }
0x4c: {  	vm15 =	vgt.s32 v13, $0x12BFF;
	v18 =	vsel vm14, $0x1, v1;
	v19 =	vsel vm1, $0x1, v1  }
0x4d: {  	v16 =	vadd.s32 v17, v16;
	v17 =	vadd.s32 v19, v18;
	v18 =	vsel vm15, $0x1, v1  }
0x4e: {  	v19 =	vmul.u32 $0x7FFF9C00, v16;
	v17 =	vadd.s32 v18, v17  }
0x4f: {  	v18 =	vmul.u32 $0x7FFF9C00, v17  }
0x50: {  	v14 =	vadd.s32 v14, v15;
	v12 =	vadd.s32 v12, v19  }
0x51: {  	v15 =	vshrl.u32 v16, $0x1;
	v12 =	vshll.u32 v12, $0x1;
	v13 =	vadd.s32 v13, v18  }
0x52: {  	s25 =	sadd.s32 $0x10, s25;
	[tilespmem:s26+$0x0] =	vst v14;
	v14 =	vshrl.u32 v17, $0x1;
	v12 =	vadd.s32 v15, v12;
	v13 =	vshll.u32 v13, $0x1  }
0x53: {  	s31 =	sadd.s32 $0x10, s25;
	[tilespmem:s25+$0x0] =	vst v12;
	v12 =	vadd.s32 v14, v13  }
0x54: {  	[tilespmem:s31+$0x0] =	vst v12  }
0x55: {  	[tilespmem:s13], [sflag:$0x1] =	stream.indirect.gather [hbm4b:s3+s10], $0x40, s12, s10, $0xb8;
	[tilespmem:$0xC400] =	vst v63  }
0x56: {  	_ = 	snop  }
0x57: {  	[tilespmem:s15], [sflag:$0x2] =	stream.indirect.gather [hbm4b:s3+s10], $0x40, s14, s10, $0xb8;
	[tilespmem:$0xC400] =	vst v63  }
0x58: {  	s28 =	simm.s32 $0x0;
	_ =	swait.ge [sflag:s16], $0x4000  }
0x59: {  	v12 =	vmov s28;
	[sflag:s16] =	ssyncset.done $0x0  }
0x5a: {  	[sflag:s16] =	ssyncadd.s32 $0xFFFFC000  }
0x5b: {  	s29 =	simm.s32 $0x1;
	_ =	swait.ge [sflag:s17], $0x2000  }
0x5c: {  	v14 =	vmov s29;
	[sflag:s17] =	ssyncset.done $0x0  }
0x5d: {  	[sflag:s17] =	ssyncadd.s32 $0xFFFFE000  }
0x5e: {  	v13 =	vld.idx.msk [tilespmem:v12+s2+$0x0], $0xffff;
	_ =	sdelay $0x2  }
0x5f: {  	v15 =	vld.idx.msk [tilespmem:v14+s2+$0x0], $0xffff  }
0x60: {  	s30 =	simm.s32 $0x2  }
0x61: {  	v18 =	vmov s30;
	v16 =	vadd.s32 $0xFFFF9C00, v13  }
0x62: {  	vm4 =	vgt.s32 v13, $0x12BFF;
	vm5 =	vlt.u32 v16, $0x6400  }
0x63: {  	vm0 =	vmxor vm4, vm5  }
0x64: {  	v17 =	vadd.s32 $0xFFFF9C00, v15;
	vm6 =	vgt.s32 v15, $0x12BFF;
	v13 =	vsel vm0, v2, v0  }
0x65: {  	s31 =	simm.s32 $0x3;
	v16 =	vshll.u32 v12, $0x6;
	vm7 =	vlt.u32 v17, $0x6400;
	v19 =	vand.u32 $0x28, v13  }
0x66: {  	v20 =	vmov s31;
	v17 =	vld.idx.msk [tilespmem:v18+s2+$0x0], $0xffff;
	vm0 =	vmxor vm6, vm7;
	v15 =	vor.u32 v19, v16  }
0x67: {  	v19 =	vsel vm0, v2, v0;
	v15 =	vor.u32 v3, v15  }
0x68: {  	v21 =	vshll.u32 v14, $0x6;
	v22 =	vand.u32 $0x28, v19  }
0x69: {  	v22 =	vor.u32 v22, v21  }
0x6a: {  	v22 =	vor.u32 v3, v22  }
0x6b: {  	v16 =	vor.u32 v16, v13;
	v23 =	vadd.s32 $0xFFFF9C00, v17;
	vm8 =	vgt.s32 v17, $0x12BFF;
	v17 =	vld.idx.msk [tilespmem:v20+s2+$0x0], $0xffff  }
0x6c: {  	v27 =	vld.idx.msk [tilespmem:v15+s13+$0x0], $0xffff;
	v15 =	vor.u32 v21, v19  }
0x6d: {  	s28 =	simm.s32 $0x4420  }
0x6e: {  	s26 =	simm.s32 $0x4;
	v24 =	vld [tilespmem:s28+$0x0];
	vm9 =	vlt.u32 v23, $0x6400  }
0x6f: {  	s29 =	simm.s32 $0x5;
	v13 =	vmov s26;
	v23 =	vshll.u32 v18, $0x6;
	vm0 =	vmxor vm8, vm9;
	v22 =	vld.idx.msk [tilespmem:v22+s13+$0x0], $0xffff  }
0x70: {  	v29 =	vld.idx.msk [tilespmem:v16+s13+$0x0], $0xffff;
	v16 =	vmov s29;
	v19 =	vsel vm0, v2, v0;
	v21 =	vand.u32 $0x7E, v12  }
0x71: {  	v28 =	vadd.s32 $0xFFFF9C00, v17;
	vm10 =	vgt.s32 v17, $0x12BFF;
	v12 =	vand.u32 $0x28, v19;
	v30 =	vld.idx.msk [tilespmem:v15+s13+$0x0], $0xffff  }
0x72: {  	v26 =	vld [tilespmem:s28+$0xFFFFFFE0];
	v25 =	vor.u32 v4, v21;
	vm11 =	vlt.u32 v28, $0x6400;
	v28 =	vand.u32 $0x7F, v14  }
0x73: {  	v12 =	vor.u32 v12, v23;
	vm0 =	vmxor vm10, vm11;
	v31 =	vor.u32 v4, v28  }
0x74: {  	v14 =	vld.idx.msk [tilespmem:v13+s2+$0x0], $0xffff;
	v35 =	vor.u32 v5, v28;
	v32 =	vsel vm0, v2, v0;
	v17 =	vunpack.i.l.bf16.f32 v22  }
0x75: {  	v12 =	vor.u32 v3, v12;
	v33 =	vand.u32 $0x28, v32;
	v17 =	vmul.f32 v24, v17  }
0x76: {  	v15 =	vunpack.i.l.bf16.f32 v27;
	v24 =	vshll.u32 v20, $0x6;
	v34 =	vunpack.i.l.bf16.f32 v30  }
0x77: {  	v15 =	vmul.f32 v26, v15;
	v33 =	vor.u32 v33, v24;
	v17 =	vadd.f32 v17, v34  }
0x78: {  	v61 =	vld.idx.msk [tilespmem:v16+s2+$0x0], $0xffff;
	v27 =	vunpack.i.u.bf16.f32 v27;
	v26 =	vunpack.i.l.bf16.f32 v29;
	v33 =	vor.u32 v3, v33  }
0x79: {  	v59 =	vadd.s32 $0xFFFF9C00, v14;
	vm12 =	vgt.s32 v14, $0x12BFF;
	v15 =	vadd.f32 v15, v26;
	[tilespmem:v31+s18+$0x0] =	vst.idx.msk $0xffff, v17  }
0x7a: {  	s25 =	simm.s32 $0x4460;
	v14 =	vand.u32 $0x7E, v18;
	v18 =	vor.u32 v23, v19;
	v31 =	vor.u32 v24, v32;
	v60 =	vld [tilespmem:s28+$0x10]  }
0x7b: {  	v36 =	vld [tilespmem:s25+$0x0];
	vm13 =	vlt.u32 v59, $0x6400;
	v19 =	vor.u32 v4, v14;
	v22 =	vunpack.i.u.bf16.f32 v22;
	[tilespmem:v25+s18+$0x0] =	vst.idx.msk $0xffff, v15  }
0x7c: {  	s30 =	simm.s32 $0x6;
	vm0 =	vmxor vm12, vm13;
	v26 =	vshll.u32 v13, $0x6;
	v20 =	vand.u32 $0x7F, v20;
	v23 =	vld [tilespmem:s28+$0xFFFFFFF0]  }
0x7d: {  	v62 =	vadd.s32 $0xFFFF9C00, v61;
	v15 =	vor.u32 v5, v21;
	v17 =	vmov s30;
	v21 =	vld.idx.msk [tilespmem:v33+s13+$0x0], $0xffff  }
0x7e: {  	v12 =	vld.idx.msk [tilespmem:v12+s13+$0x0], $0xffff;
	vm14 =	vgt.s32 v61, $0x12BFF;
	v25 =	vsel vm0, v2, v0;
	vm15 =	vlt.u32 v62, $0x6400  }
0x7f: {  	vm0 =	vmxor vm14, vm15;
	v24 =	vand.u32 $0x28, v25;
	v32 =	vmul.f32 v60, v22;
	v22 =	vld.idx.msk [tilespmem:v31+s13+$0x0], $0xffff  }
0x80: {  	v30 =	vunpack.i.u.bf16.f32 v30;
	v34 =	vsel vm0, v2, v0;
	v24 =	vor.u32 v24, v26;
	v31 =	vld [tilespmem:s25+$0xFFFFFFE0]  }
0x81: {  	v18 =	vld.idx.msk [tilespmem:v18+s13+$0x0], $0xffff;
	v28 =	vor.u32 v3, v24;
	v27 =	vmul.f32 v23, v27;
	v23 =	vadd.f32 v32, v30  }
0x82: {  	s31 =	simm.s32 $0x7;
	v24 =	vunpack.i.u.bf16.f32 v29;
	v33 =	vld.idx.msk [tilespmem:v17+s2+$0x0], $0xffff;
	v63 =	vunpack.i.l.bf16.f32 v21;
	v30 =	vor.u32 v4, v20  }
0x83: {  	s26 =	simm.s32 $0x8;
	v29 =	vunpack.i.l.bf16.f32 v12;
	v32 =	vmul.f32 v36, v63;
	[tilespmem:v35+s18+$0x0] =	vst.idx.msk $0xffff, v23;
	v23 =	vmov s31  }
.LBB2_4:
0x84: {  	p0 =	slt.u32 s26, $0x7E;
	v35 =	vshll.u32 v16, $0x6;
	v36 =	vand.u32 $0x28, v34;
	v37 =	vunpack.i.l.bf16.f32 v22;
	v38 =	vmovc v22  }
0x85: {  	v29 =	vmul.f32 v31, v29;
	v22 =	vor.u32 v36, v35;
	v31 =	vadd.f32 v32, v37  }
0x86: {  	v24 =	vadd.f32 v27, v24;
	v32 =	vunpack.i.l.bf16.f32 v18;
	v22 =	vor.u32 v3, v22  }
0x87: {  	v27 =	vadd.s32 $0xFFFF9C00, v33;
	v36 =	vld.idx.msk [tilespmem:v28+s13+$0x0], $0xffff;
	v28 =	vadd.f32 v29, v32;
	[tilespmem:v30+s18+$0x0] =	vst.idx.msk $0xffff, v31  }
0x88: {  	vm0 =	vgt.s32 v33, $0x12BFF;
	vm1 =	vlt.u32 v27, $0x6400;
	v27 =	vor.u32 v35, v34;
	v29 =	vld [tilespmem:s25+$0x10];
	[tilespmem:v15+s18+$0x0] =	vst.idx.msk $0xffff, v24  }
0x89: {  	vm0 =	vmxor vm0, vm1;
	v24 =	vand.u32 $0x7E, v13;
	v13 =	vmovc v17;
	v17 =	vmov s26;
	v30 =	vld.idx.msk [tilespmem:v23+s2+$0x0], $0xffff;
	[tilespmem:v19+s18+$0x0] =	vst.idx.msk $0xffff, v28  }
0x8a: {  	v32 =	vor.u32 v26, v25;
	v26 =	vshll.u32 v13, $0x6;
	v25 =	vsel vm0, v2, v0;
	v33 =	vld [tilespmem:s25+$0xFFFFFFF0]  }
0x8b: {  	v15 =	vor.u32 v5, v14;
	v19 =	vor.u32 v4, v24;
	v14 =	vmovc v24;
	v28 =	vand.u32 $0x28, v25;
	s25 =	sadd.s32 $0x40, s25;
	v34 =	vld.idx.msk [tilespmem:v22+s13+$0x0], $0xffff  }
0x8c: {  	v21 =	vunpack.i.u.bf16.f32 v21;
	v37 =	vor.u32 v5, v20;
	v22 =	vor.u32 v28, v26;
	v35 =	vld [tilespmem:s25+$0x0]  }
0x8d: {  	v24 =	vunpack.i.u.bf16.f32 v18;
	v28 =	vor.u32 v3, v22;
	v22 =	vld.idx.msk [tilespmem:v27+s13+$0x0], $0xffff;
	v20 =	vmul.f32 v29, v21  }
.Ltmp1:
0x8e: {  	v38 =	vunpack.i.u.bf16.f32 v38;
	v29 =	vunpack.i.l.bf16.f32 v36;
	v21 =	vunpack.i.u.bf16.f32 v12;
	v12 =	vmovc v36;
	v31 =	vld [tilespmem:s25+$0xFFFFFFE0];
	(pc) =	sbr.rel @p0 .LBB2_4-.Ltmp1, $4  }
0x8f: {  	v36 =	vadd.s32 $0xFFFF9C00, v30;
	v18 =	vld.idx.msk [tilespmem:v32+s13+$0x0], $0xffff;
	v27 =	vmul.f32 v33, v21;
	v38 =	vadd.f32 v20, v38  }
0x90: {  	vm0 =	vgt.s32 v30, $0x12BFF;
	vm1 =	vlt.u32 v36, $0x6400;
	v20 =	vand.u32 $0x7F, v16;
	v16 =	vmovc v23;
	v33 =	vld.idx.msk [tilespmem:v17+s2+$0x0], $0xffff  }
0x91: {  	s28 =	sadd.s32 $0x1, s26;
	vm0 =	vmxor vm0, vm1;
	v32 =	vunpack.i.l.bf16.f32 v34;
	v30 =	vor.u32 v4, v20;
	v21 =	vmovc v34;
	[tilespmem:v37+s18+$0x0] =	vst.idx.msk $0xffff, v38  }
0x92: {  	s26 =	sadd.s32 $0x2, s26;
	v23 =	vmov s28;
	v34 =	vsel vm0, v2, v0;
	v32 =	vmul.f32 v35, v32  }
0x93: {  	_ =	sdelay $0x3  }
0x94: {  	v35 =	vld.idx.msk [tilespmem:v23+s2+$0x0], $0xffff;
	_ =	sdelay $0x2  }
0x95: {  	v36 =	vshll.u32 v16, $0x6;
	v37 =	vand.u32 $0x28, v34;
	v58 =	vshll.u32 v17, $0x6  }
0x96: {  	v37 =	vor.u32 v37, v36;
	v38 =	vadd.s32 $0xFFFF9C00, v33;
	vm0 =	vgt.s32 v33, $0x12BFF  }
0x97: {  	v54 =	vor.u32 v3, v37;
	vm1 =	vlt.u32 v38, $0x6400;
	v55 =	vadd.s32 $0xFFFF9C00, v35  }
0x98: {  	vm0 =	vmxor vm0, vm1;
	vm4 =	vgt.s32 v35, $0x12BFF;
	vm5 =	vlt.u32 v55, $0x6400  }
0x99: {  	v25 =	vor.u32 v26, v25;
	v28 =	vld.idx.msk [tilespmem:v28+s13+$0x0], $0xffff;
	s26 =	sadd.s32 $0x40, s25;
	v56 =	vsel vm0, v2, v0;
	vm0 =	vmxor vm4, vm5  }
0x9a: {  	v57 =	vor.u32 v36, v34;
	v40 =	vld [tilespmem:s26+$0x0];
	v26 =	vand.u32 $0x28, v56;
	v59 =	vsel vm0, v2, v0  }
0x9b: {  	v60 =	vshll.u32 v23, $0x6;
	v41 =	vld [tilespmem:s26+$0xFFFFFFE0];
	s28 =	sadd.s32 $0x40, s26;
	v26 =	vor.u32 v26, v58;
	v39 =	vand.u32 $0x28, v59  }
0x9c: {  	v45 =	vld [tilespmem:s28+$0x0];
	v26 =	vor.u32 v3, v26;
	v39 =	vor.u32 v39, v60  }
0x9d: {  	v33 =	vld.idx.msk [tilespmem:v54+s13+$0x0], $0xffff;
	v39 =	vor.u32 v3, v39  }
0x9e: {  	v29 =	vmul.f32 v31, v29;
	v48 =	vld [tilespmem:s28+$0xFFFFFFE0];
	v31 =	vor.u32 v58, v56  }
0x9f: {  	v61 =	vunpack.i.l.bf16.f32 v22;
	v34 =	vld.idx.msk [tilespmem:v57+s13+$0x0], $0xffff;
	v36 =	vor.u32 v60, v59  }
0xa0: {  	v16 =	vand.u32 $0x7F, v16;
	v32 =	vadd.f32 v32, v61;
	v25 =	vld.idx.msk [tilespmem:v25+s13+$0x0], $0xffff  }
0xa1: {  	v13 =	vand.u32 $0x7E, v13;
	v62 =	vunpack.i.l.bf16.f32 v18;
	v42 =	vor.u32 v4, v16;
	v26 =	vld.idx.msk [tilespmem:v26+s13+$0x0], $0xffff  }
0xa2: {  	v23 =	vand.u32 $0x7F, v23;
	v29 =	vadd.f32 v29, v62;
	[tilespmem:v30+s18+$0x0] =	vst.idx.msk $0xffff, v32;
	v47 =	vunpack.i.l.bf16.f32 v33;
	v63 =	vld.idx.msk [tilespmem:v39+s13+$0x0], $0xffff  }
0xa3: {  	v30 =	vor.u32 v4, v13;
	v46 =	vunpack.i.l.bf16.f32 v28;
	v31 =	vld.idx.msk [tilespmem:v31+s13+$0x0], $0xffff;
	v39 =	vmul.f32 v40, v47  }
0xa4: {  	v17 =	vand.u32 $0x7E, v17;
	v37 =	vmul.f32 v41, v46;
	v49 =	vunpack.i.l.bf16.f32 v34;
	v36 =	vld.idx.msk [tilespmem:v36+s13+$0x0], $0xffff  }
0xa5: {  	v53 =	vor.u32 v4, v23;
	v43 =	vld [tilespmem:s25+$0x10];
	[tilespmem:v19+s18+$0x0] =	vst.idx.msk $0xffff, v29;
	v50 =	vunpack.i.l.bf16.f32 v25;
	v19 =	vadd.f32 v39, v49  }
0xa6: {  	v51 =	vld [tilespmem:s25+$0xFFFFFFF0];
	v54 =	vor.u32 v4, v17;
	v29 =	vadd.f32 v37, v50;
	v55 =	vunpack.i.l.bf16.f32 v26  }
0xa7: {  	[tilespmem:v42+s18+$0x0] =	vst.idx.msk $0xffff, v19;
	v19 =	vadd.f32 v27, v24;
	v24 =	vmul.f32 v48, v55;
	v52 =	vunpack.i.l.bf16.f32 v63  }
0xa8: {  	v21 =	vunpack.i.u.bf16.f32 v21;
	[tilespmem:v30+s18+$0x0] =	vst.idx.msk $0xffff, v29;
	v30 =	vunpack.i.l.bf16.f32 v31;
	v35 =	vmul.f32 v45, v52  }
0xa9: {  	v12 =	vunpack.i.u.bf16.f32 v12;
	v27 =	vunpack.i.l.bf16.f32 v36;
	v29 =	vld [tilespmem:s26+$0x10];
	v24 =	vadd.f32 v24, v30  }
0xaa: {  	v14 =	vor.u32 v5, v14;
	v20 =	vor.u32 v5, v20;
	v30 =	vld [tilespmem:s26+$0xFFFFFFF0];
	v27 =	vadd.f32 v35, v27  }
0xab: {  	v22 =	vunpack.i.u.bf16.f32 v22;
	v21 =	vmul.f32 v43, v21;
	v12 =	vmul.f32 v51, v12;
	[tilespmem:v54+s18+$0x0] =	vst.idx.msk $0xffff, v24  }
0xac: {  	v18 =	vunpack.i.u.bf16.f32 v18;
	v16 =	vor.u32 v5, v16;
	v13 =	vor.u32 v5, v13;
	v24 =	vld [tilespmem:s28+$0xFFFFFFF0];
	[tilespmem:v53+s18+$0x0] =	vst.idx.msk $0xffff, v27  }
0xad: {  	v21 =	vadd.f32 v21, v22;
	v12 =	vadd.f32 v12, v18;
	v18 =	vunpack.i.u.bf16.f32 v33;
	v22 =	vld [tilespmem:s28+$0x10]  }
0xae: {  	v17 =	vor.u32 v5, v17;
	v18 =	vmul.f32 v29, v18;
	v27 =	vunpack.i.u.bf16.f32 v28  }
0xaf: {  	v25 =	vunpack.i.u.bf16.f32 v25;
	[tilespmem:v20+s18+$0x0] =	vst.idx.msk $0xffff, v21;
	v28 =	vunpack.i.u.bf16.f32 v34;
	v27 =	vmul.f32 v30, v27  }
0xb0: {  	v20 =	vunpack.i.u.bf16.f32 v26;
	[tilespmem:v15+s18+$0x0] =	vst.idx.msk $0xffff, v19;
	v19 =	vor.u32 v5, v23;
	v15 =	vadd.f32 v18, v28  }
0xb1: {  	[tilespmem:v14+s18+$0x0] =	vst.idx.msk $0xffff, v12;
	v18 =	vunpack.i.u.bf16.f32 v63;
	v12 =	vadd.f32 v27, v25;
	v20 =	vmul.f32 v24, v20  }
0xb2: {  	[tilespmem:v16+s18+$0x0] =	vst.idx.msk $0xffff, v15;
	v15 =	vunpack.i.u.bf16.f32 v31;
	v18 =	vmul.f32 v22, v18  }
0xb3: {  	v14 =	vunpack.i.u.bf16.f32 v36;
	[tilespmem:v13+s18+$0x0] =	vst.idx.msk $0xffff, v12;
	v12 =	vadd.f32 v20, v15  }
0xb4: {  	v14 =	vadd.f32 v18, v14  }
0xb5: {  	s30 =	simm.s32 $0x81;
	[tilespmem:v17+s18+$0x0] =	vst.idx.msk $0xffff, v12  }
0xb6: {  	s31 =	simm.s32 $0x80;
	v12 =	vmov s30;
	[tilespmem:v19+s18+$0x0] =	vst.idx.msk $0xffff, v14  }
0xb7: {  	v13 =	vmov s31;
	[tilespmem:s13], [sflag:$0x1] =	stream.indirect.gather [hbm4b:s3+s10], $0x40, s19, s10, $0xb8;
	[tilespmem:$0xC400] =	vst v63  }
0xb8: {  	_ =	swait.ge [sflag:s20], $0x2000  }
0xb9: {  	[sflag:s20] =	ssyncset.done $0x0  }
0xba: {  	[sflag:s20] =	ssyncadd.s32 $0xFFFFE000  }
0xbb: {  	v14 =	vld.idx.msk [tilespmem:v12+s2+$0x0], $0xffff  }
0xbc: {  	v15 =	vld.idx.msk [tilespmem:v13+s2+$0x0], $0xffff;
	_ =	sdelay $0x1  }
0xbd: {  	s26 =	simm.s32 $0x83  }
0xbe: {  	v17 =	vmov s26  }
0xbf: {  	v12 =	vshll.u32 v12, $0x6;
	v13 =	vshll.u32 v13, $0x6;
	v16 =	vadd.s32 $0xFFFF9C00, v14  }
0xc0: {  	vm6 =	vgt.s32 v14, $0x12BFF;
	v14 =	vadd.s32 $0xFFFF9C00, v15;
	vm7 =	vlt.u32 v16, $0x6400  }
0xc1: {  	s29 =	simm.s32 $0x82;
	vm8 =	vgt.s32 v15, $0x12BFF;
	vm9 =	vlt.u32 v14, $0x6400;
	vm0 =	vmxor vm6, vm7  }
0xc2: {  	v14 =	vmov s29;
	v16 =	vsel vm0, v2, v0;
	vm0 =	vmxor vm8, vm9  }
0xc3: {  	v21 =	vld.idx.msk [tilespmem:v17+s2+$0x0], $0xffff;
	v15 =	vand.u32 $0x28, v16;
	v18 =	vsel vm0, v2, v0;
	v16 =	vor.u32 v12, v16  }
0xc4: {  	s30 =	simm.s32 $0x0;
	v15 =	vor.u32 v15, v12;
	v19 =	vand.u32 $0x28, v18;
	v18 =	vor.u32 v13, v18  }
0xc5: {  	v20 =	vmov s30;
	v15 =	vor.u32 v3, v15;
	v13 =	vor.u32 v19, v13  }
0xc6: {  	s26 =	simm.s32 $0x2;
	v19 =	vand.u32 $0x7E, v20;
	v20 =	vor.u32 v3, v13  }
0xc7: {  	s31 =	simm.s32 $0x1;
	v23 =	vmov s26;
	v17 =	vshll.u32 v17, $0x6;
	v22 =	vld.idx.msk [tilespmem:v14+s2+$0x0], $0xffff  }
0xc8: {  	vm10 =	vgt.s32 v21, $0x12BFF;
	v12 =	vand.u32 $0x7E, v23;
	v13 =	vmov s31;
	v56 =	vld.idx.msk [tilespmem:v16+s13+$0x0], $0xffff  }
0xc9: {  	s29 =	simm.s32 $0x3;
	v12 =	vbroadcast v12, $0x0;
	v14 =	vshll.u32 v14, $0x6;
	v13 =	vand.u32 $0x7F, v13;
	v28 =	vld.idx.msk [tilespmem:v18+s13+$0x0], $0xffff  }
0xca: {  	s30 =	simm.s32 $0x84;
	v19 =	vbroadcast v19, $0x0;
	v27 =	vbroadcast v13, $0x0;
	v13 =	vmov s29;
	v29 =	vld.idx.msk [tilespmem:v15+s13+$0x0], $0xffff  }
0xcb: {  	s28 =	simm.s32 $0x5430;
	s31 =	simm.s32 $0x85;
	v13 =	vand.u32 $0x7F, v13;
	v18 =	vmov s30;
	v15 =	vadd.s32 $0xFFFF9C00, v21;
	v30 =	vld.idx.msk [tilespmem:v20+s13+$0x0], $0xffff  }
0xcc: {  	v23 =	vld [tilespmem:s28+$0xFFFFFFD0];
	v13 =	vbroadcast v13, $0x0;
	v16 =	vadd.s32 $0xFFFF9C00, v22;
	v21 =	vmov s31  }
0xcd: {  	v24 =	vld [tilespmem:s28+$0xFFFFFFF0];
	vm12 =	vgt.s32 v22, $0x12BFF;
	vm11 =	vlt.u32 v15, $0x6400;
	v15 =	vor.u32 v6, v19  }
0xce: {  	v20 =	vor.u32 v6, v27;
	vm13 =	vlt.u32 v16, $0x6400;
	vm0 =	vmxor vm10, vm11  }
0xcf: {  	v25 =	vsel vm0, v2, v0;
	vm0 =	vmxor vm12, vm13;
	v31 =	vunpack.i.l.bf16.f32 v56  }
0xd0: {  	v22 =	vunpack.i.l.bf16.f32 v28;
	v28 =	vunpack.i.u.bf16.f32 v28;
	v16 =	vunpack.i.l.bf16.f32 v30  }
0xd1: {  	v26 =	vunpack.i.l.bf16.f32 v29;
	v63 =	vunpack.i.u.bf16.f32 v29;
	v16 =	vmul.f32 v23, v16  }
0xd2: {  	v24 =	vmul.f32 v24, v26;
	v26 =	vand.u32 $0x28, v25;
	v29 =	vunpack.i.u.bf16.f32 v30  }
0xd3: {  	s25 =	simm.s32 $0x5470;
	v57 =	vld.idx.msk [tilespmem:v21+s2+$0x0], $0xffff;
	v23 =	vsel vm0, v2, v0;
	v26 =	vor.u32 v26, v17;
	v16 =	vadd.f32 v16, v22  }
0xd4: {  	v33 =	vld [tilespmem:s25+$0xFFFFFFD0];
	v17 =	vor.u32 v17, v25;
	v58 =	vand.u32 $0x28, v23;
	v22 =	vadd.f32 v24, v31  }
0xd5: {  	s26 =	simm.s32 $0x4;
	v59 =	vor.u32 v3, v26;
	v26 =	vld.idx.msk [tilespmem:v18+s2+$0x0], $0xffff;
	v60 =	vor.u32 v14, v23;
	[tilespmem:v15+s18+$0x0] =	vst.idx.msk $0xffff, v16  }
0xd6: {  	v23 =	vmov s26;
	v14 =	vor.u32 v58, v14;
	v24 =	vor.u32 v6, v12;
	[tilespmem:v20+s18+$0x0] =	vst.idx.msk $0xffff, v22;
	v61 =	vld [tilespmem:s28+$0xFFFFFFE0]  }
0xd7: {  	v31 =	vor.u32 v3, v14;
	v14 =	vand.u32 $0x7E, v23;
	v23 =	vor.u32 v6, v13;
	v62 =	vld [tilespmem:s28+$0x0]  }
0xd8: {  	s29 =	simm.s32 $0x5;
	v25 =	vld [tilespmem:s25+$0xFFFFFFF0];
	vm14 =	vgt.s32 v57, $0x12BFF;
	v22 =	vor.u32 v7, v19;
	v19 =	vadd.s32 $0xFFFF9C00, v57  }
0xd9: {  	v15 =	vmov s29;
	v20 =	vor.u32 v7, v27;
	vm15 =	vlt.u32 v19, $0x6400;
	v17 =	vld.idx.msk [tilespmem:v17+s13+$0x0], $0xffff  }
0xda: {  	v14 =	vbroadcast v14, $0x0;
	v15 =	vand.u32 $0x7F, v15;
	v27 =	vld.idx.msk [tilespmem:v59+s13+$0x0], $0xffff;
	vm0 =	vmxor vm14, vm15  }
0xdb: {  	v15 =	vbroadcast v15, $0x0;
	v16 =	vld.idx.msk [tilespmem:v60+s13+$0x0], $0xffff;
	v34 =	vadd.s32 $0xFFFF9C00, v26;
	v30 =	vsel vm0, v2, v0  }
0xdc: {  	s28 =	simm.s32 $0x5470;
	v19 =	vld.idx.msk [tilespmem:v31+s13+$0x0], $0xffff;
	v31 =	vmul.f32 v61, v29;
	v29 =	vunpack.i.u.bf16.f32 v56;
	v32 =	vmul.f32 v62, v63  }
.LBB2_6:
0xdd: {  	s29 =	sadd.s32 $0x82, s26  }
0xde: {  	s30 =	sadd.s32 $0x83, s26;
	v35 =	vshll.u32 v18, $0x6;
	v36 =	vshll.u32 v21, $0x6;
	v28 =	vadd.f32 v31, v28;
	s31 =	smov.u32 s26;
	s26 =	sadd.s32 $0x2, s26  }
0xdf: {  	v31 =	vmovc v27;
	v18 =	vmov s29;
	v21 =	vmov s30;
	p0 =	slt.u32 s26, $0x7E;
	v29 =	vadd.f32 v32, v29  }
0xe0: {  	vm0 =	vgt.s32 v26, $0x12BFF;
	v26 =	vunpack.i.l.bf16.f32 v16;
	v27 =	vunpack.i.l.bf16.f32 v31;
	[tilespmem:v22+s18+$0x0] =	vst.idx.msk $0xffff, v28  }
0xe1: {  	vm1 =	vlt.u32 v34, $0x6400;
	v22 =	vunpack.i.l.bf16.f32 v19;
	v25 =	vmul.f32 v25, v27;
	[tilespmem:v20+s18+$0x0] =	vst.idx.msk $0xffff, v29  }
0xe2: {  	vm0 =	vmxor vm0, vm1;
	v20 =	vand.u32 $0x28, v30;
	v22 =	vmul.f32 v33, v22  }
0xe3: {  	v27 =	vsel vm0, v2, v0;
	v28 =	vunpack.i.l.bf16.f32 v17;
	v20 =	vor.u32 v20, v36  }
0xe4: {  	v32 =	vand.u32 $0x28, v27;
	v33 =	vor.u32 v3, v20;
	v29 =	vld.idx.msk [tilespmem:v21+s2+$0x0], $0xffff;
	v20 =	vadd.f32 v22, v26  }
0xe5: {  	s25 =	sadd.s32 $0x40, s25;
	v34 =	vor.u32 v35, v27;
	v27 =	vadd.f32 v25, v28;
	v22 =	vor.u32 v32, v35;
	v26 =	vld.idx.msk [tilespmem:v18+s2+$0x0], $0xffff  }
0xe6: {  	s29 =	sadd.s32 $0x3, s31;
	v30 =	vor.u32 v36, v30;
	v28 =	vmov s26;
	v32 =	vor.u32 v3, v22;
	v25 =	vld [tilespmem:s25+$0xFFFFFFF0];
	[tilespmem:v24+s18+$0x0] =	vst.idx.msk $0xffff, v20  }
0xe7: {  	v22 =	vmov s29;
	v24 =	vand.u32 $0x7E, v28;
	v20 =	vor.u32 v7, v13;
	v13 =	vmovc v15;
	v35 =	vld [tilespmem:s28+$0xFFFFFFE0];
	[tilespmem:v23+s18+$0x0] =	vst.idx.msk $0xffff, v27  }
0xe8: {  	v15 =	vand.u32 $0x7F, v22;
	v22 =	vor.u32 v7, v12;
	v12 =	vmovc v14;
	v14 =	vbroadcast v24, $0x0;
	v36 =	vld [tilespmem:s28+$0x0];
	s28 =	smov.u32 s25  }
.Ltmp2:
0xe9: {  	v15 =	vbroadcast v15, $0x0;
	v24 =	vor.u32 v6, v12;
	v23 =	vor.u32 v6, v13;
	v27 =	vld.idx.msk [tilespmem:v33+s13+$0x0], $0xffff;
	(pc) =	sbr.rel @p0 .LBB2_6-.Ltmp2, $4  }
0xea: {  	v37 =	vunpack.i.u.bf16.f32 v31;
	v28 =	vunpack.i.u.bf16.f32 v16;
	v33 =	vadd.s32 $0xFFFF9C00, v29;
	v16 =	vld.idx.msk [tilespmem:v34+s13+$0x0], $0xffff  }
0xeb: {  	vm0 =	vgt.s32 v29, $0x12BFF;
	v29 =	vunpack.i.u.bf16.f32 v19;
	vm1 =	vlt.u32 v33, $0x6400;
	v19 =	vld.idx.msk [tilespmem:v32+s13+$0x0], $0xffff  }
0xec: {  	vm0 =	vmxor vm0, vm1;
	v31 =	vmul.f32 v35, v29;
	v29 =	vunpack.i.u.bf16.f32 v17;
	v17 =	vld.idx.msk [tilespmem:v30+s13+$0x0], $0xffff  }
0xed: {  	v34 =	vadd.s32 $0xFFFF9C00, v26;
	v30 =	vsel vm0, v2, v0;
	v33 =	vld [tilespmem:s25+$0xFFFFFFD0];
	v32 =	vmul.f32 v36, v37  }
0xee: {  	vm0 =	vgt.s32 v26, $0x12BFF;
	vm1 =	vlt.u32 v34, $0x6400  }
0xef: {  	vm0 =	vmxor vm0, vm1  }
0xf0: {  	v51 =	vsel vm0, v2, v0  }
0xf1: {  	v18 =	vshll.u32 v18, $0x6;
	v35 =	vand.u32 $0x28, v51  }
0xf2: {  	v21 =	vshll.u32 v21, $0x6;
	v26 =	vand.u32 $0x28, v30;
	v35 =	vor.u32 v35, v18  }
0xf3: {  	v26 =	vor.u32 v26, v21;
	v35 =	vor.u32 v3, v35  }
0xf4: {  	v26 =	vor.u32 v3, v26  }
0xf5: {  	s25 =	sadd.s32 $0x40, s25;
	v18 =	vor.u32 v18, v51  }
0xf6: {  	v21 =	vor.u32 v21, v30;
	v30 =	vld [tilespmem:s25+$0xFFFFFFF0]  }
0xf7: {  	v36 =	vld [tilespmem:s25+$0xFFFFFFD0]  }
0xf8: {  	v52 =	vld.idx.msk [tilespmem:v35+s13+$0x0], $0xffff  }
0xf9: {  	v26 =	vld.idx.msk [tilespmem:v26+s13+$0x0], $0xffff  }
0xfa: {  	v53 =	vunpack.i.l.bf16.f32 v19;
	v18 =	vld.idx.msk [tilespmem:v18+s13+$0x0], $0xffff  }
0xfb: {  	v37 =	vunpack.i.l.bf16.f32 v27;
	v56 =	vor.u32 v6, v14;
	v33 =	vmul.f32 v33, v53;
	v21 =	vld.idx.msk [tilespmem:v21+s13+$0x0], $0xffff  }
0xfc: {  	v38 =	vor.u32 v6, v15;
	v54 =	vunpack.i.l.bf16.f32 v16;
	v25 =	vmul.f32 v25, v37  }
0xfd: {  	v55 =	vunpack.i.l.bf16.f32 v17;
	v33 =	vadd.f32 v33, v54;
	v57 =	vunpack.i.l.bf16.f32 v52  }
0xfe: {  	v25 =	vadd.f32 v25, v55;
	v58 =	vunpack.i.l.bf16.f32 v26;
	v36 =	vmul.f32 v36, v57  }
0xff: {  	[tilespmem:v24+s18+$0x0] =	vst.idx.msk $0xffff, v33;
	v24 =	vmul.f32 v30, v58;
	v30 =	vunpack.i.l.bf16.f32 v18  }
0x100: {  	[tilespmem:v23+s18+$0x0] =	vst.idx.msk $0xffff, v25;
	v23 =	vld [tilespmem:s28+$0xFFFFFFE0];
	v25 =	vadd.f32 v36, v30;
	v30 =	vunpack.i.l.bf16.f32 v21  }
0x101: {  	v24 =	vadd.f32 v24, v30  }
0x102: {  	v30 =	vld [tilespmem:s28+$0x0];
	[tilespmem:v56+s18+$0x0] =	vst.idx.msk $0xffff, v25  }
0x103: {  	v25 =	vadd.f32 v31, v28;
	v28 =	vld [tilespmem:s25+$0xFFFFFFE0];
	[tilespmem:v38+s18+$0x0] =	vst.idx.msk $0xffff, v24  }
0x104: {  	v13 =	vor.u32 v7, v13;
	v19 =	vunpack.i.u.bf16.f32 v19;
	v24 =	vadd.f32 v32, v29;
	v29 =	vld [tilespmem:s25+$0x0]  }
0x105: {  	v12 =	vor.u32 v7, v12;
	v27 =	vunpack.i.u.bf16.f32 v27;
	v19 =	vmul.f32 v23, v19  }
0x106: {  	v14 =	vor.u32 v7, v14;
	v15 =	vor.u32 v7, v15;
	v16 =	vunpack.i.u.bf16.f32 v16  }
0x107: {  	v16 =	vadd.f32 v19, v16;
	v19 =	vunpack.i.u.bf16.f32 v52;
	v23 =	vmul.f32 v30, v27  }
0x108: {  	v17 =	vunpack.i.u.bf16.f32 v17;
	[tilespmem:v22+s18+$0x0] =	vst.idx.msk $0xffff, v25;
	v22 =	vunpack.i.u.bf16.f32 v26;
	v19 =	vmul.f32 v28, v19  }
0x109: {  	v18 =	vunpack.i.u.bf16.f32 v18;
	[tilespmem:v20+s18+$0x0] =	vst.idx.msk $0xffff, v24;
	v17 =	vadd.f32 v23, v17;
	v20 =	vmul.f32 v29, v22  }
0x10a: {  	s29 =	simm.s32 $0x100;
	[tilespmem:v12+s18+$0x0] =	vst.idx.msk $0xffff, v16;
	v12 =	vunpack.i.u.bf16.f32 v21;
	v16 =	vadd.f32 v19, v18  }
0x10b: {  	[tilespmem:v13+s18+$0x0] =	vst.idx.msk $0xffff, v17;
	v13 =	vmov s29;
	v12 =	vadd.f32 v20, v12  }
0x10c: {  	s30 =	simm.s32 $0x101;
	v13 =	vand.u32 $0xFFFFFFFE, v13;
	[tilespmem:v14+s18+$0x0] =	vst.idx.msk $0xffff, v16  }
0x10d: {  	[tilespmem:v15+s18+$0x0] =	vst.idx.msk $0xffff, v12;
	v12 =	vbroadcast v13, $0x0;
	v13 =	vmov s30  }
0x10e: {  	[tilespmem:s15], [sflag:$0x2] =	stream.indirect.gather [hbm4b:s3+s10], $0x40, s21, s10, $0xb8;
	[tilespmem:$0xC400] =	vst v63  }
0x10f: {  	_ =	swait.ge [sflag:s17], $0x2000  }
0x110: {  	[sflag:s17] =	ssyncset.done $0x0  }
0x111: {  	[sflag:s17] =	ssyncadd.s32 $0xFFFFE000  }
0x112: {  	v13 =	vld.idx.msk [tilespmem:v13+s2+$0x0], $0xffff;
	_ =	sdelay $0x1  }
0x113: {  	s29 =	simm.s32 $0x103;
	v12 =	vld.idx.msk [tilespmem:v12+s2+$0x0], $0xffff  }
0x114: {  	v15 =	vmov s29;
	_ =	sdelay $0x1  }
0x115: {  	s31 =	simm.s32 $0x1;
	s26 =	simm.s32 $0x102;
	vm0 =	vgt.s32 v13, $0x12BFF;
	v13 =	vadd.s32 $0xFFFF9C00, v13  }
0x116: {  	v14 =	vmov s31;
	vm1 =	vlt.u32 v13, $0x6400;
	v13 =	vmov s26  }
0x117: {  	vm2 =	vgt.s32 v12, $0x12BFF;
	v12 =	vadd.s32 $0xFFFF9C00, v12;
	v13 =	vand.u32 $0xFFFFFFFE, v13  }
0x118: {  	v15 =	vld.idx.msk [tilespmem:v15+s2+$0x0], $0xffff;
	vm0 =	vmxor vm0, vm1;
	vm1 =	vlt.u32 v12, $0x6400;
	v13 =	vbroadcast v13, $0x0  }
0x119: {  	s30 =	simm.s32 $0x0;
	v17 =	vshll.u32 v14, $0x6;
	v16 =	vsel vm0, v2, v0;
	vm0 =	vmxor vm2, vm1  }
0x11a: {  	v12 =	vmov s30;
	v18 =	vand.u32 $0x28, v16;
	v19 =	vsel vm0, v2, v0  }
0x11b: {  	v20 =	vshll.u32 v12, $0x6;
	v18 =	vor.u32 v18, v17;
	v21 =	vand.u32 $0x28, v19  }
0x11c: {  	v22 =	vand.u32 $0x7F, v14;
	v18 =	vor.u32 v3, v18;
	v21 =	vor.u32 v21, v20  }
0x11d: {  	v28 =	vor.u32 v8, v22;
	v23 =	vadd.s32 $0xFFFF9C00, v15;
	v21 =	vor.u32 v3, v21  }
0x11e: {  	s30 =	simm.s32 $0x105;
	v25 =	vand.u32 $0x7E, v12;
	vm1 =	vlt.u32 v23, $0x6400;
	v14 =	vor.u32 v20, v19;
	v19 =	vld.idx.msk [tilespmem:v13+s2+$0x0], $0xffff  }
0x11f: {  	s29 =	simm.s32 $0x6430;
	s26 =	simm.s32 $0x3;
	v29 =	vmov s30;
	v16 =	vor.u32 v17, v16;
	vm0 =	vgt.s32 v15, $0x12BFF  }
0x120: {  	s31 =	simm.s32 $0x2;
	v24 =	vld [tilespmem:s29+$0xFFFFFFD0];
	v26 =	vor.u32 v8, v25;
	v17 =	vmov s26;
	vm0 =	vmxor vm0, vm1  }
0x121: {  	s26 =	simm.s32 $0x104;
	v20 =	vmov s31;
	v12 =	vand.u32 $0x7F, v17;
	v15 =	vshll.u32 v17, $0x6;
	s31 =	simm.s32 $0x5;
	v31 =	vld.idx.msk [tilespmem:v18+s13+$0x0], $0xffff  }
0x122: {  	v62 =	vmov s31;
	v13 =	vand.u32 $0x7E, v20;
	v18 =	vmov s26;
	v17 =	vld.idx.msk [tilespmem:v21+s13+$0x0], $0xffff  }
0x123: {  	v27 =	vld [tilespmem:s29+$0xFFFFFFF0];
	v21 =	vsel vm0, v2, v0;
	vm2 =	vgt.s32 v19, $0x12BFF;
	v19 =	vadd.s32 $0xFFFF9C00, v19  }
0x124: {  	v14 =	vld.idx.msk [tilespmem:v14+s13+$0x0], $0xffff;
	v18 =	vand.u32 $0xFFFFFFFE, v18;
	vm0 =	vlt.u32 v19, $0x6400;
	v19 =	vand.u32 $0x28, v21  }
0x125: {  	v59 =	vld.idx.msk [tilespmem:v16+s13+$0x0], $0xffff;
	v18 =	vbroadcast v18, $0x0;
	vm0 =	vmxor vm2, vm0;
	v16 =	vor.u32 v19, v15  }
0x126: {  	v29 =	vld.idx.msk [tilespmem:v29+s2+$0x0], $0xffff;
	v20 =	vshll.u32 v20, $0x6;
	v19 =	vsel vm0, v2, v0;
	v60 =	vor.u32 v3, v16  }
0x127: {  	v16 =	vunpack.i.l.bf16.f32 v17;
	v23 =	vor.u32 v20, v19;
	v19 =	vand.u32 $0x28, v19  }
0x128: {  	v61 =	vunpack.i.l.bf16.f32 v31;
	v16 =	vmul.f32 v24, v16;
	v19 =	vor.u32 v19, v20  }
0x129: {  	v20 =	vunpack.i.l.bf16.f32 v14;
	v30 =	vor.u32 v3, v19;
	v19 =	vmul.f32 v27, v61  }
0x12a: {  	v31 =	vunpack.i.u.bf16.f32 v31;
	v20 =	vadd.f32 v16, v20;
	v16 =	vunpack.i.l.bf16.f32 v59  }
0x12b: {  	s28 =	simm.s32 $0x4;
	vm0 =	vgt.s32 v29, $0x12BFF;
	v24 =	vor.u32 v15, v21;
	v32 =	vld.idx.msk [tilespmem:v18+s2+$0x0], $0xffff;
	v63 =	vadd.f32 v19, v16  }
0x12c: {  	v15 =	vand.u32 $0x7F, v62;
	v21 =	vor.u32 v8, v12;
	v18 =	vmov s28;
	[tilespmem:v26+s18+$0x0] =	vst.idx.msk $0xffff, v20  }
0x12d: {  	v16 =	vand.u32 $0x7E, v18;
	v20 =	vor.u32 v9, v25;
	v19 =	vor.u32 v9, v22;
	v27 =	vld [tilespmem:s29+$0xFFFFFFE0];
	[tilespmem:v28+s18+$0x0] =	vst.idx.msk $0xffff, v63  }
0x12e: {  	v25 =	vshll.u32 v18, $0x6;
	v22 =	vor.u32 v8, v13;
	v18 =	vadd.s32 $0xFFFF9C00, v29;
	v28 =	vld [tilespmem:s29+$0x0]  }
0x12f: {  	s25 =	simm.s32 $0x6470;
	s26 =	simm.s32 $0x6470;
	v29 =	vshll.u32 v62, $0x6;
	v26 =	vunpack.i.u.bf16.f32 v59;
	vm1 =	vlt.u32 v18, $0x6400;
	v18 =	vld.idx.msk [tilespmem:v60+s13+$0x0], $0xffff  }
.LBB2_8:
0x130: {  	s29 =	sadd.s32 $0x102, s28;
	vm2 =	vgt.s32 v32, $0x12BFF;
	vm0 =	vmxor vm0, vm1;
	v30 =	vld.idx.msk [tilespmem:v30+s13+$0x0], $0xffff;
	v33 =	vunpack.i.u.bf16.f32 v14;
	s30 =	smov.u32 s28;
	s28 =	sadd.s32 $0x2, s28  }
0x131: {  	v17 =	vunpack.i.u.bf16.f32 v17;
	v14 =	vmov s29;
	p0 =	slt.u32 s28, $0x7E;
	v34 =	vsel vm0, v2, v0;
	v35 =	vld [tilespmem:s26+$0xFFFFFFF0]  }
0x132: {  	v32 =	vadd.s32 $0xFFFF9C00, v32;
	s29 =	sadd.s32 $0x103, s30;
	v36 =	vand.u32 $0xFFFFFFFE, v14;
	v14 =	vld.idx.msk [tilespmem:v23+s13+$0x0], $0xffff;
	v17 =	vmul.f32 v27, v17  }
0x133: {  	v27 =	vbroadcast v36, $0x0;
	v36 =	vmov s29;
	v37 =	vld [tilespmem:s26+$0xFFFFFFD0];
	v23 =	vmul.f32 v28, v31  }
0x134: {  	vm0 =	vlt.u32 v32, $0x6400;
	v28 =	vand.u32 $0x28, v34;
	v31 =	vld.idx.msk [tilespmem:v24+s13+$0x0], $0xffff;
	v32 =	vadd.f32 v17, v33  }
0x135: {  	vm0 =	vmxor vm2, vm0;
	v24 =	vor.u32 v28, v29;
	v26 =	vadd.f32 v23, v26  }
0x136: {  	v28 =	vsel vm0, v2, v0;
	v33 =	vor.u32 v3, v24;
	v24 =	vunpack.i.l.bf16.f32 v30;
	[tilespmem:v20+s18+$0x0] =	vst.idx.msk $0xffff, v32  }
0x137: {  	v23 =	vor.u32 v25, v28;
	v20 =	vand.u32 $0x28, v28;
	v28 =	vunpack.i.l.bf16.f32 v18;
	v17 =	vmovc v30;
	[tilespmem:v19+s18+$0x0] =	vst.idx.msk $0xffff, v26  }
0x138: {  	v19 =	vor.u32 v20, v25;
	v20 =	vunpack.i.l.bf16.f32 v14;
	v26 =	vld.idx.msk [tilespmem:v36+s2+$0x0], $0xffff;
	v25 =	vmul.f32 v37, v24  }
0x139: {  	s29 =	sadd.s32 $0x3, s30;
	v30 =	vor.u32 v3, v19;
	v24 =	vor.u32 v29, v34;
	v19 =	vmul.f32 v35, v28  }
0x13a: {  	v28 =	vmov s29;
	v32 =	vld.idx.msk [tilespmem:v27+s2+$0x0], $0xffff;
	v20 =	vadd.f32 v25, v20;
	v25 =	vunpack.i.l.bf16.f32 v31  }
.Ltmp3:
0x13b: {  	v34 =	vand.u32 $0x7F, v28;
	v27 =	vmov s28;
	v29 =	vadd.f32 v19, v25;
	(pc) =	sbr.rel @p0 .LBB2_8-.Ltmp3, $4  }
0x13c: {  	s26 =	sadd.s32 $0x40, s26;
	v35 =	vand.u32 $0x7E, v27;
	v19 =	vor.u32 v9, v12;
	[tilespmem:v22+s18+$0x0] =	vst.idx.msk $0xffff, v20;
	v20 =	vor.u32 v9, v13  }
0x13d: {  	v25 =	vshll.u32 v27, $0x6;
	v22 =	vor.u32 v8, v16;
	v27 =	vld [tilespmem:s25+$0xFFFFFFE0];
	[tilespmem:v21+s18+$0x0] =	vst.idx.msk $0xffff, v29;
	v21 =	vor.u32 v8, v15  }
0x13e: {  	v12 =	vmovc v15;
	vm0 =	vgt.s32 v26, $0x12BFF;
	v36 =	vadd.s32 $0xFFFF9C00, v26;
	v29 =	vshll.u32 v28, $0x6;
	v15 =	vmovc v34;
	v28 =	vld [tilespmem:s25+$0x0];
	s25 =	smov.u32 s26  }
0x13f: {  	v13 =	vmovc v16;
	v16 =	vmovc v35;
	v26 =	vunpack.i.u.bf16.f32 v31;
	v31 =	vunpack.i.u.bf16.f32 v18;
	vm1 =	vlt.u32 v36, $0x6400;
	v18 =	vld.idx.msk [tilespmem:v33+s13+$0x0], $0xffff  }
0x140: {  	_ = 	snop  }
0x141: {  	v33 =	vadd.s32 $0xFFFF9C00, v32  }
0x142: {  	vm2 =	vgt.s32 v32, $0x12BFF;
	vm0 =	vmxor vm0, vm1;
	vm1 =	vlt.u32 v33, $0x6400  }
0x143: {  	v48 =	vsel vm0, v2, v0;
	vm0 =	vmxor vm2, vm1  }
0x144: {  	v30 =	vld.idx.msk [tilespmem:v30+s13+$0x0], $0xffff;
	v49 =	vand.u32 $0x28, v48;
	v34 =	vsel vm0, v2, v0  }
0x145: {  	v36 =	vld [tilespmem:s26+$0xFFFFFFF0];
	v33 =	vor.u32 v49, v29;
	v35 =	vand.u32 $0x28, v34  }
0x146: {  	v23 =	vld.idx.msk [tilespmem:v23+s13+$0x0], $0xffff;
	v33 =	vor.u32 v3, v33;
	v35 =	vor.u32 v35, v25  }
0x147: {  	v37 =	vld [tilespmem:s26+$0xFFFFFFD0];
	v35 =	vor.u32 v3, v35  }
0x148: {  	v24 =	vld.idx.msk [tilespmem:v24+s13+$0x0], $0xffff;
	s30 =	sadd.s32 $0x40, s26;
	v29 =	vor.u32 v29, v48  }
0x149: {  	v52 =	vld [tilespmem:s30+$0xFFFFFFF0];
	v25 =	vor.u32 v25, v34  }
0x14a: {  	v38 =	vld [tilespmem:s30+$0xFFFFFFD0]  }
0x14b: {  	v39 =	vunpack.i.l.bf16.f32 v18;
	v50 =	vld.idx.msk [tilespmem:v33+s13+$0x0], $0xffff  }
0x14c: {  	v53 =	vunpack.i.l.bf16.f32 v30;
	v36 =	vmul.f32 v36, v39;
	v51 =	vld.idx.msk [tilespmem:v35+s13+$0x0], $0xffff  }
0x14d: {  	v55 =	vunpack.i.l.bf16.f32 v24;
	v29 =	vld.idx.msk [tilespmem:v29+s13+$0x0], $0xffff;
	v35 =	vmul.f32 v37, v53  }
0x14e: {  	v54 =	vunpack.i.l.bf16.f32 v23;
	v36 =	vadd.f32 v36, v55;
	v25 =	vld.idx.msk [tilespmem:v25+s13+$0x0], $0xffff  }
0x14f: {  	v35 =	vadd.f32 v35, v54  }
0x150: {  	v56 =	vor.u32 v8, v16;
	v40 =	vor.u32 v8, v15;
	[tilespmem:v21+s18+$0x0] =	vst.idx.msk $0xffff, v36;
	v58 =	vunpack.i.l.bf16.f32 v50  }
0x151: {  	v17 =	vunpack.i.u.bf16.f32 v17;
	[tilespmem:v22+s18+$0x0] =	vst.idx.msk $0xffff, v35;
	v22 =	vmul.f32 v52, v58;
	v57 =	vunpack.i.l.bf16.f32 v51  }
0x152: {  	v17 =	vmul.f32 v27, v17;
	v27 =	vld [tilespmem:s25+$0x0];
	v60 =	vunpack.i.l.bf16.f32 v29;
	v38 =	vmul.f32 v38, v57  }
0x153: {  	v59 =	vunpack.i.l.bf16.f32 v25;
	v21 =	vld [tilespmem:s25+$0xFFFFFFE0];
	v22 =	vadd.f32 v22, v60  }
0x154: {  	v28 =	vmul.f32 v28, v31;
	v34 =	vadd.f32 v38, v59  }
0x155: {  	v14 =	vunpack.i.u.bf16.f32 v14;
	v13 =	vor.u32 v9, v13;
	[tilespmem:v40+s18+$0x0] =	vst.idx.msk $0xffff, v22  }
0x156: {  	v12 =	vor.u32 v9, v12;
	v18 =	vunpack.i.u.bf16.f32 v18;
	v22 =	vadd.f32 v28, v26;
	v28 =	vld [tilespmem:s30+$0x0];
	[tilespmem:v56+s18+$0x0] =	vst.idx.msk $0xffff, v34  }
0x157: {  	v14 =	vadd.f32 v17, v14;
	v18 =	vmul.f32 v27, v18;
	v26 =	vunpack.i.u.bf16.f32 v30;
	v17 =	vld [tilespmem:s30+$0xFFFFFFE0]  }
0x158: {  	v24 =	vunpack.i.u.bf16.f32 v24;
	v21 =	vmul.f32 v21, v26  }
0x159: {  	v23 =	vunpack.i.u.bf16.f32 v23;
	v18 =	vadd.f32 v18, v24  }
0x15a: {  	[tilespmem:v20+s18+$0x0] =	vst.idx.msk $0xffff, v14;
	v14 =	vor.u32 v9, v15;
	v15 =	vunpack.i.u.bf16.f32 v50;
	v21 =	vadd.f32 v21, v23  }
0x15b: {  	v16 =	vor.u32 v9, v16;
	[tilespmem:v12+s18+$0x0] =	vst.idx.msk $0xffff, v18;
	v23 =	vunpack.i.u.bf16.f32 v51;
	v15 =	vmul.f32 v28, v15  }
0x15c: {  	[tilespmem:v13+s18+$0x0] =	vst.idx.msk $0xffff, v21;
	v13 =	vunpack.i.u.bf16.f32 v29;
	v17 =	vmul.f32 v17, v23  }
0x15d: {  	s31 =	simm.s32 $0x180;
	[tilespmem:v19+s18+$0x0] =	vst.idx.msk $0xffff, v22;
	v19 =	vunpack.i.u.bf16.f32 v25;
	v12 =	vadd.f32 v15, v13  }
0x15e: {  	s26 =	simm.s32 $0x181;
	v17 =	vadd.f32 v17, v19;
	v19 =	vmov s31  }
0x15f: {  	v15 =	vmov s26;
	[tilespmem:v14+s18+$0x0] =	vst.idx.msk $0xffff, v12;
	v13 =	vand.u32 $0xFFFFFFFE, v19  }
0x160: {  	[tilespmem:v16+s18+$0x0] =	vst.idx.msk $0xffff, v17;
	v13 =	vbroadcast v13, $0x0  }
0x161: {  	_ =	swait.ge [sflag:s20], $0x2000  }
0x162: {  	[sflag:s20] =	ssyncset.done $0x0  }
0x163: {  	[sflag:s20] =	ssyncadd.s32 $0xFFFFE000  }
0x164: {  	v12 =	vld.idx.msk [tilespmem:v15+s2+$0x0], $0xffff;
	_ =	sdelay $0x1  }
0x165: {  	v13 =	vld.idx.msk [tilespmem:v13+s2+$0x0], $0xffff  }
0x166: {  	s31 =	simm.s32 $0x183  }
0x167: {  	s26 =	simm.s32 $0x0;
	v14 =	vmov s31  }
0x168: {  	s30 =	simm.s32 $0x182;
	s31 =	simm.s32 $0x1;
	v17 =	vmov s26;
	vm0 =	vgt.s32 v12, $0x12BFF;
	v12 =	vadd.s32 $0xFFFF9C00, v12  }
0x169: {  	v19 =	vmov s31;
	vm1 =	vlt.u32 v12, $0x6400;
	v12 =	vmov s30  }
0x16a: {  	vm2 =	vgt.s32 v13, $0x12BFF;
	v12 =	vand.u32 $0xFFFFFFFE, v12;
	v13 =	vadd.s32 $0xFFFF9C00, v13  }
0x16b: {  	vm0 =	vmxor vm0, vm1;
	v12 =	vbroadcast v12, $0x0;
	vm1 =	vlt.u32 v13, $0x6400  }
0x16c: {  	s31 =	simm.s32 $0x185;
	v17 =	vand.u32 $0x7E, v17;
	v13 =	vsel vm0, v2, v0;
	vm0 =	vmxor vm2, vm1  }
0x16d: {  	v24 =	vmov s31;
	v14 =	vld.idx.msk [tilespmem:v14+s2+$0x0], $0xffff;
	s30 =	simm.s32 $0x2040;
	v15 =	vand.u32 $0x28, v13;
	v16 =	vsel vm0, v2, v0  }
0x16e: {  	s28 =	simm.s32 $0x2000;
	v21 =	vbroadcast v17, $0x0;
	v15 =	vor.u32 s30, v15;
	v18 =	vand.u32 $0x28, v16  }
0x16f: {  	v15 =	vor.u32 v3, v15;
	v18 =	vor.u32 s28, v18  }
0x170: {  	s25 =	simm.s32 $0x2;
	v26 =	vor.u32 v10, v21;
	v21 =	vor.u32 v11, v21;
	v17 =	vor.u32 v3, v18  }
0x171: {  	s29 =	simm.s32 $0x7430;
	v22 =	vor.u32 s30, v13;
	v18 =	vand.u32 $0x7F, v19;
	v19 =	vld.idx.msk [tilespmem:v12+s2+$0x0], $0xffff;
	v12 =	vmov s25  }
0x172: {  	v27 =	vld [tilespmem:s29+$0xFFFFFFF0];
	vm0 =	vgt.s32 v14, $0x12BFF;
	v16 =	vor.u32 s28, v16;
	s28 =	simm.s32 $0x3;
	v12 =	vand.u32 $0x7E, v12  }
0x173: {  	v63 =	vld.idx.msk [tilespmem:v24+s2+$0x0], $0xffff;
	s30 =	simm.s32 $0x184;
	v20 =	vmov s28;
	v18 =	vbroadcast v18, $0x0;
	v13 =	vbroadcast v12, $0x0  }
0x174: {  	v12 =	vand.u32 $0x7F, v20;
	v20 =	vadd.s32 $0xFFFF9C00, v14;
	v29 =	vld.idx.msk [tilespmem:v15+s13+$0x0], $0xffff;
	v15 =	vmov s30  }
0x175: {  	v25 =	vor.u32 v10, v18;
	vm1 =	vlt.u32 v20, $0x6400;
	v15 =	vand.u32 $0xFFFFFFFE, v15;
	v17 =	vld.idx.msk [tilespmem:v17+s13+$0x0], $0xffff  }
0x176: {  	v12 =	vbroadcast v12, $0x0;
	v20 =	vld [tilespmem:s29+$0xFFFFFFD0];
	vm0 =	vmxor vm0, vm1;
	v15 =	vbroadcast v15, $0x0  }
0x177: {  	v14 =	vld.idx.msk [tilespmem:v16+s13+$0x0], $0xffff;
	s30 =	simm.s32 $0x20C0;
	vm2 =	vgt.s32 v19, $0x12BFF;
	v16 =	vsel vm0, v2, v0;
	v19 =	vadd.s32 $0xFFFF9C00, v19  }
0x178: {  	v31 =	vld.idx.msk [tilespmem:v22+s13+$0x0], $0xffff;
	vm0 =	vlt.u32 v19, $0x6400;
	v19 =	vand.u32 $0x28, v16;
	v24 =	vor.u32 s30, v16  }
0x179: {  	vm0 =	vmxor vm2, vm0;
	v19 =	vor.u32 s30, v19;
	v30 =	vunpack.i.l.bf16.f32 v29  }
0x17a: {  	s28 =	simm.s32 $0x2080;
	v22 =	vsel vm0, v2, v0;
	v61 =	vor.u32 v3, v19;
	v19 =	vunpack.i.l.bf16.f32 v17  }
0x17b: {  	v23 =	vor.u32 s28, v22;
	v22 =	vand.u32 $0x28, v22;
	v19 =	vmul.f32 v20, v19  }
0x17c: {  	v62 =	vunpack.i.l.bf16.f32 v14;
	v16 =	vmul.f32 v27, v30;
	v22 =	vor.u32 s28, v22  }
0x17d: {  	s31 =	simm.s32 $0x5;
	s28 =	simm.s32 $0x4;
	v28 =	vor.u32 v3, v22;
	v22 =	vunpack.i.l.bf16.f32 v31;
	v19 =	vadd.f32 v19, v62  }
0x17e: {  	v27 =	vmov s31;
	v30 =	vld.idx.msk [tilespmem:v15+s2+$0x0], $0xffff;
	v20 =	vmov s28;
	v22 =	vadd.f32 v16, v22  }
0x17f: {  	v29 =	vunpack.i.u.bf16.f32 v29;
	v20 =	vand.u32 $0x7E, v20;
	v16 =	vand.u32 $0x7F, v27;
	[tilespmem:v26+s18+$0x0] =	vst.idx.msk $0xffff, v19  }
0x180: {  	vm0 =	vgt.s32 v63, $0x12BFF;
	v15 =	vbroadcast v20, $0x0;
	v16 =	vbroadcast v16, $0x0;
	[tilespmem:v25+s18+$0x0] =	vst.idx.msk $0xffff, v22;
	v26 =	vld [tilespmem:s29+$0xFFFFFFE0]  }
0x181: {  	v20 =	vor.u32 v10, v12;
	v19 =	vor.u32 v11, v18;
	v18 =	vadd.s32 $0xFFFF9C00, v63;
	v27 =	vld [tilespmem:s29+$0x0]  }
0x182: {  	s26 =	simm.s32 $0x7470;
	v22 =	vor.u32 v10, v13;
	v25 =	vunpack.i.u.bf16.f32 v31;
	s29 =	simm.s32 $0x7470;
	vm1 =	vlt.u32 v18, $0x6400;
	v18 =	vld.idx.msk [tilespmem:v61+s13+$0x0], $0xffff  }
.LBB2_10:
0x183: {  	s30 =	sadd.s32 $0x182, s28;
	vm2 =	vgt.s32 v30, $0x12BFF;
	vm0 =	vmxor vm0, vm1;
	v28 =	vld.idx.msk [tilespmem:v28+s13+$0x0], $0xffff;
	v31 =	vunpack.i.u.bf16.f32 v14;
	s31 =	smov.u32 s28;
	s28 =	sadd.s32 $0x2, s28  }
0x184: {  	v17 =	vunpack.i.u.bf16.f32 v17;
	v14 =	vmov s30;
	p0 =	slt.u32 s28, $0x7E;
	v32 =	vsel vm0, v2, v0;
	v33 =	vld [tilespmem:s29+$0xFFFFFFF0]  }
0x185: {  	v30 =	vadd.s32 $0xFFFF9C00, v30;
	s30 =	sadd.s32 $0x183, s31;
	v34 =	vand.u32 $0xFFFFFFFE, v14;
	v14 =	vld.idx.msk [tilespmem:v23+s13+$0x0], $0xffff;
	v17 =	vmul.f32 v26, v17  }
0x186: {  	v26 =	vbroadcast v34, $0x0;
	v34 =	vmov s30;
	s30 =	sshll.u32 s25, $0x6;
	v35 =	vld [tilespmem:s29+$0xFFFFFFD0];
	v23 =	vmul.f32 v27, v29;
	s25 =	smov.u32 s31  }
0x187: {  	vm0 =	vlt.u32 v30, $0x6400;
	v27 =	vand.u32 $0x28, v32;
	s31 =	sadd.s32 $0x20C0, s30;
	v29 =	vld.idx.msk [tilespmem:v24+s13+$0x0], $0xffff;
	v30 =	vadd.f32 v17, v31  }
0x188: {  	vm0 =	vmxor vm2, vm0;
	v24 =	vor.u32 s31, v27;
	v25 =	vadd.f32 v23, v25  }
0x189: {  	s30 =	sadd.s32 $0x2080, s30;
	v27 =	vsel vm0, v2, v0;
	v31 =	vor.u32 v3, v24;
	v24 =	vunpack.i.l.bf16.f32 v28;
	[tilespmem:v21+s18+$0x0] =	vst.idx.msk $0xffff, v30  }
0x18a: {  	v23 =	vor.u32 s30, v27;
	v21 =	vand.u32 $0x28, v27;
	v27 =	vunpack.i.l.bf16.f32 v18;
	v17 =	vmovc v28;
	[tilespmem:v19+s18+$0x0] =	vst.idx.msk $0xffff, v25  }
0x18b: {  	v19 =	vor.u32 s30, v21;
	v21 =	vunpack.i.l.bf16.f32 v14;
	v25 =	vld.idx.msk [tilespmem:v34+s2+$0x0], $0xffff;
	v34 =	vmul.f32 v35, v24  }
0x18c: {  	v28 =	vor.u32 v3, v19;
	v24 =	vor.u32 s31, v32;
	v19 =	vmul.f32 v33, v27  }
0x18d: {  	s30 =	sadd.s32 $0x3, s25;
	v27 =	vunpack.i.l.bf16.f32 v29;
	v30 =	vld.idx.msk [tilespmem:v26+s2+$0x0], $0xffff;
	v26 =	vmov s28;
	v21 =	vadd.f32 v34, v21  }
.Ltmp4:
0x18e: {  	v32 =	vmov s30;
	v27 =	vadd.f32 v19, v27;
	v26 =	vand.u32 $0x7E, v26;
	(pc) =	sbr.rel @p0 .LBB2_10-.Ltmp4, $4  }
0x18f: {  	s29 =	sadd.s32 $0x40, s29;
	v19 =	vor.u32 v11, v12;
	v12 =	vmovc v16;
	v33 =	vbroadcast v26, $0x0;
	v26 =	vand.u32 $0x7F, v32;
	[tilespmem:v22+s18+$0x0] =	vst.idx.msk $0xffff, v21  }
0x190: {  	v21 =	vor.u32 v11, v13;
	v16 =	vbroadcast v26, $0x0;
	v26 =	vld [tilespmem:s26+$0xFFFFFFE0];
	[tilespmem:v20+s18+$0x0] =	vst.idx.msk $0xffff, v27;
	v20 =	vor.u32 v10, v12  }
0x191: {  	v22 =	vor.u32 v10, v15;
	v13 =	vmovc v15;
	vm0 =	vgt.s32 v25, $0x12BFF;
	v25 =	vadd.s32 $0xFFFF9C00, v25;
	v27 =	vld [tilespmem:s26+$0x0];
	v15 =	vmovc v33;
	s26 =	smov.u32 s29  }
0x192: {  	vm1 =	vlt.u32 v25, $0x6400;
	v25 =	vunpack.i.u.bf16.f32 v29;
	v29 =	vunpack.i.u.bf16.f32 v18;
	v18 =	vld.idx.msk [tilespmem:v31+s13+$0x0], $0xffff  }
0x193: {  	_ = 	snop  }
0x194: {  	v31 =	vadd.s32 $0xFFFF9C00, v30  }
0x195: {  	vm2 =	vgt.s32 v30, $0x12BFF;
	vm0 =	vmxor vm0, vm1;
	vm14 =	vlt.u32 v31, $0x6400  }
0x196: {  	s25 =	sshll.u32 s25, $0x6;
	v59 =	vsel vm0, v2, v0;
	vm15 =	vmxor vm2, vm14  }
0x197: {  	v28 =	vld.idx.msk [tilespmem:v28+s13+$0x0], $0xffff;
	s28 =	sadd.s32 $0x20C0, s25;
	v60 =	vand.u32 $0x28, v59;
	v32 =	vsel vm15, v2, v0  }
0x198: {  	v34 =	vld [tilespmem:s29+$0xFFFFFFF0];
	s25 =	sadd.s32 $0x2080, s25;
	v31 =	vor.u32 s28, v60;
	v33 =	vand.u32 $0x28, v32  }
0x199: {  	v23 =	vld.idx.msk [tilespmem:v23+s13+$0x0], $0xffff;
	v31 =	vor.u32 v3, v31;
	v33 =	vor.u32 s25, v33  }
0x19a: {  	v35 =	vld [tilespmem:s29+$0xFFFFFFD0];
	v33 =	vor.u32 v3, v33  }
0x19b: {  	v24 =	vld.idx.msk [tilespmem:v24+s13+$0x0], $0xffff;
	s31 =	sadd.s32 $0x40, s29;
	v30 =	vor.u32 s28, v59  }
0x19c: {  	v36 =	vld [tilespmem:s31+$0xFFFFFFF0];
	v32 =	vor.u32 s25, v32  }
0x19d: {  	v38 =	vld [tilespmem:s31+$0xFFFFFFD0]  }
0x19e: {  	v31 =	vld.idx.msk [tilespmem:v31+s13+$0x0], $0xffff  }
0x19f: {  	v33 =	vld.idx.msk [tilespmem:v33+s13+$0x0], $0xffff  }
0x1a0: {  	v39 =	vunpack.i.l.bf16.f32 v18;
	v30 =	vld.idx.msk [tilespmem:v30+s13+$0x0], $0xffff  }
0x1a1: {  	v63 =	vor.u32 v10, v15;
	v37 =	vunpack.i.l.bf16.f32 v28;
	v34 =	vmul.f32 v34, v39;
	v32 =	vld.idx.msk [tilespmem:v32+s13+$0x0], $0xffff  }
0x1a2: {  	v40 =	vor.u32 v10, v16;
	v62 =	vunpack.i.l.bf16.f32 v24;
	v35 =	vmul.f32 v35, v37  }
0x1a3: {  	v61 =	vunpack.i.l.bf16.f32 v23;
	v34 =	vadd.f32 v34, v62;
	v45 =	vunpack.i.l.bf16.f32 v31  }
0x1a4: {  	v35 =	vadd.f32 v35, v61;
	v46 =	vmul.f32 v36, v45;
	v44 =	vunpack.i.l.bf16.f32 v33  }
0x1a5: {  	[tilespmem:v20+s18+$0x0] =	vst.idx.msk $0xffff, v34;
	v50 =	vunpack.i.l.bf16.f32 v30;
	v38 =	vmul.f32 v38, v44  }
0x1a6: {  	[tilespmem:v22+s18+$0x0] =	vst.idx.msk $0xffff, v35;
	v47 =	vunpack.i.l.bf16.f32 v32;
	v22 =	vadd.f32 v46, v50  }
0x1a7: {  	v51 =	vld [tilespmem:s26+$0x0];
	v49 =	vadd.f32 v38, v47  }
0x1a8: {  	v17 =	vunpack.i.u.bf16.f32 v17;
	v12 =	vor.u32 v11, v12;
	v48 =	vld [tilespmem:s26+$0xFFFFFFE0];
	[tilespmem:v40+s18+$0x0] =	vst.idx.msk $0xffff, v22  }
0x1a9: {  	v14 =	vunpack.i.u.bf16.f32 v14;
	v17 =	vmul.f32 v26, v17;
	v27 =	vmul.f32 v27, v29;
	v55 =	vld [tilespmem:s31+$0x0];
	[tilespmem:v63+s18+$0x0] =	vst.idx.msk $0xffff, v49  }
0x1aa: {  	v13 =	vor.u32 v11, v13;
	v57 =	vor.u32 v11, v15;
	v59 =	vor.u32 v11, v16;
	v52 =	vld [tilespmem:s31+$0xFFFFFFE0]  }
0x1ab: {  	v14 =	vadd.f32 v17, v14;
	v56 =	vunpack.i.u.bf16.f32 v18;
	v53 =	vadd.f32 v27, v25  }
0x1ac: {  	v54 =	vunpack.i.u.bf16.f32 v28;
	v24 =	vunpack.i.u.bf16.f32 v24;
	v18 =	vmul.f32 v51, v56  }
0x1ad: {  	v23 =	vunpack.i.u.bf16.f32 v23;
	v60 =	vunpack.i.u.bf16.f32 v31;
	v20 =	vmul.f32 v48, v54  }
0x1ae: {  	[tilespmem:v21+s18+$0x0] =	vst.idx.msk $0xffff, v14;
	v58 =	vunpack.i.u.bf16.f32 v33;
	v18 =	vadd.f32 v18, v24;
	v16 =	vmul.f32 v55, v60  }
0x1af: {  	[tilespmem:v19+s18+$0x0] =	vst.idx.msk $0xffff, v53;
	v62 =	vunpack.i.u.bf16.f32 v30;
	v20 =	vadd.f32 v20, v23;
	v17 =	vmul.f32 v52, v58  }
0x1b0: {  	v61 =	vunpack.i.u.bf16.f32 v32;
	[tilespmem:v12+s18+$0x0] =	vst.idx.msk $0xffff, v18;
	v63 =	vadd.f32 v16, v62  }
0x1b1: {  	s24 =	sadd.s32 $0x1, s24;
	[tilespmem:v13+s18+$0x0] =	vst.idx.msk $0xffff, v20;
	v17 =	vadd.f32 v17, v61  }
0x1b2: {  	p0 =	sne.s32 s24, s7;
	[tilespmem:v59+s18+$0x0] =	vst.idx.msk $0xffff, v63  }
.Ltmp5:
0x1b3: {  	[tilespmem:v57+s18+$0x0] =	vst.idx.msk $0xffff, v17;
	(pc) =	sbr.rel @p0 .LBB2_1-.Ltmp5, $4  }
0x1b4: {  	[hbm4b:s6+s22] =	stream.strided.scatter [tilespmem:s18], [sflag:$0x4], $0x4000, s23, s22, $0x38;
	[tilespmem:$0xC400] =	vst v63  }
0x1b5: {  	_ =	swait.ge [sflag:s8], $0x4000  }
0x1b6: {  	[sflag:s8] =	ssyncset.done $0x0  }
0x1b7: {  	[sflag:s8] =	ssyncadd.s32 $0xFFFFC000  }
0x1b8: {  	_ =	sfence.sel $0x180000  }
0x1b9: {  	[bflag:$0x0] =	sbarrier.arrive $0xFFFF  }
0x1ba: {  	p0 =	sne.s32 s0, $0x0;
	_ =	strace $0x90000047  }
0x1bb: {  	s0 =	sadd.s32 @!p0 $0x100000, s1;
	[bflag:$0x2] =	sbarrier.arrive $0xFFFF  }
0x1bc: {  	[sflag:s0] =	ssyncadd.tile.s32 @!p0 $0x1;
	_ =	shalt  }
.Lfunc_end2:
_tile_overlayer_lowered:
.L_overlay_start_2:
0x1bd: {  	(tag) =	ssettag $0x2  }
0x1be: {  	s0 =	rddreg [dreg:$0x0];
	s2 =	stileid.u32  }
0x1bf: {  	s1 =	rddreg [dreg:$0x1];
	p0 =	sne.s32 s2, $0x0  }
0x1c0: {  	s3 =	rddreg [dreg:$0x2];
	[bflag:$0x3] =	sbarrier.arrive $0xFFFF;
	s2 =	simm.s32 @!p0 $0x1C04  }
0x1c1: {  	[timem:s3], [sflag:s2] =	dma.local @!p0 [hbm:s0], s1  }
0x1c2: {  	s0 =	simm.s32 @!p0 $0x4  }
0x1c3: {  	_ =	swait.ge @!p0 [sflag:s0], s1  }
0x1c4: {  	s1 =	ssub.s32 @!p0 $0x0, s1;
	[sflag:s0] =	ssyncset.done @!p0 $0x0  }
0x1c5: {  	[sflag:s0] =	ssyncadd.s32 @!p0 s1  }
0x1c6: {  	[bflag:$0x3] =	sbarrier.arrive $0xFFFF  }
0x1c7: {  	_ =	shalt  }

</sc_bundles>
